<compile_context>
chip_gen: v7x
topology: tpu7x:2x2x1
jax: 0.10.2.dev20260603
libtpu: 0.0.44.dev20260713+nightly
codegen_flags: <defaults>
</compile_context>

<pallas_src>
import functools

import jax
import jax.numpy as jnp
from jax import lax
from jax.experimental import pallas as pl
from jax.experimental.pallas import tpu as pltpu
from jax.experimental.pallas import tpu_sc as plsc

_N = 10000
_NPAD = 10240
_E = 320000
_D = 128
_NC = 2
_NS = 16
_NW = _NC * _NS
_EPW = 10112
_EPAD = _EPW * _NW
_G = 16
_NG = _EPW // _G
_NB = 8
_NSS = 2
_NTURN = _NG // _NB
_CH = _NPAD // _NS
_NAGG = 10112
_CHA = _NAGG // _NS
_PB = 512



def _pre_body(x_ref, w_ref, b_ref, wm_ref, bm_ref, wa_ref,
              h_ref, g_ref, es1_ref, es2_ref):
    x = x_ref[...]
    h_raw = lax.dot_general(x, w_ref[...], (((1,), (1,)), ((), ())),
                            preferred_element_type=jnp.float32) + b_ref[...]
    nrm = jnp.sqrt(jnp.sum(h_raw * h_raw, axis=1, keepdims=True))
    h_dir = h_raw / jnp.maximum(nrm, 1e-12)
    mag_lin = jnp.sum(x * wm_ref[...], axis=1, keepdims=True) + bm_ref[...]
    mag = jax.nn.sigmoid(mag_lin) * 1.5
    h = h_dir * mag
    h_ref[...] = h
    wa = wa_ref[...]
    es1 = jnp.exp(jnp.sum(h * wa[0:1, :], axis=1, keepdims=True))
    es1_ref[...] = es1
    es2_ref[...] = jnp.exp(jnp.sum(h * wa[1:2, :], axis=1, keepdims=True))
    g_ref[...] = h * es1


_pre_call = pl.pallas_call(
    _pre_body,
    grid=(_NPAD // _PB,),
    in_specs=[
        pl.BlockSpec((_PB, _D), lambda i: (i, 0)),
        pl.BlockSpec((_D, _D), lambda i: (0, 0)),
        pl.BlockSpec((1, _D), lambda i: (0, 0)),
        pl.BlockSpec((1, _D), lambda i: (0, 0)),
        pl.BlockSpec((1, 1), lambda i: (0, 0)),
        pl.BlockSpec((2, _D), lambda i: (0, 0)),
    ],
    out_specs=[
        pl.BlockSpec((_PB, _D), lambda i: (i, 0)),
        pl.BlockSpec((_PB, _D), lambda i: (i, 0)),
        pl.BlockSpec((_PB, 1), lambda i: (i, 0)),
        pl.BlockSpec((_PB, 1), lambda i: (i, 0)),
    ],
    out_shape=[
        jax.ShapeDtypeStruct((_NPAD, _D), jnp.float32),
        jax.ShapeDtypeStruct((_NPAD, _D), jnp.float32),
        jax.ShapeDtypeStruct((_NPAD, 1), jnp.float32),
        jax.ShapeDtypeStruct((_NPAD, 1), jnp.float32),
    ],
)



def _post_body(h_ref, a0_ref, a1_ref, es2_ref, s10_ref, s11_ref, o_ref):
    es2 = es2_ref[...]
    f = es2 / (es2 * (s10_ref[...] + s11_ref[...]) + 1e-10)
    hc = h_ref[...] + f * (a0_ref[...] + a1_ref[...])
    un = jnp.sqrt(jnp.sum(hc * hc, axis=1, keepdims=True))
    unc = jnp.maximum(un, 1e-15)
    hp = jnp.tanh(unc) * hc / unc
    nn = jnp.sqrt(jnp.sum(hp * hp, axis=1, keepdims=True))
    o_ref[...] = jnp.where(nn > 0.95, hp * (0.95 / (nn + 1e-8)), hp)


_post_call = pl.pallas_call(
    _post_body,
    grid=(_NPAD // _PB,),
    in_specs=[pl.BlockSpec((_PB, _D), lambda i: (i, 0))] * 3
    + [pl.BlockSpec((_PB, 1), lambda i: (i, 0))] * 3,
    out_specs=pl.BlockSpec((_PB, _D), lambda i: (i, 0)),
    out_shape=jax.ShapeDtypeStruct((_NPAD, _D), jnp.float32),
)



_mesh = plsc.VectorSubcoreMesh(core_axis_name="c", subcore_axis_name="s")


@functools.partial(
    pl.kernel,
    out_type=jax.ShapeDtypeStruct((_NC, _NPAD), jnp.float32),
    mesh=_mesh,
    compiler_params=pltpu.CompilerParams(needs_layout_passes=False),
    scratch_types=[
        pltpu.VMEM((_NPAD,), jnp.float32),
        pltpu.VMEM((_EPW,), jnp.int32),
        pltpu.VMEM((_EPW,), jnp.int32),
        pltpu.VMEM((_NPAD,), jnp.float32),
        pltpu.VMEM((_NS, _CH), jnp.float32),
        pltpu.VMEM_SHARED((_NS, _NPAD), jnp.float32),
    ],
)
def _edge_phase_a(src_h, tgt_h, es1_h, sump_h,
                  es1_v, src_v, tgt_v, sum_v, red_v, shared):
    c = lax.axis_index("c")
    s = lax.axis_index("s")
    wid = s * _NC + c
    base = wid * _EPW
    pltpu.sync_copy(es1_h, es1_v)
    pltpu.sync_copy(src_h.at[pl.ds(base, _EPW)], src_v)
    pltpu.sync_copy(tgt_h.at[pl.ds(base, _EPW)], tgt_v)

    zv = jnp.zeros((16,), jnp.float32)

    def _zero(i, carry):
        sum_v[pl.ds(i * 16, 16)] = zv
        return carry

    lax.fori_loop(0, _NPAD // 16, _zero, 0)

    def _edges(i, carry):
        o = i * 16
        si = src_v[pl.ds(o, 16)]
        ti = tgt_v[pl.ds(o, 16)]
        plsc.addupdate_scatter(sum_v, [ti], plsc.load_gather(es1_v, [si]))
        return carry

    lax.fori_loop(0, _EPW // 16, _edges, 0)

    pltpu.sync_copy(sum_v, shared.at[s])
    plsc.subcore_barrier()

    ch = s * _CH
    pltpu.sync_copy(shared.at[:, pl.ds(ch, _CH)], red_v)

    def _reduce(j, carry):
        acc = red_v[0, pl.ds(j * 16, 16)]
        for k in range(1, _NS):
            acc = acc + red_v[k, pl.ds(j * 16, 16)]
        sum_v[pl.ds(j * 16, 16)] = acc
        return carry

    lax.fori_loop(0, _CH // 16, _reduce, 0)
    pltpu.sync_copy(sum_v.at[pl.ds(0, _CH)], sump_h.at[c, pl.ds(ch, _CH)])




@functools.partial(
    pl.kernel,
    out_type=jax.ShapeDtypeStruct((_NC, _NAGG, _D), jnp.float32),
    mesh=_mesh,
    compiler_params=pltpu.CompilerParams(needs_layout_passes=False),
    scratch_types=[
        pltpu.VMEM((_EPW,), jnp.int32),
        pltpu.VMEM((_EPW,), jnp.int32),
    ]
    + [pltpu.VMEM((_G, _D), jnp.float32)] * _NB
    + [pltpu.VMEM_SHARED((_NAGG, _D), jnp.float32)]
    + [pltpu.SemaphoreType.DMA] * (_NB + _NSS),
)
def _edge_phase_b(src_h, tgt_h, g_hbm, aggp_h,
                  src_v, tgt_v, *rest):
    bufs = rest[:_NB]
    agg_s = rest[_NB]
    sems = rest[_NB + 1:]
    gsem = sems[:_NB]
    ssem = sems[_NB:]
    c = lax.axis_index("c")
    s = lax.axis_index("s")
    wid = s * _NC + c
    base = wid * _EPW
    pltpu.sync_copy(src_h.at[pl.ds(base, _EPW)], src_v)
    pltpu.sync_copy(tgt_h.at[pl.ds(base, _EPW)], tgt_v)

    zv = jnp.zeros((16,), jnp.float32)
    for r in (6, 7):
        for j in range(_G):
            for k in range(_D // 16):
                bufs[r][j, pl.ds(k * 16, 16)] = zv

    rbase = s * _CHA
    _ZF = _CHA // _G
    _ZR = _CHA - _ZF * _G

    def _zero(k, carry):
        pltpu.sync_copy(bufs[6], agg_s.at[pl.ds(rbase + k * _G, _G), :])
        return carry

    lax.fori_loop(0, _ZF, _zero, 0)
    pltpu.sync_copy(bufs[6].at[pl.ds(0, _ZR), :],
                    agg_s.at[pl.ds(rbase + _ZF * _G, _ZR), :])
    plsc.subcore_barrier()

    dummy = jnp.full((16,), _N, jnp.int32)
    for r in range(6):
        si = src_v[pl.ds(r * _G, _G)]
        pltpu.async_copy(g_hbm.at[si], bufs[r], gsem[r])
    for q in range(_NSS):
        pltpu.async_copy(bufs[6 + q], agg_s.at[dummy], ssem[q], add=True)

    def _ring_turns(k8, carry):
        for t in range(_NB):
            g = k8 * _NB + t
            o = g * _G
            siw = src_v[pl.ds(o, _G)]
            pltpu.make_async_copy(g_hbm.at[siw], bufs[t], gsem[t]).wait()
            pltpu.make_async_copy(bufs[t], agg_s.at[dummy],
                                  ssem[t % _NSS]).wait()
            ti = tgt_v[pl.ds(o, _G)]
            pltpu.async_copy(bufs[t], agg_s.at[ti], ssem[t % _NSS],
                             add=True)

            @pl.when(g + 6 < _NG)
            def _next_gather():
                si = src_v[pl.ds(o + 6 * _G, _G)]
                nb = (t + 6) % _NB
                pltpu.async_copy(g_hbm.at[si], bufs[nb], gsem[nb])
        return carry

    lax.fori_loop(0, _NTURN, _ring_turns, 0)

    for q in range(_NSS):
        pltpu.make_async_copy(bufs[q], agg_s.at[dummy], ssem[q]).wait()
    plsc.subcore_barrier()

    def _out(k, carry):
        r = rbase + k * _G
        pltpu.sync_copy(agg_s.at[pl.ds(r, _G), :], bufs[0])
        pltpu.sync_copy(bufs[0], aggp_h.at[c, pl.ds(r, _G), :])
        return carry

    lax.fori_loop(0, _ZF, _out, 0)
    r_tail = rbase + _ZF * _G
    pltpu.sync_copy(agg_s.at[pl.ds(r_tail, _ZR), :],
                    bufs[0].at[pl.ds(0, _ZR), :])
    pltpu.sync_copy(bufs[0].at[pl.ds(0, _ZR), :],
                    aggp_h.at[c, pl.ds(r_tail, _ZR), :])



def kernel(x, edge_index, W, b, Wm, bm, Wa):
    x_p = jnp.pad(x, ((0, _NPAD - _N), (0, 0)))
    h, g, es1c, es2c = _pre_call(x_p, W, b.reshape(1, _D), Wm,
                                 bm.reshape(1, 1), Wa.reshape(2, _D))
    pad_e = _EPAD - _E
    src = jnp.concatenate([edge_index[0], jnp.zeros((pad_e,), jnp.int32)])
    tgt = jnp.concatenate([edge_index[1], jnp.full((pad_e,), _N, jnp.int32)])
    es1 = es1c.reshape(_NPAD)
    sump = _edge_phase_a(src, tgt, es1)
    aggp = _edge_phase_b(src, tgt, g)
    agg0 = jnp.pad(aggp[0], ((0, _NPAD - _NAGG), (0, 0)))
    agg1 = jnp.pad(aggp[1], ((0, _NPAD - _NAGG), (0, 0)))
    s10 = sump[0].reshape(_NPAD, 1)
    s11 = sump[1].reshape(_NPAD, 1)
    out = _post_call(h, agg0, agg1, es2c, s10, s11)
    return out[:_N]

# --- scband reference (transcript-rebuilt; emitter-appended) ---
"""Pipeline reference for scband-hyperbolic-gcnlayer-70360154243497 (READ-ONLY COPY).

The authoritative reference and input builder live on the scoring server;
editing this copy changes nothing except your own understanding.
"""

import jax, jax.numpy as jnp
import numpy as np

N = 10000
E = 320000
D_IN = 128
D_OUT = 128


def setup_inputs(seed: int = 0) -> dict:
    key = jax.random.key(seed)
    ks = jax.random.split(key, 8)
    x = jax.random.normal(ks[0], (N, D_IN), dtype=jnp.float32)
    edge_index = jax.random.randint(ks[1], (2, E), 0, N, dtype=jnp.int32)
    W = jax.random.normal(ks[2], (D_OUT, D_IN), dtype=jnp.float32) * (1.0 / np.sqrt(D_IN))
    b = jnp.zeros((D_OUT,), dtype=jnp.float32)
    Wm = jax.random.normal(ks[3], (1, D_IN), dtype=jnp.float32) * 0.01
    bm = jnp.zeros((1,), dtype=jnp.float32)
    Wa = jax.random.normal(ks[4], (1, 2 * D_OUT), dtype=jnp.float32) * (1.0 / np.sqrt(2 * D_OUT))
    return {"x": x, "edge_index": edge_index, "W": W, "b": b, "Wm": Wm, "bm": bm, "Wa": Wa}


def _scatter_softmax(scores, index, num_nodes):
    max_vals = jnp.full((num_nodes,), -1000000000.0, dtype=scores.dtype).at[index].max(scores)
    exp_scores = jnp.exp(scores - max_vals[index])
    sum_exp = jnp.zeros((num_nodes,), dtype=scores.dtype).at[index].add(exp_scores)
    return exp_scores / (sum_exp[index] + 1e-10)


def reference(x, edge_index, W, b, Wm, bm, Wa):
    n = x.shape[0]
    # linear transform in tangent space
    h_raw = x @ W.T + b
    # F.normalize(dim=-1): divide by max(norm, eps)
    norm = jnp.linalg.norm(h_raw, axis=-1, keepdims=True)
    h_dir = h_raw / jnp.maximum(norm, 1e-12)
    h_mag = jax.nn.sigmoid(x @ Wm.T + bm) * 1.5
    h = h_dir * h_mag
    src = edge_index[0]
    tgt = edge_index[1]
    h_src = h[src]
    h_tgt = h[tgt]
    attn_input = jnp.concatenate([h_src, h_tgt], axis=1)
    attn_scores = (attn_input @ Wa.T)[:, 0]
    attn_weights = _scatter_softmax(attn_scores, tgt, n)
    weighted_msgs = h_src * attn_weights[:, None]
    agg = jnp.zeros((n, h.shape[1]), dtype=x.dtype).at[tgt].add(weighted_msgs)
    h_combined = h + agg
    # Poincare ball expmap0 with curvature c=1: tanh(||u||) * u / ||u||
    u_norm = jnp.linalg.norm(h_combined, axis=-1, keepdims=True)
    u_norm_c = jnp.maximum(u_norm, 1e-15)
    h_poincare = jnp.tanh(u_norm_c) * h_combined / u_norm_c
    norms = jnp.linalg.norm(h_poincare, axis=1, keepdims=True)
    max_norm = 0.95
    clamped = jnp.where(norms > max_norm, h_poincare * (max_norm / (norms + 1e-08)), h_poincare)
    return clamped

if __name__ == "__main__":
    import jax
    _d = setup_inputs()
    print(jax.jit(kernel)(*tuple(_d.values())))

</pallas_src>

<mosaic_0001>
#map = affine_map<(d0, d1) -> (0)>
#map1 = affine_map<(d0, d1) -> (0, 0)>
#map2 = affine_map<(d0, d1) -> (0, 0, 0)>
module attributes {stable_mosaic.version = 14 : i64} {
  func.func @_edge_phase_b(%arg0: i32, %arg1: i32, %arg2: memref<323584xi32, #tpu.memory_space<hbm>>, %arg3: memref<323584xi32, #tpu.memory_space<hbm>>, %arg4: memref<10240x128xf32, #tpu.memory_space<hbm>>, %arg5: memref<2x10112x128xf32, #tpu.memory_space<hbm>>, %arg6: memref<10112xi32, #tpu.memory_space<vmem>>, %arg7: memref<10112xi32, #tpu.memory_space<vmem>>, %arg8: memref<16x128xf32, #tpu.memory_space<vmem>>, %arg9: memref<16x128xf32, #tpu.memory_space<vmem>>, %arg10: memref<16x128xf32, #tpu.memory_space<vmem>>, %arg11: memref<16x128xf32, #tpu.memory_space<vmem>>, %arg12: memref<16x128xf32, #tpu.memory_space<vmem>>, %arg13: memref<16x128xf32, #tpu.memory_space<vmem>>, %arg14: memref<16x128xf32, #tpu.memory_space<vmem>>, %arg15: memref<16x128xf32, #tpu.memory_space<vmem>>, %arg16: memref<10112x128xf32, #tpu.memory_space<vmem_shared>>, %arg17: memref<!tpu.dma_semaphore, #tpu.memory_space<semaphore_mem>>, %arg18: memref<!tpu.dma_semaphore, #tpu.memory_space<semaphore_mem>>, %arg19: memref<!tpu.dma_semaphore, #tpu.memory_space<semaphore_mem>>, %arg20: memref<!tpu.dma_semaphore, #tpu.memory_space<semaphore_mem>>, %arg21: memref<!tpu.dma_semaphore, #tpu.memory_space<semaphore_mem>>, %arg22: memref<!tpu.dma_semaphore, #tpu.memory_space<semaphore_mem>>, %arg23: memref<!tpu.dma_semaphore, #tpu.memory_space<semaphore_mem>>, %arg24: memref<!tpu.dma_semaphore, #tpu.memory_space<semaphore_mem>>, %arg25: memref<!tpu.dma_semaphore, #tpu.memory_space<semaphore_mem>>, %arg26: memref<!tpu.dma_semaphore, #tpu.memory_space<semaphore_mem>>) attributes {dimension_semantics = [#tpu.dimension_semantics<core_parallel>, #tpu.dimension_semantics<subcore_parallel>], iteration_bounds = array<i64: 2, 16>, scalar_prefetch = 0 : i64, scratch_operands = 21 : i64, tpu.core_type = #tpu.core_type<sc_vector_subcore>, window_params = [{transform_indices = #map}, {transform_indices = #map}, {transform_indices = #map1}, {transform_indices = #map2}]} {
    %mul3A = arith.constant 2 : i32
    %mul3A_0 = arith.muli %arg1, %mul3A : i32
    %add3A = arith.addi %mul3A_0, %arg0 : i32
    %mul3A_1 = arith.constant 10112 : i32
    %mul3A_2 = arith.muli %add3A, %mul3A_1 : i32
    "tpu.region"() ({
      %run_scoped3A = tpu.sem_alloc : memref<!tpu.dma_semaphore, #tpu.memory_space<semaphore_mem>>
      %dma_start3A_1092 = tpu.memref_slice %arg2[%mul3A_2] : memref<323584xi32, #tpu.memory_space<hbm>> -> memref<10112xi32, #tpu.memory_space<hbm>>
      %dma_start3A_1093 = tpu.memref_slice %arg2[%mul3A_2] : memref<323584xi32, #tpu.memory_space<hbm>> -> memref<10112xi32, #tpu.memory_space<hbm>>
      tpu.enqueue_dma source(%dma_start3A_1093 : memref<10112xi32, #tpu.memory_space<hbm>>) target(%arg6 : memref<10112xi32, #tpu.memory_space<vmem>>) target_semaphore(%run_scoped3A : memref<!tpu.dma_semaphore, #tpu.memory_space<semaphore_mem>>)
      %dma_wait3A_1094 = tpu.memref_slice %arg2[%mul3A_2] : memref<323584xi32, #tpu.memory_space<hbm>> -> memref<10112xi32, #tpu.memory_space<hbm>>
      %dma_wait3A_1095 = tpu.memref_slice %arg2[%mul3A_2] : memref<323584xi32, #tpu.memory_space<hbm>> -> memref<10112xi32, #tpu.memory_space<hbm>>
      tpu.wait_dma2 semaphore(%run_scoped3A : memref<!tpu.dma_semaphore, #tpu.memory_space<semaphore_mem>>) src(%dma_wait3A_1095 : memref<10112xi32, #tpu.memory_space<hbm>>) dst(%arg6 : memref<10112xi32, #tpu.memory_space<vmem>>)
      tpu.yield
    }) : () -> ()
    "tpu.region"() ({
      %run_scoped3A = tpu.sem_alloc : memref<!tpu.dma_semaphore, #tpu.memory_space<semaphore_mem>>
      %dma_start3A_1092 = tpu.memref_slice %arg3[%mul3A_2] : memref<323584xi32, #tpu.memory_space<hbm>> -> memref<10112xi32, #tpu.memory_space<hbm>>
      %dma_start3A_1093 = tpu.memref_slice %arg3[%mul3A_2] : memref<323584xi32, #tpu.memory_space<hbm>> -> memref<10112xi32, #tpu.memory_space<hbm>>
      tpu.enqueue_dma source(%dma_start3A_1093 : memref<10112xi32, #tpu.memory_space<hbm>>) target(%arg7 : memref<10112xi32, #tpu.memory_space<vmem>>) target_semaphore(%run_scoped3A : memref<!tpu.dma_semaphore, #tpu.memory_space<semaphore_mem>>)
      %dma_wait3A_1094 = tpu.memref_slice %arg3[%mul3A_2] : memref<323584xi32, #tpu.memory_space<hbm>> -> memref<10112xi32, #tpu.memory_space<hbm>>
      %dma_wait3A_1095 = tpu.memref_slice %arg3[%mul3A_2] : memref<323584xi32, #tpu.memory_space<hbm>> -> memref<10112xi32, #tpu.memory_space<hbm>>
      tpu.wait_dma2 semaphore(%run_scoped3A : memref<!tpu.dma_semaphore, #tpu.memory_space<semaphore_mem>>) src(%dma_wait3A_1095 : memref<10112xi32, #tpu.memory_space<hbm>>) dst(%arg7 : memref<10112xi32, #tpu.memory_space<vmem>>)
      tpu.yield
    }) : () -> ()
    %broadcast_in_dim3A = arith.constant 0.000000e+00 : f32
    %broadcast_in_dim3A_3 = vector.broadcast %broadcast_in_dim3A : f32 to vector<16xf32>
    %swap3A = arith.constant 0 : i32
    %swap3A_4 = arith.index_cast %swap3A : i32 to index
    %swap3A_5 = arith.constant 0 : index
    %swap3A_6 = tpu.vector_load %arg14[%swap3A_4, %swap3A_5] {strides = array<i32>} : memref<16x128xf32, #tpu.memory_space<vmem>>, vector<16xf32>,
    tpu.vector_store %arg14[%swap3A_4, %swap3A_5], %broadcast_in_dim3A_3 {strides = array<i32>} : memref<16x128xf32, #tpu.memory_space<vmem>>, vector<16xf32>,
    %swap3A_7 = arith.constant 0 : i32
    %swap3A_8 = arith.index_cast %swap3A_7 : i32 to index
    %swap3A_9 = arith.constant 16 : index
    %swap3A_10 = tpu.vector_load %arg14[%swap3A_8, %swap3A_9] {strides = array<i32>} : memref<16x128xf32, #tpu.memory_space<vmem>>, vector<16xf32>,
    tpu.vector_store %arg14[%swap3A_8, %swap3A_9], %broadcast_in_dim3A_3 {strides = array<i32>} : memref<16x128xf32, #tpu.memory_space<vmem>>, vector<16xf32>,
    %swap3A_11 = arith.constant 0 : i32
    %swap3A_12 = arith.index_cast %swap3A_11 : i32 to index
    %swap3A_13 = arith.constant 32 : index
    %swap3A_14 = tpu.vector_load %arg14[%swap3A_12, %swap3A_13] {strides = array<i32>} : memref<16x128xf32, #tpu.memory_space<vmem>>, vector<16xf32>,
    tpu.vector_store %arg14[%swap3A_12, %swap3A_13], %broadcast_in_dim3A_3 {strides = array<i32>} : memref<16x128xf32, #tpu.memory_space<vmem>>, vector<16xf32>,
    %swap3A_15 = arith.constant 0 : i32
    %swap3A_16 = arith.index_cast %swap3A_15 : i32 to index
    %swap3A_17 = arith.constant 48 : index
    %swap3A_18 = tpu.vector_load %arg14[%swap3A_16, %swap3A_17] {strides = array<i32>} : memref<16x128xf32, #tpu.memory_space<vmem>>, vector<16xf32>,
    tpu.vector_store %arg14[%swap3A_16, %swap3A_17], %broadcast_in_dim3A_3 {strides = array<i32>} : memref<16x128xf32, #tpu.memory_space<vmem>>, vector<16xf32>,
    %swap3A_19 = arith.constant 0 : i32
    %swap3A_20 = arith.index_cast %swap3A_19 : i32 to index
    %swap3A_21 = arith.constant 64 : index
    %swap3A_22 = tpu.vector_load %arg14[%swap3A_20, %swap3A_21] {strides = array<i32>} : memref<16x128xf32, #tpu.memory_space<vmem>>, vector<16xf32>,
    tpu.vector_store %arg14[%swap3A_20, %swap3A_21], %broadcast_in_dim3A_3 {strides = array<i32>} : memref<16x128xf32, #tpu.memory_space<vmem>>, vector<16xf32>,
    %swap3A_23 = arith.constant 0 : i32
    %swap3A_24 = arith.index_cast %swap3A_23 : i32 to index
    %swap3A_25 = arith.constant 80 : index
    %swap3A_26 = tpu.vector_load %arg14[%swap3A_24, %swap3A_25] {strides = array<i32>} : memref<16x128xf32, #tpu.memory_space<vmem>>, vector<16xf32>,
    tpu.vector_store %arg14[%swap3A_24, %swap3A_25], %broadcast_in_dim3A_3 {strides = array<i32>} : memref<16x128xf32, #tpu.memory_space<vmem>>, vector<16xf32>,
    %swap3A_27 = arith.constant 0 : i32
    %swap3A_28 = arith.index_cast %swap3A_27 : i32 to index
    %swap3A_29 = arith.constant 96 : index
    %swap3A_30 = tpu.vector_load %arg14[%swap3A_28, %swap3A_29] {strides = array<i32>} : memref<16x128xf32, #tpu.memory_space<vmem>>, vector<16xf32>,
    tpu.vector_store %arg14[%swap3A_28, %swap3A_29], %broadcast_in_dim3A_3 {strides = array<i32>} : memref<16x128xf32, #tpu.memory_space<vmem>>, vector<16xf32>,
    %swap3A_31 = arith.constant 0 : i32
    %swap3A_32 = arith.index_cast %swap3A_31 : i32 to index
    %swap3A_33 = arith.constant 112 : index
    %swap3A_34 = tpu.vector_load %arg14[%swap3A_32, %swap3A_33] {strides = array<i32>} : memref<16x128xf32, #tpu.memory_space<vmem>>, vector<16xf32>,
    tpu.vector_store %arg14[%swap3A_32, %swap3A_33], %broadcast_in_dim3A_3 {strides = array<i32>} : memref<16x128xf32, #tpu.memory_space<vmem>>, vector<16xf32>,
    %swap3A_35 = arith.constant 1 : i32
    %swap3A_36 = arith.index_cast %swap3A_35 : i32 to index
    %swap3A_37 = arith.constant 0 : index
    %swap3A_38 = tpu.vector_load %arg14[%swap3A_36, %swap3A_37] {strides = array<i32>} : memref<16x128xf32, #tpu.memory_space<vmem>>, vector<16xf32>,
    tpu.vector_store %arg14[%swap3A_36, %swap3A_37], %broadcast_in_dim3A_3 {strides = array<i32>} : memref<16x128xf32, #tpu.memory_space<vmem>>, vector<16xf32>,
    %swap3A_39 = arith.constant 1 : i32
    %swap3A_40 = arith.index_cast %swap3A_39 : i32 to index
    %swap3A_41 = arith.constant 16 : index
    %swap3A_42 = tpu.vector_load %arg14[%swap3A_40, %swap3A_41] {strides = array<i32>} : memref<16x128xf32, #tpu.memory_space<vmem>>, vector<16xf32>,
    tpu.vector_store %arg14[%swap3A_40, %swap3A_41], %broadcast_in_dim3A_3 {strides = array<i32>} : memref<16x128xf32, #tpu.memory_space<vmem>>, vector<16xf32>,
    %swap3A_43 = arith.constant 1 : i32
    %swap3A_44 = arith.index_cast %swap3A_43 : i32 to index
    %swap3A_45 = arith.constant 32 : index
    %swap3A_46 = tpu.vector_load %arg14[%swap3A_44, %swap3A_45] {strides = array<i32>} : memref<16x128xf32, #tpu.memory_space<vmem>>, vector<16xf32>,
    tpu.vector_store %arg14[%swap3A_44, %swap3A_45], %broadcast_in_dim3A_3 {strides = array<i32>} : memref<16x128xf32, #tpu.memory_space<vmem>>, vector<16xf32>,
    %swap3A_47 = arith.constant 1 : i32
    %swap3A_48 = arith.index_cast %swap3A_47 : i32 to index
    %swap3A_49 = arith.constant 48 : index
    %swap3A_50 = tpu.vector_load %arg14[%swap3A_48, %swap3A_49] {strides = array<i32>} : memref<16x128xf32, #tpu.memory_space<vmem>>, vector<16xf32>,
    tpu.vector_store %arg14[%swap3A_48, %swap3A_49], %broadcast_in_dim3A_3 {strides = array<i32>} : memref<16x128xf32, #tpu.memory_space<vmem>>, vector<16xf32>,
    %swap3A_51 = arith.constant 1 : i32
    %swap3A_52 = arith.index_cast %swap3A_51 : i32 to index
    %swap3A_53 = arith.constant 64 : index
    %swap3A_54 = tpu.vector_load %arg14[%swap3A_52, %swap3A_53] {strides = array<i32>} : memref<16x128xf32, #tpu.memory_space<vmem>>, vector<16xf32>,
    tpu.vector_store %arg14[%swap3A_52, %swap3A_53], %broadcast_in_dim3A_3 {strides = array<i32>} : memref<16x128xf32, #tpu.memory_space<vmem>>, vector<16xf32>,
    %swap3A_55 = arith.constant 1 : i32
    %swap3A_56 = arith.index_cast %swap3A_55 : i32 to index
    %swap3A_57 = arith.constant 80 : index
    %swap3A_58 = tpu.vector_load %arg14[%swap3A_56, %swap3A_57] {strides = array<i32>} : memref<16x128xf32, #tpu.memory_space<vmem>>, vector<16xf32>,
    tpu.vector_store %arg14[%swap3A_56, %swap3A_57], %broadcast_in_dim3A_3 {strides = array<i32>} : memref<16x128xf32, #tpu.memory_space<vmem>>, vector<16xf32>,
    %swap3A_59 = arith.constant 1 : i32
    %swap3A_60 = arith.index_cast %swap3A_59 : i32 to index
    %swap3A_61 = arith.constant 96 : index
    %swap3A_62 = tpu.vector_load %arg14[%swap3A_60, %swap3A_61] {strides = array<i32>} : memref<16x128xf32, #tpu.memory_space<vmem>>, vector<16xf32>,
    tpu.vector_store %arg14[%swap3A_60, %swap3A_61], %broadcast_in_dim3A_3 {strides = array<i32>} : memref<16x128xf32, #tpu.memory_space<vmem>>, vector<16xf32>,
    %swap3A_63 = arith.constant 1 : i32
    %swap3A_64 = arith.index_cast %swap3A_63 : i32 to index
    %swap3A_65 = arith.constant 112 : index
    %swap3A_66 = tpu.vector_load %arg14[%swap3A_64, %swap3A_65] {strides = array<i32>} : memref<16x128xf32, #tpu.memory_space<vmem>>, vector<16xf32>,
    tpu.vector_store %arg14[%swap3A_64, %swap3A_65], %broadcast_in_dim3A_3 {strides = array<i32>} : memref<16x128xf32, #tpu.memory_space<vmem>>, vector<16xf32>,
    %swap3A_67 = arith.constant 2 : i32
    %swap3A_68 = arith.index_cast %swap3A_67 : i32 to index
    %swap3A_69 = arith.constant 0 : index
    %swap3A_70 = tpu.vector_load %arg14[%swap3A_68, %swap3A_69] {strides = array<i32>} : memref<16x128xf32, #tpu.memory_space<vmem>>, vector<16xf32>,
    tpu.vector_store %arg14[%swap3A_68, %swap3A_69], %broadcast_in_dim3A_3 {strides = array<i32>} : memref<16x128xf32, #tpu.memory_space<vmem>>, vector<16xf32>,
    %swap3A_71 = arith.constant 2 : i32
    %swap3A_72 = arith.index_cast %swap3A_71 : i32 to index
    %swap3A_73 = arith.constant 16 : index
    %swap3A_74 = tpu.vector_load %arg14[%swap3A_72, %swap3A_73] {strides = array<i32>} : memref<16x128xf32, #tpu.memory_space<vmem>>, vector<16xf32>,
    tpu.vector_store %arg14[%swap3A_72, %swap3A_73], %broadcast_in_dim3A_3 {strides = array<i32>} : memref<16x128xf32, #tpu.memory_space<vmem>>, vector<16xf32>,
    %swap3A_75 = arith.constant 2 : i32
    %swap3A_76 = arith.index_cast %swap3A_75 : i32 to index
    %swap3A_77 = arith.constant 32 : index
    %swap3A_78 = tpu.vector_load %arg14[%swap3A_76, %swap3A_77] {strides = array<i32>} : memref<16x128xf32, #tpu.memory_space<vmem>>, vector<16xf32>,
    tpu.vector_store %arg14[%swap3A_76, %swap3A_77], %broadcast_in_dim3A_3 {strides = array<i32>} : memref<16x128xf32, #tpu.memory_space<vmem>>, vector<16xf32>,
    %swap3A_79 = arith.constant 2 : i32
    %swap3A_80 = arith.index_cast %swap3A_79 : i32 to index
    %swap3A_81 = arith.constant 48 : index
    %swap3A_82 = tpu.vector_load %arg14[%swap3A_80, %swap3A_81] {strides = array<i32>} : memref<16x128xf32, #tpu.memory_space<vmem>>, vector<16xf32>,
    tpu.vector_store %arg14[%swap3A_80, %swap3A_81], %broadcast_in_dim3A_3 {strides = array<i32>} : memref<16x128xf32, #tpu.memory_space<vmem>>, vector<16xf32>,
    %swap3A_83 = arith.constant 2 : i32
    %swap3A_84 = arith.index_cast %swap3A_83 : i32 to index
    %swap3A_85 = arith.constant 64 : index
    %swap3A_86 = tpu.vector_load %arg14[%swap3A_84, %swap3A_85] {strides = array<i32>} : memref<16x128xf32, #tpu.memory_space<vmem>>, vector<16xf32>,
    tpu.vector_store %arg14[%swap3A_84, %swap3A_85], %broadcast_in_dim3A_3 {strides = array<i32>} : memref<16x128xf32, #tpu.memory_space<vmem>>, vector<16xf32>,
    %swap3A_87 = arith.constant 2 : i32
    %swap3A_88 = arith.index_cast %swap3A_87 : i32 to index
    %swap3A_89 = arith.constant 80 : index
    %swap3A_90 = tpu.vector_load %arg14[%swap3A_88, %swap3A_89] {strides = array<i32>} : memref<16x128xf32, #tpu.memory_space<vmem>>, vector<16xf32>,
    tpu.vector_store %arg14[%swap3A_88, %swap3A_89], %broadcast_in_dim3A_3 {strides = array<i32>} : memref<16x128xf32, #tpu.memory_space<vmem>>, vector<16xf32>,
    %swap3A_91 = arith.constant 2 : i32
    %swap3A_92 = arith.index_cast %swap3A_91 : i32 to index
    %swap3A_93 = arith.constant 96 : index
    %swap3A_94 = tpu.vector_load %arg14[%swap3A_92, %swap3A_93] {strides = array<i32>} : memref<16x128xf32, #tpu.memory_space<vmem>>, vector<16xf32>,
    tpu.vector_store %arg14[%swap3A_92, %swap3A_93], %broadcast_in_dim3A_3 {strides = array<i32>} : memref<16x128xf32, #tpu.memory_space<vmem>>, vector<16xf32>,
    %swap3A_95 = arith.constant 2 : i32
    %swap3A_96 = arith.index_cast %swap3A_95 : i32 to index
    %swap3A_97 = arith.constant 112 : index
    %swap3A_98 = tpu.vector_load %arg14[%swap3A_96, %swap3A_97] {strides = array<i32>} : memref<16x128xf32, #tpu.memory_space<vmem>>, vector<16xf32>,
    tpu.vector_store %arg14[%swap3A_96, %swap3A_97], %broadcast_in_dim3A_3 {strides = array<i32>} : memref<16x128xf32, #tpu.memory_space<vmem>>, vector<16xf32>,
    %swap3A_99 = arith.constant 3 : i32
    %swap3A_100 = arith.index_cast %swap3A_99 : i32 to index
    %swap3A_101 = arith.constant 0 : index
    %swap3A_102 = tpu.vector_load %arg14[%swap3A_100, %swap3A_101] {strides = array<i32>} : memref<16x128xf32, #tpu.memory_space<vmem>>, vector<16xf32>,
    tpu.vector_store %arg14[%swap3A_100, %swap3A_101], %broadcast_in_dim3A_3 {strides = array<i32>} : memref<16x128xf32, #tpu.memory_space<vmem>>, vector<16xf32>,
    %swap3A_103 = arith.constant 3 : i32
    %swap3A_104 = arith.index_cast %swap3A_103 : i32 to index
    %swap3A_105 = arith.constant 16 : index
    %swap3A_106 = tpu.vector_load %arg14[%swap3A_104, %swap3A_105] {strides = array<i32>} : memref<16x128xf32, #tpu.memory_space<vmem>>, vector<16xf32>,
    tpu.vector_store %arg14[%swap3A_104, %swap3A_105], %broadcast_in_dim3A_3 {strides = array<i32>} : memref<16x128xf32, #tpu.memory_space<vmem>>, vector<16xf32>,
    %swap3A_107 = arith.constant 3 : i32
    %swap3A_108 = arith.index_cast %swap3A_107 : i32 to index
    %swap3A_109 = arith.constant 32 : index
    %swap3A_110 = tpu.vector_load %arg14[%swap3A_108, %swap3A_109] {strides = array<i32>} : memref<16x128xf32, #tpu.memory_space<vmem>>, vector<16xf32>,
    tpu.vector_store %arg14[%swap3A_108, %swap3A_109], %broadcast_in_dim3A_3 {strides = array<i32>} : memref<16x128xf32, #tpu.memory_space<vmem>>, vector<16xf32>,
    %swap3A_111 = arith.constant 3 : i32
    %swap3A_112 = arith.index_cast %swap3A_111 : i32 to index
    %swap3A_113 = arith.constant 48 : index
    %swap3A_114 = tpu.vector_load %arg14[%swap3A_112, %swap3A_113] {strides = array<i32>} : memref<16x128xf32, #tpu.memory_space<vmem>>, vector<16xf32>,
    tpu.vector_store %arg14[%swap3A_112, %swap3A_113], %broadcast_in_dim3A_3 {strides = array<i32>} : memref<16x128xf32, #tpu.memory_space<vmem>>, vector<16xf32>,
    %swap3A_115 = arith.constant 3 : i32
    %swap3A_116 = arith.index_cast %swap3A_115 : i32 to index
    %swap3A_117 = arith.constant 64 : index
    %swap3A_118 = tpu.vector_load %arg14[%swap3A_116, %swap3A_117] {strides = array<i32>} : memref<16x128xf32, #tpu.memory_space<vmem>>, vector<16xf32>,
    tpu.vector_store %arg14[%swap3A_116, %swap3A_117], %broadcast_in_dim3A_3 {strides = array<i32>} : memref<16x128xf32, #tpu.memory_space<vmem>>, vector<16xf32>,
    %swap3A_119 = arith.constant 3 : i32
    %swap3A_120 = arith.index_cast %swap3A_119 : i32 to index
    %swap3A_121 = arith.constant 80 : index
    %swap3A_122 = tpu.vector_load %arg14[%swap3A_120, %swap3A_121] {strides = array<i32>} : memref<16x128xf32, #tpu.memory_space<vmem>>, vector<16xf32>,
    tpu.vector_store %arg14[%swap3A_120, %swap3A_121], %broadcast_in_dim3A_3 {strides = array<i32>} : memref<16x128xf32, #tpu.memory_space<vmem>>, vector<16xf32>,
    %swap3A_123 = arith.constant 3 : i32
    %swap3A_124 = arith.index_cast %swap3A_123 : i32 to index
    %swap3A_125 = arith.constant 96 : index
    %swap3A_126 = tpu.vector_load %arg14[%swap3A_124, %swap3A_125] {strides = array<i32>} : memref<16x128xf32, #tpu.memory_space<vmem>>, vector<16xf32>,
    tpu.vector_store %arg14[%swap3A_124, %swap3A_125], %broadcast_in_dim3A_3 {strides = array<i32>} : memref<16x128xf32, #tpu.memory_space<vmem>>, vector<16xf32>,
    %swap3A_127 = arith.constant 3 : i32
    %swap3A_128 = arith.index_cast %swap3A_127 : i32 to index
    %swap3A_129 = arith.constant 112 : index
    %swap3A_130 = tpu.vector_load %arg14[%swap3A_128, %swap3A_129] {strides = array<i32>} : memref<16x128xf32, #tpu.memory_space<vmem>>, vector<16xf32>,
    tpu.vector_store %arg14[%swap3A_128, %swap3A_129], %broadcast_in_dim3A_3 {strides = array<i32>} : memref<16x128xf32, #tpu.memory_space<vmem>>, vector<16xf32>,
    %swap3A_131 = arith.constant 4 : i32
    %swap3A_132 = arith.index_cast %swap3A_131 : i32 to index
    %swap3A_133 = arith.constant 0 : index
    %swap3A_134 = tpu.vector_load %arg14[%swap3A_132, %swap3A_133] {strides = array<i32>} : memref<16x128xf32, #tpu.memory_space<vmem>>, vector<16xf32>,
    tpu.vector_store %arg14[%swap3A_132, %swap3A_133], %broadcast_in_dim3A_3 {strides = array<i32>} : memref<16x128xf32, #tpu.memory_space<vmem>>, vector<16xf32>,
    %swap3A_135 = arith.constant 4 : i32
    %swap3A_136 = arith.index_cast %swap3A_135 : i32 to index
    %swap3A_137 = arith.constant 16 : index
    %swap3A_138 = tpu.vector_load %arg14[%swap3A_136, %swap3A_137] {strides = array<i32>} : memref<16x128xf32, #tpu.memory_space<vmem>>, vector<16xf32>,
    tpu.vector_store %arg14[%swap3A_136, %swap3A_137], %broadcast_in_dim3A_3 {strides = array<i32>} : memref<16x128xf32, #tpu.memory_space<vmem>>, vector<16xf32>,
    %swap3A_139 = arith.constant 4 : i32
    %swap3A_140 = arith.index_cast %swap3A_139 : i32 to index
    %swap3A_141 = arith.constant 32 : index
    %swap3A_142 = tpu.vector_load %arg14[%swap3A_140, %swap3A_141] {strides = array<i32>} : memref<16x128xf32, #tpu.memory_space<vmem>>, vector<16xf32>,
    tpu.vector_store %arg14[%swap3A_140, %swap3A_141], %broadcast_in_dim3A_3 {strides = array<i32>} : memref<16x128xf32, #tpu.memory_space<vmem>>, vector<16xf32>,
    %swap3A_143 = arith.constant 4 : i32
    %swap3A_144 = arith.index_cast %swap3A_143 : i32 to index
    %swap3A_145 = arith.constant 48 : index
    %swap3A_146 = tpu.vector_load %arg14[%swap3A_144, %swap3A_145] {strides = array<i32>} : memref<16x128xf32, #tpu.memory_space<vmem>>, vector<16xf32>,
    tpu.vector_store %arg14[%swap3A_144, %swap3A_145], %broadcast_in_dim3A_3 {strides = array<i32>} : memref<16x128xf32, #tpu.memory_space<vmem>>, vector<16xf32>,
    %swap3A_147 = arith.constant 4 : i32
    %swap3A_148 = arith.index_cast %swap3A_147 : i32 to index
    %swap3A_149 = arith.constant 64 : index
    %swap3A_150 = tpu.vector_load %arg14[%swap3A_148, %swap3A_149] {strides = array<i32>} : memref<16x128xf32, #tpu.memory_space<vmem>>, vector<16xf32>,
    tpu.vector_store %arg14[%swap3A_148, %swap3A_149], %broadcast_in_dim3A_3 {strides = array<i32>} : memref<16x128xf32, #tpu.memory_space<vmem>>, vector<16xf32>,
    %swap3A_151 = arith.constant 4 : i32
    %swap3A_152 = arith.index_cast %swap3A_151 : i32 to index
    %swap3A_153 = arith.constant 80 : index
    %swap3A_154 = tpu.vector_load %arg14[%swap3A_152, %swap3A_153] {strides = array<i32>} : memref<16x128xf32, #tpu.memory_space<vmem>>, vector<16xf32>,
    tpu.vector_store %arg14[%swap3A_152, %swap3A_153], %broadcast_in_dim3A_3 {strides = array<i32>} : memref<16x128xf32, #tpu.memory_space<vmem>>, vector<16xf32>,
    %swap3A_155 = arith.constant 4 : i32
    %swap3A_156 = arith.index_cast %swap3A_155 : i32 to index
    %swap3A_157 = arith.constant 96 : index
    %swap3A_158 = tpu.vector_load %arg14[%swap3A_156, %swap3A_157] {strides = array<i32>} : memref<16x128xf32, #tpu.memory_space<vmem>>, vector<16xf32>,
    tpu.vector_store %arg14[%swap3A_156, %swap3A_157], %broadcast_in_dim3A_3 {strides = array<i32>} : memref<16x128xf32, #tpu.memory_space<vmem>>, vector<16xf32>,
    %swap3A_159 = arith.constant 4 : i32
    %swap3A_160 = arith.index_cast %swap3A_159 : i32 to index
    %swap3A_161 = arith.constant 112 : index
    %swap3A_162 = tpu.vector_load %arg14[%swap3A_160, %swap3A_161] {strides = array<i32>} : memref<16x128xf32, #tpu.memory_space<vmem>>, vector<16xf32>,
    tpu.vector_store %arg14[%swap3A_160, %swap3A_161], %broadcast_in_dim3A_3 {strides = array<i32>} : memref<16x128xf32, #tpu.memory_space<vmem>>, vector<16xf32>,
    %swap3A_163 = arith.constant 5 : i32
    %swap3A_164 = arith.index_cast %swap3A_163 : i32 to index
    %swap3A_165 = arith.constant 0 : index
    %swap3A_166 = tpu.vector_load %arg14[%swap3A_164, %swap3A_165] {strides = array<i32>} : memref<16x128xf32, #tpu.memory_space<vmem>>, vector<16xf32>,
    tpu.vector_store %arg14[%swap3A_164, %swap3A_165], %broadcast_in_dim3A_3 {strides = array<i32>} : memref<16x128xf32, #tpu.memory_space<vmem>>, vector<16xf32>,
    %swap3A_167 = arith.constant 5 : i32
    %swap3A_168 = arith.index_cast %swap3A_167 : i32 to index
    %swap3A_169 = arith.constant 16 : index
    %swap3A_170 = tpu.vector_load %arg14[%swap3A_168, %swap3A_169] {strides = array<i32>} : memref<16x128xf32, #tpu.memory_space<vmem>>, vector<16xf32>,
    tpu.vector_store %arg14[%swap3A_168, %swap3A_169], %broadcast_in_dim3A_3 {strides = array<i32>} : memref<16x128xf32, #tpu.memory_space<vmem>>, vector<16xf32>,
    %swap3A_171 = arith.constant 5 : i32
    %swap3A_172 = arith.index_cast %swap3A_171 : i32 to index
    %swap3A_173 = arith.constant 32 : index
    %swap3A_174 = tpu.vector_load %arg14[%swap3A_172, %swap3A_173] {strides = array<i32>} : memref<16x128xf32, #tpu.memory_space<vmem>>, vector<16xf32>,
    tpu.vector_store %arg14[%swap3A_172, %swap3A_173], %broadcast_in_dim3A_3 {strides = array<i32>} : memref<16x128xf32, #tpu.memory_space<vmem>>, vector<16xf32>,
    %swap3A_175 = arith.constant 5 : i32
    %swap3A_176 = arith.index_cast %swap3A_175 : i32 to index
    %swap3A_177 = arith.constant 48 : index
    %swap3A_178 = tpu.vector_load %arg14[%swap3A_176, %swap3A_177] {strides = array<i32>} : memref<16x128xf32, #tpu.memory_space<vmem>>, vector<16xf32>,
    tpu.vector_store %arg14[%swap3A_176, %swap3A_177], %broadcast_in_dim3A_3 {strides = array<i32>} : memref<16x128xf32, #tpu.memory_space<vmem>>, vector<16xf32>,
    %swap3A_179 = arith.constant 5 : i32
    %swap3A_180 = arith.index_cast %swap3A_179 : i32 to index
    %swap3A_181 = arith.constant 64 : index
    %swap3A_182 = tpu.vector_load %arg14[%swap3A_180, %swap3A_181] {strides = array<i32>} : memref<16x128xf32, #tpu.memory_space<vmem>>, vector<16xf32>,
    tpu.vector_store %arg14[%swap3A_180, %swap3A_181], %broadcast_in_dim3A_3 {strides = array<i32>} : memref<16x128xf32, #tpu.memory_space<vmem>>, vector<16xf32>,
    %swap3A_183 = arith.constant 5 : i32
    %swap3A_184 = arith.index_cast %swap3A_183 : i32 to index
    %swap3A_185 = arith.constant 80 : index
    %swap3A_186 = tpu.vector_load %arg14[%swap3A_184, %swap3A_185] {strides = array<i32>} : memref<16x128xf32, #tpu.memory_space<vmem>>, vector<16xf32>,
    tpu.vector_store %arg14[%swap3A_184, %swap3A_185], %broadcast_in_dim3A_3 {strides = array<i32>} : memref<16x128xf32, #tpu.memory_space<vmem>>, vector<16xf32>,
    %swap3A_187 = arith.constant 5 : i32
    %swap3A_188 = arith.index_cast %swap3A_187 : i32 to index
    %swap3A_189 = arith.constant 96 : index
    %swap3A_190 = tpu.vector_load %arg14[%swap3A_188, %swap3A_189] {strides = array<i32>} : memref<16x128xf32, #tpu.memory_space<vmem>>, vector<16xf32>,
    tpu.vector_store %arg14[%swap3A_188, %swap3A_189], %broadcast_in_dim3A_3 {strides = array<i32>} : memref<16x128xf32, #tpu.memory_space<vmem>>, vector<16xf32>,
    %swap3A_191 = arith.constant 5 : i32
    %swap3A_192 = arith.index_cast %swap3A_191 : i32 to index
    %swap3A_193 = arith.constant 112 : index
    %swap3A_194 = tpu.vector_load %arg14[%swap3A_192, %swap3A_193] {strides = array<i32>} : memref<16x128xf32, #tpu.memory_space<vmem>>, vector<16xf32>,
    tpu.vector_store %arg14[%swap3A_192, %swap3A_193], %broadcast_in_dim3A_3 {strides = array<i32>} : memref<16x128xf32, #tpu.memory_space<vmem>>, vector<16xf32>,
    %swap3A_195 = arith.constant 6 : i32
    %swap3A_196 = arith.index_cast %swap3A_195 : i32 to index
    %swap3A_197 = arith.constant 0 : index
    %swap3A_198 = tpu.vector_load %arg14[%swap3A_196, %swap3A_197] {strides = array<i32>} : memref<16x128xf32, #tpu.memory_space<vmem>>, vector<16xf32>,
    tpu.vector_store %arg14[%swap3A_196, %swap3A_197], %broadcast_in_dim3A_3 {strides = array<i32>} : memref<16x128xf32, #tpu.memory_space<vmem>>, vector<16xf32>,
    %swap3A_199 = arith.constant 6 : i32
    %swap3A_200 = arith.index_cast %swap3A_199 : i32 to index
    %swap3A_201 = arith.constant 16 : index
    %swap3A_202 = tpu.vector_load %arg14[%swap3A_200, %swap3A_201] {strides = array<i32>} : memref<16x128xf32, #tpu.memory_space<vmem>>, vector<16xf32>,
    tpu.vector_store %arg14[%swap3A_200, %swap3A_201], %broadcast_in_dim3A_3 {strides = array<i32>} : memref<16x128xf32, #tpu.memory_space<vmem>>, vector<16xf32>,
    %swap3A_203 = arith.constant 6 : i32
    %swap3A_204 = arith.index_cast %swap3A_203 : i32 to index
    %swap3A_205 = arith.constant 32 : index
    %swap3A_206 = tpu.vector_load %arg14[%swap3A_204, %swap3A_205] {strides = array<i32>} : memref<16x128xf32, #tpu.memory_space<vmem>>, vector<16xf32>,
    tpu.vector_store %arg14[%swap3A_204, %swap3A_205], %broadcast_in_dim3A_3 {strides = array<i32>} : memref<16x128xf32, #tpu.memory_space<vmem>>, vector<16xf32>,
    %swap3A_207 = arith.constant 6 : i32
    %swap3A_208 = arith.index_cast %swap3A_207 : i32 to index
    %swap3A_209 = arith.constant 48 : index
    %swap3A_210 = tpu.vector_load %arg14[%swap3A_208, %swap3A_209] {strides = array<i32>} : memref<16x128xf32, #tpu.memory_space<vmem>>, vector<16xf32>,
    tpu.vector_store %arg14[%swap3A_208, %swap3A_209], %broadcast_in_dim3A_3 {strides = array<i32>} : memref<16x128xf32, #tpu.memory_space<vmem>>, vector<16xf32>,
    %swap3A_211 = arith.constant 6 : i32
    %swap3A_212 = arith.index_cast %swap3A_211 : i32 to index
    %swap3A_213 = arith.constant 64 : index
    %swap3A_214 = tpu.vector_load %arg14[%swap3A_212, %swap3A_213] {strides = array<i32>} : memref<16x128xf32, #tpu.memory_space<vmem>>, vector<16xf32>,
    tpu.vector_store %arg14[%swap3A_212, %swap3A_213], %broadcast_in_dim3A_3 {strides = array<i32>} : memref<16x128xf32, #tpu.memory_space<vmem>>, vector<16xf32>,
    %swap3A_215 = arith.constant 6 : i32
    %swap3A_216 = arith.index_cast %swap3A_215 : i32 to index
    %swap3A_217 = arith.constant 80 : index
    %swap3A_218 = tpu.vector_load %arg14[%swap3A_216, %swap3A_217] {strides = array<i32>} : memref<16x128xf32, #tpu.memory_space<vmem>>, vector<16xf32>,
    tpu.vector_store %arg14[%swap3A_216, %swap3A_217], %broadcast_in_dim3A_3 {strides = array<i32>} : memref<16x128xf32, #tpu.memory_space<vmem>>, vector<16xf32>,
    %swap3A_219 = arith.constant 6 : i32
    %swap3A_220 = arith.index_cast %swap3A_219 : i32 to index
    %swap3A_221 = arith.constant 96 : index
    %swap3A_222 = tpu.vector_load %arg14[%swap3A_220, %swap3A_221] {strides = array<i32>} : memref<16x128xf32, #tpu.memory_space<vmem>>, vector<16xf32>,
    tpu.vector_store %arg14[%swap3A_220, %swap3A_221], %broadcast_in_dim3A_3 {strides = array<i32>} : memref<16x128xf32, #tpu.memory_space<vmem>>, vector<16xf32>,
    %swap3A_223 = arith.constant 6 : i32
    %swap3A_224 = arith.index_cast %swap3A_223 : i32 to index
    %swap3A_225 = arith.constant 112 : index
    %swap3A_226 = tpu.vector_load %arg14[%swap3A_224, %swap3A_225] {strides = array<i32>} : memref<16x128xf32, #tpu.memory_space<vmem>>, vector<16xf32>,
    tpu.vector_store %arg14[%swap3A_224, %swap3A_225], %broadcast_in_dim3A_3 {strides = array<i32>} : memref<16x128xf32, #tpu.memory_space<vmem>>, vector<16xf32>,
    %swap3A_227 = arith.constant 7 : i32
    %swap3A_228 = arith.index_cast %swap3A_227 : i32 to index
    %swap3A_229 = arith.constant 0 : index
    %swap3A_230 = tpu.vector_load %arg14[%swap3A_228, %swap3A_229] {strides = array<i32>} : memref<16x128xf32, #tpu.memory_space<vmem>>, vector<16xf32>,
    tpu.vector_store %arg14[%swap3A_228, %swap3A_229], %broadcast_in_dim3A_3 {strides = array<i32>} : memref<16x128xf32, #tpu.memory_space<vmem>>, vector<16xf32>,
    %swap3A_231 = arith.constant 7 : i32
    %swap3A_232 = arith.index_cast %swap3A_231 : i32 to index
    %swap3A_233 = arith.constant 16 : index
    %swap3A_234 = tpu.vector_load %arg14[%swap3A_232, %swap3A_233] {strides = array<i32>} : memref<16x128xf32, #tpu.memory_space<vmem>>, vector<16xf32>,
    tpu.vector_store %arg14[%swap3A_232, %swap3A_233], %broadcast_in_dim3A_3 {strides = array<i32>} : memref<16x128xf32, #tpu.memory_space<vmem>>, vector<16xf32>,
    %swap3A_235 = arith.constant 7 : i32
    %swap3A_236 = arith.index_cast %swap3A_235 : i32 to index
    %swap3A_237 = arith.constant 32 : index
    %swap3A_238 = tpu.vector_load %arg14[%swap3A_236, %swap3A_237] {strides = array<i32>} : memref<16x128xf32, #tpu.memory_space<vmem>>, vector<16xf32>,
    tpu.vector_store %arg14[%swap3A_236, %swap3A_237], %broadcast_in_dim3A_3 {strides = array<i32>} : memref<16x128xf32, #tpu.memory_space<vmem>>, vector<16xf32>,
    %swap3A_239 = arith.constant 7 : i32
    %swap3A_240 = arith.index_cast %swap3A_239 : i32 to index
    %swap3A_241 = arith.constant 48 : index
    %swap3A_242 = tpu.vector_load %arg14[%swap3A_240, %swap3A_241] {strides = array<i32>} : memref<16x128xf32, #tpu.memory_space<vmem>>, vector<16xf32>,
    tpu.vector_store %arg14[%swap3A_240, %swap3A_241], %broadcast_in_dim3A_3 {strides = array<i32>} : memref<16x128xf32, #tpu.memory_space<vmem>>, vector<16xf32>,
    %swap3A_243 = arith.constant 7 : i32
    %swap3A_244 = arith.index_cast %swap3A_243 : i32 to index
    %swap3A_245 = arith.constant 64 : index
    %swap3A_246 = tpu.vector_load %arg14[%swap3A_244, %swap3A_245] {strides = array<i32>} : memref<16x128xf32, #tpu.memory_space<vmem>>, vector<16xf32>,
    tpu.vector_store %arg14[%swap3A_244, %swap3A_245], %broadcast_in_dim3A_3 {strides = array<i32>} : memref<16x128xf32, #tpu.memory_space<vmem>>, vector<16xf32>,
    %swap3A_247 = arith.constant 7 : i32
    %swap3A_248 = arith.index_cast %swap3A_247 : i32 to index
    %swap3A_249 = arith.constant 80 : index
    %swap3A_250 = tpu.vector_load %arg14[%swap3A_248, %swap3A_249] {strides = array<i32>} : memref<16x128xf32, #tpu.memory_space<vmem>>, vector<16xf32>,
    tpu.vector_store %arg14[%swap3A_248, %swap3A_249], %broadcast_in_dim3A_3 {strides = array<i32>} : memref<16x128xf32, #tpu.memory_space<vmem>>, vector<16xf32>,
    %swap3A_251 = arith.constant 7 : i32
    %swap3A_252 = arith.index_cast %swap3A_251 : i32 to index
    %swap3A_253 = arith.constant 96 : index
    %swap3A_254 = tpu.vector_load %arg14[%swap3A_252, %swap3A_253] {strides = array<i32>} : memref<16x128xf32, #tpu.memory_space<vmem>>, vector<16xf32>,
    tpu.vector_store %arg14[%swap3A_252, %swap3A_253], %broadcast_in_dim3A_3 {strides = array<i32>} : memref<16x128xf32, #tpu.memory_space<vmem>>, vector<16xf32>,
    %swap3A_255 = arith.constant 7 : i32
    %swap3A_256 = arith.index_cast %swap3A_255 : i32 to index
    %swap3A_257 = arith.constant 112 : index
    %swap3A_258 = tpu.vector_load %arg14[%swap3A_256, %swap3A_257] {strides = array<i32>} : memref<16x128xf32, #tpu.memory_space<vmem>>, vector<16xf32>,
    tpu.vector_store %arg14[%swap3A_256, %swap3A_257], %broadcast_in_dim3A_3 {strides = array<i32>} : memref<16x128xf32, #tpu.memory_space<vmem>>, vector<16xf32>,
    %swap3A_259 = arith.constant 8 : i32
    %swap3A_260 = arith.index_cast %swap3A_259 : i32 to index
    %swap3A_261 = arith.constant 0 : index
    %swap3A_262 = tpu.vector_load %arg14[%swap3A_260, %swap3A_261] {strides = array<i32>} : memref<16x128xf32, #tpu.memory_space<vmem>>, vector<16xf32>,
    tpu.vector_store %arg14[%swap3A_260, %swap3A_261], %broadcast_in_dim3A_3 {strides = array<i32>} : memref<16x128xf32, #tpu.memory_space<vmem>>, vector<16xf32>,
    %swap3A_263 = arith.constant 8 : i32
    %swap3A_264 = arith.index_cast %swap3A_263 : i32 to index
    %swap3A_265 = arith.constant 16 : index
    %swap3A_266 = tpu.vector_load %arg14[%swap3A_264, %swap3A_265] {strides = array<i32>} : memref<16x128xf32, #tpu.memory_space<vmem>>, vector<16xf32>,
    tpu.vector_store %arg14[%swap3A_264, %swap3A_265], %broadcast_in_dim3A_3 {strides = array<i32>} : memref<16x128xf32, #tpu.memory_space<vmem>>, vector<16xf32>,
    %swap3A_267 = arith.constant 8 : i32
    %swap3A_268 = arith.index_cast %swap3A_267 : i32 to index
    %swap3A_269 = arith.constant 32 : index
    %swap3A_270 = tpu.vector_load %arg14[%swap3A_268, %swap3A_269] {strides = array<i32>} : memref<16x128xf32, #tpu.memory_space<vmem>>, vector<16xf32>,
    tpu.vector_store %arg14[%swap3A_268, %swap3A_269], %broadcast_in_dim3A_3 {strides = array<i32>} : memref<16x128xf32, #tpu.memory_space<vmem>>, vector<16xf32>,
    %swap3A_271 = arith.constant 8 : i32
    %swap3A_272 = arith.index_cast %swap3A_271 : i32 to index
    %swap3A_273 = arith.constant 48 : index
    %swap3A_274 = tpu.vector_load %arg14[%swap3A_272, %swap3A_273] {strides = array<i32>} : memref<16x128xf32, #tpu.memory_space<vmem>>, vector<16xf32>,
    tpu.vector_store %arg14[%swap3A_272, %swap3A_273], %broadcast_in_dim3A_3 {strides = array<i32>} : memref<16x128xf32, #tpu.memory_space<vmem>>, vector<16xf32>,
    %swap3A_275 = arith.constant 8 : i32
    %swap3A_276 = arith.index_cast %swap3A_275 : i32 to index
    %swap3A_277 = arith.constant 64 : index
    %swap3A_278 = tpu.vector_load %arg14[%swap3A_276, %swap3A_277] {strides = array<i32>} : memref<16x128xf32, #tpu.memory_space<vmem>>, vector<16xf32>,
    tpu.vector_store %arg14[%swap3A_276, %swap3A_277], %broadcast_in_dim3A_3 {strides = array<i32>} : memref<16x128xf32, #tpu.memory_space<vmem>>, vector<16xf32>,
    %swap3A_279 = arith.constant 8 : i32
    %swap3A_280 = arith.index_cast %swap3A_279 : i32 to index
    %swap3A_281 = arith.constant 80 : index
    %swap3A_282 = tpu.vector_load %arg14[%swap3A_280, %swap3A_281] {strides = array<i32>} : memref<16x128xf32, #tpu.memory_space<vmem>>, vector<16xf32>,
    tpu.vector_store %arg14[%swap3A_280, %swap3A_281], %broadcast_in_dim3A_3 {strides = array<i32>} : memref<16x128xf32, #tpu.memory_space<vmem>>, vector<16xf32>,
    %swap3A_283 = arith.constant 8 : i32
    %swap3A_284 = arith.index_cast %swap3A_283 : i32 to index
    %swap3A_285 = arith.constant 96 : index
    %swap3A_286 = tpu.vector_load %arg14[%swap3A_284, %swap3A_285] {strides = array<i32>} : memref<16x128xf32, #tpu.memory_space<vmem>>, vector<16xf32>,
    tpu.vector_store %arg14[%swap3A_284, %swap3A_285], %broadcast_in_dim3A_3 {strides = array<i32>} : memref<16x128xf32, #tpu.memory_space<vmem>>, vector<16xf32>,
    %swap3A_287 = arith.constant 8 : i32
    %swap3A_288 = arith.index_cast %swap3A_287 : i32 to index
    %swap3A_289 = arith.constant 112 : index
    %swap3A_290 = tpu.vector_load %arg14[%swap3A_288, %swap3A_289] {strides = array<i32>} : memref<16x128xf32, #tpu.memory_space<vmem>>, vector<16xf32>,
    tpu.vector_store %arg14[%swap3A_288, %swap3A_289], %broadcast_in_dim3A_3 {strides = array<i32>} : memref<16x128xf32, #tpu.memory_space<vmem>>, vector<16xf32>,
    %swap3A_291 = arith.constant 9 : i32
    %swap3A_292 = arith.index_cast %swap3A_291 : i32 to index
    %swap3A_293 = arith.constant 0 : index
    %swap3A_294 = tpu.vector_load %arg14[%swap3A_292, %swap3A_293] {strides = array<i32>} : memref<16x128xf32, #tpu.memory_space<vmem>>, vector<16xf32>,
    tpu.vector_store %arg14[%swap3A_292, %swap3A_293], %broadcast_in_dim3A_3 {strides = array<i32>} : memref<16x128xf32, #tpu.memory_space<vmem>>, vector<16xf32>,
    %swap3A_295 = arith.constant 9 : i32
    %swap3A_296 = arith.index_cast %swap3A_295 : i32 to index
    %swap3A_297 = arith.constant 16 : index
    %swap3A_298 = tpu.vector_load %arg14[%swap3A_296, %swap3A_297] {strides = array<i32>} : memref<16x128xf32, #tpu.memory_space<vmem>>, vector<16xf32>,
    tpu.vector_store %arg14[%swap3A_296, %swap3A_297], %broadcast_in_dim3A_3 {strides = array<i32>} : memref<16x128xf32, #tpu.memory_space<vmem>>, vector<16xf32>,
    %swap3A_299 = arith.constant 9 : i32
    %swap3A_300 = arith.index_cast %swap3A_299 : i32 to index
    %swap3A_301 = arith.constant 32 : index
    %swap3A_302 = tpu.vector_load %arg14[%swap3A_300, %swap3A_301] {strides = array<i32>} : memref<16x128xf32, #tpu.memory_space<vmem>>, vector<16xf32>,
    tpu.vector_store %arg14[%swap3A_300, %swap3A_301], %broadcast_in_dim3A_3 {strides = array<i32>} : memref<16x128xf32, #tpu.memory_space<vmem>>, vector<16xf32>,
    %swap3A_303 = arith.constant 9 : i32
    %swap3A_304 = arith.index_cast %swap3A_303 : i32 to index
    %swap3A_305 = arith.constant 48 : index
    %swap3A_306 = tpu.vector_load %arg14[%swap3A_304, %swap3A_305] {strides = array<i32>} : memref<16x128xf32, #tpu.memory_space<vmem>>, vector<16xf32>,
    tpu.vector_store %arg14[%swap3A_304, %swap3A_305], %broadcast_in_dim3A_3 {strides = array<i32>} : memref<16x128xf32, #tpu.memory_space<vmem>>, vector<16xf32>,
    %swap3A_307 = arith.constant 9 : i32
    %swap3A_308 = arith.index_cast %swap3A_307 : i32 to index
    %swap3A_309 = arith.constant 64 : index
    %swap3A_310 = tpu.vector_load %arg14[%swap3A_308, %swap3A_309] {strides = array<i32>} : memref<16x128xf32, #tpu.memory_space<vmem>>, vector<16xf32>,
    tpu.vector_store %arg14[%swap3A_308, %swap3A_309], %broadcast_in_dim3A_3 {strides = array<i32>} : memref<16x128xf32, #tpu.memory_space<vmem>>, vector<16xf32>,
    %swap3A_311 = arith.constant 9 : i32
    %swap3A_312 = arith.index_cast %swap3A_311 : i32 to index
    %swap3A_313 = arith.constant 80 : index
    %swap3A_314 = tpu.vector_load %arg14[%swap3A_312, %swap3A_313] {strides = array<i32>} : memref<16x128xf32, #tpu.memory_space<vmem>>, vector<16xf32>,
    tpu.vector_store %arg14[%swap3A_312, %swap3A_313], %broadcast_in_dim3A_3 {strides = array<i32>} : memref<16x128xf32, #tpu.memory_space<vmem>>, vector<16xf32>,
    %swap3A_315 = arith.constant 9 : i32
    %swap3A_316 = arith.index_cast %swap3A_315 : i32 to index
    %swap3A_317 = arith.constant 96 : index
    %swap3A_318 = tpu.vector_load %arg14[%swap3A_316, %swap3A_317] {strides = array<i32>} : memref<16x128xf32, #tpu.memory_space<vmem>>, vector<16xf32>,
    tpu.vector_store %arg14[%swap3A_316, %swap3A_317], %broadcast_in_dim3A_3 {strides = array<i32>} : memref<16x128xf32, #tpu.memory_space<vmem>>, vector<16xf32>,
    %swap3A_319 = arith.constant 9 : i32
    %swap3A_320 = arith.index_cast %swap3A_319 : i32 to index
    %swap3A_321 = arith.constant 112 : index
    %swap3A_322 = tpu.vector_load %arg14[%swap3A_320, %swap3A_321] {strides = array<i32>} : memref<16x128xf32, #tpu.memory_space<vmem>>, vector<16xf32>,
    tpu.vector_store %arg14[%swap3A_320, %swap3A_321], %broadcast_in_dim3A_3 {strides = array<i32>} : memref<16x128xf32, #tpu.memory_space<vmem>>, vector<16xf32>,
    %swap3A_323 = arith.constant 10 : i32
    %swap3A_324 = arith.index_cast %swap3A_323 : i32 to index
    %swap3A_325 = arith.constant 0 : index
    %swap3A_326 = tpu.vector_load %arg14[%swap3A_324, %swap3A_325] {strides = array<i32>} : memref<16x128xf32, #tpu.memory_space<vmem>>, vector<16xf32>,
    tpu.vector_store %arg14[%swap3A_324, %swap3A_325], %broadcast_in_dim3A_3 {strides = array<i32>} : memref<16x128xf32, #tpu.memory_space<vmem>>, vector<16xf32>,
    %swap3A_327 = arith.constant 10 : i32
    %swap3A_328 = arith.index_cast %swap3A_327 : i32 to index
    %swap3A_329 = arith.constant 16 : index
    %swap3A_330 = tpu.vector_load %arg14[%swap3A_328, %swap3A_329] {strides = array<i32>} : memref<16x128xf32, #tpu.memory_space<vmem>>, vector<16xf32>,
    tpu.vector_store %arg14[%swap3A_328, %swap3A_329], %broadcast_in_dim3A_3 {strides = array<i32>} : memref<16x128xf32, #tpu.memory_space<vmem>>, vector<16xf32>,
    %swap3A_331 = arith.constant 10 : i32
    %swap3A_332 = arith.index_cast %swap3A_331 : i32 to index
    %swap3A_333 = arith.constant 32 : index
    %swap3A_334 = tpu.vector_load %arg14[%swap3A_332, %swap3A_333] {strides = array<i32>} : memref<16x128xf32, #tpu.memory_space<vmem>>, vector<16xf32>,
    tpu.vector_store %arg14[%swap3A_332, %swap3A_333], %broadcast_in_dim3A_3 {strides = array<i32>} : memref<16x128xf32, #tpu.memory_space<vmem>>, vector<16xf32>,
    %swap3A_335 = arith.constant 10 : i32
    %swap3A_336 = arith.index_cast %swap3A_335 : i32 to index
    %swap3A_337 = arith.constant 48 : index
    %swap3A_338 = tpu.vector_load %arg14[%swap3A_336, %swap3A_337] {strides = array<i32>} : memref<16x128xf32, #tpu.memory_space<vmem>>, vector<16xf32>,
    tpu.vector_store %arg14[%swap3A_336, %swap3A_337], %broadcast_in_dim3A_3 {strides = array<i32>} : memref<16x128xf32, #tpu.memory_space<vmem>>, vector<16xf32>,
    %swap3A_339 = arith.constant 10 : i32
    %swap3A_340 = arith.index_cast %swap3A_339 : i32 to index
    %swap3A_341 = arith.constant 64 : index
    %swap3A_342 = tpu.vector_load %arg14[%swap3A_340, %swap3A_341] {strides = array<i32>} : memref<16x128xf32, #tpu.memory_space<vmem>>, vector<16xf32>,
    tpu.vector_store %arg14[%swap3A_340, %swap3A_341], %broadcast_in_dim3A_3 {strides = array<i32>} : memref<16x128xf32, #tpu.memory_space<vmem>>, vector<16xf32>,
    %swap3A_343 = arith.constant 10 : i32
    %swap3A_344 = arith.index_cast %swap3A_343 : i32 to index
    %swap3A_345 = arith.constant 80 : index
    %swap3A_346 = tpu.vector_load %arg14[%swap3A_344, %swap3A_345] {strides = array<i32>} : memref<16x128xf32, #tpu.memory_space<vmem>>, vector<16xf32>,
    tpu.vector_store %arg14[%swap3A_344, %swap3A_345], %broadcast_in_dim3A_3 {strides = array<i32>} : memref<16x128xf32, #tpu.memory_space<vmem>>, vector<16xf32>,
    %swap3A_347 = arith.constant 10 : i32
    %swap3A_348 = arith.index_cast %swap3A_347 : i32 to index
    %swap3A_349 = arith.constant 96 : index
    %swap3A_350 = tpu.vector_load %arg14[%swap3A_348, %swap3A_349] {strides = array<i32>} : memref<16x128xf32, #tpu.memory_space<vmem>>, vector<16xf32>,
    tpu.vector_store %arg14[%swap3A_348, %swap3A_349], %broadcast_in_dim3A_3 {strides = array<i32>} : memref<16x128xf32, #tpu.memory_space<vmem>>, vector<16xf32>,
    %swap3A_351 = arith.constant 10 : i32
    %swap3A_352 = arith.index_cast %swap3A_351 : i32 to index
    %swap3A_353 = arith.constant 112 : index
    %swap3A_354 = tpu.vector_load %arg14[%swap3A_352, %swap3A_353] {strides = array<i32>} : memref<16x128xf32, #tpu.memory_space<vmem>>, vector<16xf32>,
    tpu.vector_store %arg14[%swap3A_352, %swap3A_353], %broadcast_in_dim3A_3 {strides = array<i32>} : memref<16x128xf32, #tpu.memory_space<vmem>>, vector<16xf32>,
    %swap3A_355 = arith.constant 11 : i32
    %swap3A_356 = arith.index_cast %swap3A_355 : i32 to index
    %swap3A_357 = arith.constant 0 : index
    %swap3A_358 = tpu.vector_load %arg14[%swap3A_356, %swap3A_357] {strides = array<i32>} : memref<16x128xf32, #tpu.memory_space<vmem>>, vector<16xf32>,
    tpu.vector_store %arg14[%swap3A_356, %swap3A_357], %broadcast_in_dim3A_3 {strides = array<i32>} : memref<16x128xf32, #tpu.memory_space<vmem>>, vector<16xf32>,
    %swap3A_359 = arith.constant 11 : i32
    %swap3A_360 = arith.index_cast %swap3A_359 : i32 to index
    %swap3A_361 = arith.constant 16 : index
    %swap3A_362 = tpu.vector_load %arg14[%swap3A_360, %swap3A_361] {strides = array<i32>} : memref<16x128xf32, #tpu.memory_space<vmem>>, vector<16xf32>,
    tpu.vector_store %arg14[%swap3A_360, %swap3A_361], %broadcast_in_dim3A_3 {strides = array<i32>} : memref<16x128xf32, #tpu.memory_space<vmem>>, vector<16xf32>,
    %swap3A_363 = arith.constant 11 : i32
    %swap3A_364 = arith.index_cast %swap3A_363 : i32 to index
    %swap3A_365 = arith.constant 32 : index
    %swap3A_366 = tpu.vector_load %arg14[%swap3A_364, %swap3A_365] {strides = array<i32>} : memref<16x128xf32, #tpu.memory_space<vmem>>, vector<16xf32>,
    tpu.vector_store %arg14[%swap3A_364, %swap3A_365], %broadcast_in_dim3A_3 {strides = array<i32>} : memref<16x128xf32, #tpu.memory_space<vmem>>, vector<16xf32>,
    %swap3A_367 = arith.constant 11 : i32
    %swap3A_368 = arith.index_cast %swap3A_367 : i32 to index
    %swap3A_369 = arith.constant 48 : index
    %swap3A_370 = tpu.vector_load %arg14[%swap3A_368, %swap3A_369] {strides = array<i32>} : memref<16x128xf32, #tpu.memory_space<vmem>>, vector<16xf32>,
    tpu.vector_store %arg14[%swap3A_368, %swap3A_369], %broadcast_in_dim3A_3 {strides = array<i32>} : memref<16x128xf32, #tpu.memory_space<vmem>>, vector<16xf32>,
    %swap3A_371 = arith.constant 11 : i32
    %swap3A_372 = arith.index_cast %swap3A_371 : i32 to index
    %swap3A_373 = arith.constant 64 : index
    %swap3A_374 = tpu.vector_load %arg14[%swap3A_372, %swap3A_373] {strides = array<i32>} : memref<16x128xf32, #tpu.memory_space<vmem>>, vector<16xf32>,
    tpu.vector_store %arg14[%swap3A_372, %swap3A_373], %broadcast_in_dim3A_3 {strides = array<i32>} : memref<16x128xf32, #tpu.memory_space<vmem>>, vector<16xf32>,
    %swap3A_375 = arith.constant 11 : i32
    %swap3A_376 = arith.index_cast %swap3A_375 : i32 to index
    %swap3A_377 = arith.constant 80 : index
    %swap3A_378 = tpu.vector_load %arg14[%swap3A_376, %swap3A_377] {strides = array<i32>} : memref<16x128xf32, #tpu.memory_space<vmem>>, vector<16xf32>,
    tpu.vector_store %arg14[%swap3A_376, %swap3A_377], %broadcast_in_dim3A_3 {strides = array<i32>} : memref<16x128xf32, #tpu.memory_space<vmem>>, vector<16xf32>,
    %swap3A_379 = arith.constant 11 : i32
    %swap3A_380 = arith.index_cast %swap3A_379 : i32 to index
    %swap3A_381 = arith.constant 96 : index
    %swap3A_382 = tpu.vector_load %arg14[%swap3A_380, %swap3A_381] {strides = array<i32>} : memref<16x128xf32, #tpu.memory_space<vmem>>, vector<16xf32>,
    tpu.vector_store %arg14[%swap3A_380, %swap3A_381], %broadcast_in_dim3A_3 {strides = array<i32>} : memref<16x128xf32, #tpu.memory_space<vmem>>, vector<16xf32>,
    %swap3A_383 = arith.constant 11 : i32
    %swap3A_384 = arith.index_cast %swap3A_383 : i32 to index
    %swap3A_385 = arith.constant 112 : index
    %swap3A_386 = tpu.vector_load %arg14[%swap3A_384, %swap3A_385] {strides = array<i32>} : memref<16x128xf32, #tpu.memory_space<vmem>>, vector<16xf32>,
    tpu.vector_store %arg14[%swap3A_384, %swap3A_385], %broadcast_in_dim3A_3 {strides = array<i32>} : memref<16x128xf32, #tpu.memory_space<vmem>>, vector<16xf32>,
    %swap3A_387 = arith.constant 12 : i32
    %swap3A_388 = arith.index_cast %swap3A_387 : i32 to index
    %swap3A_389 = arith.constant 0 : index
    %swap3A_390 = tpu.vector_load %arg14[%swap3A_388, %swap3A_389] {strides = array<i32>} : memref<16x128xf32, #tpu.memory_space<vmem>>, vector<16xf32>,
    tpu.vector_store %arg14[%swap3A_388, %swap3A_389], %broadcast_in_dim3A_3 {strides = array<i32>} : memref<16x128xf32, #tpu.memory_space<vmem>>, vector<16xf32>,
    %swap3A_391 = arith.constant 12 : i32
    %swap3A_392 = arith.index_cast %swap3A_391 : i32 to index
    %swap3A_393 = arith.constant 16 : index
    %swap3A_394 = tpu.vector_load %arg14[%swap3A_392, %swap3A_393] {strides = array<i32>} : memref<16x128xf32, #tpu.memory_space<vmem>>, vector<16xf32>,
    tpu.vector_store %arg14[%swap3A_392, %swap3A_393], %broadcast_in_dim3A_3 {strides = array<i32>} : memref<16x128xf32, #tpu.memory_space<vmem>>, vector<16xf32>,
    %swap3A_395 = arith.constant 12 : i32
    %swap3A_396 = arith.index_cast %swap3A_395 : i32 to index
    %swap3A_397 = arith.constant 32 : index
    %swap3A_398 = tpu.vector_load %arg14[%swap3A_396, %swap3A_397] {strides = array<i32>} : memref<16x128xf32, #tpu.memory_space<vmem>>, vector<16xf32>,
    tpu.vector_store %arg14[%swap3A_396, %swap3A_397], %broadcast_in_dim3A_3 {strides = array<i32>} : memref<16x128xf32, #tpu.memory_space<vmem>>, vector<16xf32>,
    %swap3A_399 = arith.constant 12 : i32
    %swap3A_400 = arith.index_cast %swap3A_399 : i32 to index
    %swap3A_401 = arith.constant 48 : index
    %swap3A_402 = tpu.vector_load %arg14[%swap3A_400, %swap3A_401] {strides = array<i32>} : memref<16x128xf32, #tpu.memory_space<vmem>>, vector<16xf32>,
    tpu.vector_store %arg14[%swap3A_400, %swap3A_401], %broadcast_in_dim3A_3 {strides = array<i32>} : memref<16x128xf32, #tpu.memory_space<vmem>>, vector<16xf32>,
    %swap3A_403 = arith.constant 12 : i32
    %swap3A_404 = arith.index_cast %swap3A_403 : i32 to index
    %swap3A_405 = arith.constant 64 : index
    %swap3A_406 = tpu.vector_load %arg14[%swap3A_404, %swap3A_405] {strides = array<i32>} : memref<16x128xf32, #tpu.memory_space<vmem>>, vector<16xf32>,
    tpu.vector_store %arg14[%swap3A_404, %swap3A_405], %broadcast_in_dim3A_3 {strides = array<i32>} : memref<16x128xf32, #tpu.memory_space<vmem>>, vector<16xf32>,
    %swap3A_407 = arith.constant 12 : i32
    %swap3A_408 = arith.index_cast %swap3A_407 : i32 to index
    %swap3A_409 = arith.constant 80 : index
    %swap3A_410 = tpu.vector_load %arg14[%swap3A_408, %swap3A_409] {strides = array<i32>} : memref<16x128xf32, #tpu.memory_space<vmem>>, vector<16xf32>,
    tpu.vector_store %arg14[%swap3A_408, %swap3A_409], %broadcast_in_dim3A_3 {strides = array<i32>} : memref<16x128xf32, #tpu.memory_space<vmem>>, vector<16xf32>,
    %swap3A_411 = arith.constant 12 : i32
    %swap3A_412 = arith.index_cast %swap3A_411 : i32 to index
    %swap3A_413 = arith.constant 96 : index
    %swap3A_414 = tpu.vector_load %arg14[%swap3A_412, %swap3A_413] {strides = array<i32>} : memref<16x128xf32, #tpu.memory_space<vmem>>, vector<16xf32>,
    tpu.vector_store %arg14[%swap3A_412, %swap3A_413], %broadcast_in_dim3A_3 {strides = array<i32>} : memref<16x128xf32, #tpu.memory_space<vmem>>, vector<16xf32>,
    %swap3A_415 = arith.constant 12 : i32
    %swap3A_416 = arith.index_cast %swap3A_415 : i32 to index
    %swap3A_417 = arith.constant 112 : index
    %swap3A_418 = tpu.vector_load %arg14[%swap3A_416, %swap3A_417] {strides = array<i32>} : memref<16x128xf32, #tpu.memory_space<vmem>>, vector<16xf32>,
    tpu.vector_store %arg14[%swap3A_416, %swap3A_417], %broadcast_in_dim3A_3 {strides = array<i32>} : memref<16x128xf32, #tpu.memory_space<vmem>>, vector<16xf32>,
    %swap3A_419 = arith.constant 13 : i32
    %swap3A_420 = arith.index_cast %swap3A_419 : i32 to index
    %swap3A_421 = arith.constant 0 : index
    %swap3A_422 = tpu.vector_load %arg14[%swap3A_420, %swap3A_421] {strides = array<i32>} : memref<16x128xf32, #tpu.memory_space<vmem>>, vector<16xf32>,
    tpu.vector_store %arg14[%swap3A_420, %swap3A_421], %broadcast_in_dim3A_3 {strides = array<i32>} : memref<16x128xf32, #tpu.memory_space<vmem>>, vector<16xf32>,
    %swap3A_423 = arith.constant 13 : i32
    %swap3A_424 = arith.index_cast %swap3A_423 : i32 to index
    %swap3A_425 = arith.constant 16 : index
    %swap3A_426 = tpu.vector_load %arg14[%swap3A_424, %swap3A_425] {strides = array<i32>} : memref<16x128xf32, #tpu.memory_space<vmem>>, vector<16xf32>,
    tpu.vector_store %arg14[%swap3A_424, %swap3A_425], %broadcast_in_dim3A_3 {strides = array<i32>} : memref<16x128xf32, #tpu.memory_space<vmem>>, vector<16xf32>,
    %swap3A_427 = arith.constant 13 : i32
    %swap3A_428 = arith.index_cast %swap3A_427 : i32 to index
    %swap3A_429 = arith.constant 32 : index
    %swap3A_430 = tpu.vector_load %arg14[%swap3A_428, %swap3A_429] {strides = array<i32>} : memref<16x128xf32, #tpu.memory_space<vmem>>, vector<16xf32>,
    tpu.vector_store %arg14[%swap3A_428, %swap3A_429], %broadcast_in_dim3A_3 {strides = array<i32>} : memref<16x128xf32, #tpu.memory_space<vmem>>, vector<16xf32>,
    %swap3A_431 = arith.constant 13 : i32
    %swap3A_432 = arith.index_cast %swap3A_431 : i32 to index
    %swap3A_433 = arith.constant 48 : index
    %swap3A_434 = tpu.vector_load %arg14[%swap3A_432, %swap3A_433] {strides = array<i32>} : memref<16x128xf32, #tpu.memory_space<vmem>>, vector<16xf32>,
    tpu.vector_store %arg14[%swap3A_432, %swap3A_433], %broadcast_in_dim3A_3 {strides = array<i32>} : memref<16x128xf32, #tpu.memory_space<vmem>>, vector<16xf32>,
    %swap3A_435 = arith.constant 13 : i32
    %swap3A_436 = arith.index_cast %swap3A_435 : i32 to index
    %swap3A_437 = arith.constant 64 : index
    %swap3A_438 = tpu.vector_load %arg14[%swap3A_436, %swap3A_437] {strides = array<i32>} : memref<16x128xf32, #tpu.memory_space<vmem>>, vector<16xf32>,
    tpu.vector_store %arg14[%swap3A_436, %swap3A_437], %broadcast_in_dim3A_3 {strides = array<i32>} : memref<16x128xf32, #tpu.memory_space<vmem>>, vector<16xf32>,
    %swap3A_439 = arith.constant 13 : i32
    %swap3A_440 = arith.index_cast %swap3A_439 : i32 to index
    %swap3A_441 = arith.constant 80 : index
    %swap3A_442 = tpu.vector_load %arg14[%swap3A_440, %swap3A_441] {strides = array<i32>} : memref<16x128xf32, #tpu.memory_space<vmem>>, vector<16xf32>,
    tpu.vector_store %arg14[%swap3A_440, %swap3A_441], %broadcast_in_dim3A_3 {strides = array<i32>} : memref<16x128xf32, #tpu.memory_space<vmem>>, vector<16xf32>,
    %swap3A_443 = arith.constant 13 : i32
    %swap3A_444 = arith.index_cast %swap3A_443 : i32 to index
    %swap3A_445 = arith.constant 96 : index
    %swap3A_446 = tpu.vector_load %arg14[%swap3A_444, %swap3A_445] {strides = array<i32>} : memref<16x128xf32, #tpu.memory_space<vmem>>, vector<16xf32>,
    tpu.vector_store %arg14[%swap3A_444, %swap3A_445], %broadcast_in_dim3A_3 {strides = array<i32>} : memref<16x128xf32, #tpu.memory_space<vmem>>, vector<16xf32>,
    %swap3A_447 = arith.constant 13 : i32
    %swap3A_448 = arith.index_cast %swap3A_447 : i32 to index
    %swap3A_449 = arith.constant 112 : index
    %swap3A_450 = tpu.vector_load %arg14[%swap3A_448, %swap3A_449] {strides = array<i32>} : memref<16x128xf32, #tpu.memory_space<vmem>>, vector<16xf32>,
    tpu.vector_store %arg14[%swap3A_448, %swap3A_449], %broadcast_in_dim3A_3 {strides = array<i32>} : memref<16x128xf32, #tpu.memory_space<vmem>>, vector<16xf32>,
    %swap3A_451 = arith.constant 14 : i32
    %swap3A_452 = arith.index_cast %swap3A_451 : i32 to index
    %swap3A_453 = arith.constant 0 : index
    %swap3A_454 = tpu.vector_load %arg14[%swap3A_452, %swap3A_453] {strides = array<i32>} : memref<16x128xf32, #tpu.memory_space<vmem>>, vector<16xf32>,
    tpu.vector_store %arg14[%swap3A_452, %swap3A_453], %broadcast_in_dim3A_3 {strides = array<i32>} : memref<16x128xf32, #tpu.memory_space<vmem>>, vector<16xf32>,
    %swap3A_455 = arith.constant 14 : i32
    %swap3A_456 = arith.index_cast %swap3A_455 : i32 to index
    %swap3A_457 = arith.constant 16 : index
    %swap3A_458 = tpu.vector_load %arg14[%swap3A_456, %swap3A_457] {strides = array<i32>} : memref<16x128xf32, #tpu.memory_space<vmem>>, vector<16xf32>,
    tpu.vector_store %arg14[%swap3A_456, %swap3A_457], %broadcast_in_dim3A_3 {strides = array<i32>} : memref<16x128xf32, #tpu.memory_space<vmem>>, vector<16xf32>,
    %swap3A_459 = arith.constant 14 : i32
    %swap3A_460 = arith.index_cast %swap3A_459 : i32 to index
    %swap3A_461 = arith.constant 32 : index
    %swap3A_462 = tpu.vector_load %arg14[%swap3A_460, %swap3A_461] {strides = array<i32>} : memref<16x128xf32, #tpu.memory_space<vmem>>, vector<16xf32>,
    tpu.vector_store %arg14[%swap3A_460, %swap3A_461], %broadcast_in_dim3A_3 {strides = array<i32>} : memref<16x128xf32, #tpu.memory_space<vmem>>, vector<16xf32>,
    %swap3A_463 = arith.constant 14 : i32
    %swap3A_464 = arith.index_cast %swap3A_463 : i32 to index
    %swap3A_465 = arith.constant 48 : index
    %swap3A_466 = tpu.vector_load %arg14[%swap3A_464, %swap3A_465] {strides = array<i32>} : memref<16x128xf32, #tpu.memory_space<vmem>>, vector<16xf32>,
    tpu.vector_store %arg14[%swap3A_464, %swap3A_465], %broadcast_in_dim3A_3 {strides = array<i32>} : memref<16x128xf32, #tpu.memory_space<vmem>>, vector<16xf32>,
    %swap3A_467 = arith.constant 14 : i32
    %swap3A_468 = arith.index_cast %swap3A_467 : i32 to index
    %swap3A_469 = arith.constant 64 : index
    %swap3A_470 = tpu.vector_load %arg14[%swap3A_468, %swap3A_469] {strides = array<i32>} : memref<16x128xf32, #tpu.memory_space<vmem>>, vector<16xf32>,
    tpu.vector_store %arg14[%swap3A_468, %swap3A_469], %broadcast_in_dim3A_3 {strides = array<i32>} : memref<16x128xf32, #tpu.memory_space<vmem>>, vector<16xf32>,
    %swap3A_471 = arith.constant 14 : i32
    %swap3A_472 = arith.index_cast %swap3A_471 : i32 to index
    %swap3A_473 = arith.constant 80 : index
    %swap3A_474 = tpu.vector_load %arg14[%swap3A_472, %swap3A_473] {strides = array<i32>} : memref<16x128xf32, #tpu.memory_space<vmem>>, vector<16xf32>,
    tpu.vector_store %arg14[%swap3A_472, %swap3A_473], %broadcast_in_dim3A_3 {strides = array<i32>} : memref<16x128xf32, #tpu.memory_space<vmem>>, vector<16xf32>,
    %swap3A_475 = arith.constant 14 : i32
    %swap3A_476 = arith.index_cast %swap3A_475 : i32 to index
    %swap3A_477 = arith.constant 96 : index
    %swap3A_478 = tpu.vector_load %arg14[%swap3A_476, %swap3A_477] {strides = array<i32>} : memref<16x128xf32, #tpu.memory_space<vmem>>, vector<16xf32>,
    tpu.vector_store %arg14[%swap3A_476, %swap3A_477], %broadcast_in_dim3A_3 {strides = array<i32>} : memref<16x128xf32, #tpu.memory_space<vmem>>, vector<16xf32>,
    %swap3A_479 = arith.constant 14 : i32
    %swap3A_480 = arith.index_cast %swap3A_479 : i32 to index
    %swap3A_481 = arith.constant 112 : index
    %swap3A_482 = tpu.vector_load %arg14[%swap3A_480, %swap3A_481] {strides = array<i32>} : memref<16x128xf32, #tpu.memory_space<vmem>>, vector<16xf32>,
    tpu.vector_store %arg14[%swap3A_480, %swap3A_481], %broadcast_in_dim3A_3 {strides = array<i32>} : memref<16x128xf32, #tpu.memory_space<vmem>>, vector<16xf32>,
    %swap3A_483 = arith.constant 15 : i32
    %swap3A_484 = arith.index_cast %swap3A_483 : i32 to index
    %swap3A_485 = arith.constant 0 : index
    %swap3A_486 = tpu.vector_load %arg14[%swap3A_484, %swap3A_485] {strides = array<i32>} : memref<16x128xf32, #tpu.memory_space<vmem>>, vector<16xf32>,
    tpu.vector_store %arg14[%swap3A_484, %swap3A_485], %broadcast_in_dim3A_3 {strides = array<i32>} : memref<16x128xf32, #tpu.memory_space<vmem>>, vector<16xf32>,
    %swap3A_487 = arith.constant 15 : i32
    %swap3A_488 = arith.index_cast %swap3A_487 : i32 to index
    %swap3A_489 = arith.constant 16 : index
    %swap3A_490 = tpu.vector_load %arg14[%swap3A_488, %swap3A_489] {strides = array<i32>} : memref<16x128xf32, #tpu.memory_space<vmem>>, vector<16xf32>,
    tpu.vector_store %arg14[%swap3A_488, %swap3A_489], %broadcast_in_dim3A_3 {strides = array<i32>} : memref<16x128xf32, #tpu.memory_space<vmem>>, vector<16xf32>,
    %swap3A_491 = arith.constant 15 : i32
    %swap3A_492 = arith.index_cast %swap3A_491 : i32 to index
    %swap3A_493 = arith.constant 32 : index
    %swap3A_494 = tpu.vector_load %arg14[%swap3A_492, %swap3A_493] {strides = array<i32>} : memref<16x128xf32, #tpu.memory_space<vmem>>, vector<16xf32>,
    tpu.vector_store %arg14[%swap3A_492, %swap3A_493], %broadcast_in_dim3A_3 {strides = array<i32>} : memref<16x128xf32, #tpu.memory_space<vmem>>, vector<16xf32>,
    %swap3A_495 = arith.constant 15 : i32
    %swap3A_496 = arith.index_cast %swap3A_495 : i32 to index
    %swap3A_497 = arith.constant 48 : index
    %swap3A_498 = tpu.vector_load %arg14[%swap3A_496, %swap3A_497] {strides = array<i32>} : memref<16x128xf32, #tpu.memory_space<vmem>>, vector<16xf32>,
    tpu.vector_store %arg14[%swap3A_496, %swap3A_497], %broadcast_in_dim3A_3 {strides = array<i32>} : memref<16x128xf32, #tpu.memory_space<vmem>>, vector<16xf32>,
    %swap3A_499 = arith.constant 15 : i32
    %swap3A_500 = arith.index_cast %swap3A_499 : i32 to index
    %swap3A_501 = arith.constant 64 : index
    %swap3A_502 = tpu.vector_load %arg14[%swap3A_500, %swap3A_501] {strides = array<i32>} : memref<16x128xf32, #tpu.memory_space<vmem>>, vector<16xf32>,
    tpu.vector_store %arg14[%swap3A_500, %swap3A_501], %broadcast_in_dim3A_3 {strides = array<i32>} : memref<16x128xf32, #tpu.memory_space<vmem>>, vector<16xf32>,
    %swap3A_503 = arith.constant 15 : i32
    %swap3A_504 = arith.index_cast %swap3A_503 : i32 to index
    %swap3A_505 = arith.constant 80 : index
    %swap3A_506 = tpu.vector_load %arg14[%swap3A_504, %swap3A_505] {strides = array<i32>} : memref<16x128xf32, #tpu.memory_space<vmem>>, vector<16xf32>,
    tpu.vector_store %arg14[%swap3A_504, %swap3A_505], %broadcast_in_dim3A_3 {strides = array<i32>} : memref<16x128xf32, #tpu.memory_space<vmem>>, vector<16xf32>,
    %swap3A_507 = arith.constant 15 : i32
    %swap3A_508 = arith.index_cast %swap3A_507 : i32 to index
    %swap3A_509 = arith.constant 96 : index
    %swap3A_510 = tpu.vector_load %arg14[%swap3A_508, %swap3A_509] {strides = array<i32>} : memref<16x128xf32, #tpu.memory_space<vmem>>, vector<16xf32>,
    tpu.vector_store %arg14[%swap3A_508, %swap3A_509], %broadcast_in_dim3A_3 {strides = array<i32>} : memref<16x128xf32, #tpu.memory_space<vmem>>, vector<16xf32>,
    %swap3A_511 = arith.constant 15 : i32
    %swap3A_512 = arith.index_cast %swap3A_511 : i32 to index
    %swap3A_513 = arith.constant 112 : index
    %swap3A_514 = tpu.vector_load %arg14[%swap3A_512, %swap3A_513] {strides = array<i32>} : memref<16x128xf32, #tpu.memory_space<vmem>>, vector<16xf32>,
    tpu.vector_store %arg14[%swap3A_512, %swap3A_513], %broadcast_in_dim3A_3 {strides = array<i32>} : memref<16x128xf32, #tpu.memory_space<vmem>>, vector<16xf32>,
    %swap3A_515 = arith.constant 0 : i32
    %swap3A_516 = arith.index_cast %swap3A_515 : i32 to index
    %swap3A_517 = arith.constant 0 : index
    %swap3A_518 = tpu.vector_load %arg15[%swap3A_516, %swap3A_517] {strides = array<i32>} : memref<16x128xf32, #tpu.memory_space<vmem>>, vector<16xf32>,
    tpu.vector_store %arg15[%swap3A_516, %swap3A_517], %broadcast_in_dim3A_3 {strides = array<i32>} : memref<16x128xf32, #tpu.memory_space<vmem>>, vector<16xf32>,
    %swap3A_519 = arith.constant 0 : i32
    %swap3A_520 = arith.index_cast %swap3A_519 : i32 to index
    %swap3A_521 = arith.constant 16 : index
    %swap3A_522 = tpu.vector_load %arg15[%swap3A_520, %swap3A_521] {strides = array<i32>} : memref<16x128xf32, #tpu.memory_space<vmem>>, vector<16xf32>,
    tpu.vector_store %arg15[%swap3A_520, %swap3A_521], %broadcast_in_dim3A_3 {strides = array<i32>} : memref<16x128xf32, #tpu.memory_space<vmem>>, vector<16xf32>,
    %swap3A_523 = arith.constant 0 : i32
    %swap3A_524 = arith.index_cast %swap3A_523 : i32 to index
    %swap3A_525 = arith.constant 32 : index
    %swap3A_526 = tpu.vector_load %arg15[%swap3A_524, %swap3A_525] {strides = array<i32>} : memref<16x128xf32, #tpu.memory_space<vmem>>, vector<16xf32>,
    tpu.vector_store %arg15[%swap3A_524, %swap3A_525], %broadcast_in_dim3A_3 {strides = array<i32>} : memref<16x128xf32, #tpu.memory_space<vmem>>, vector<16xf32>,
    %swap3A_527 = arith.constant 0 : i32
    %swap3A_528 = arith.index_cast %swap3A_527 : i32 to index
    %swap3A_529 = arith.constant 48 : index
    %swap3A_530 = tpu.vector_load %arg15[%swap3A_528, %swap3A_529] {strides = array<i32>} : memref<16x128xf32, #tpu.memory_space<vmem>>, vector<16xf32>,
    tpu.vector_store %arg15[%swap3A_528, %swap3A_529], %broadcast_in_dim3A_3 {strides = array<i32>} : memref<16x128xf32, #tpu.memory_space<vmem>>, vector<16xf32>,
    %swap3A_531 = arith.constant 0 : i32
    %swap3A_532 = arith.index_cast %swap3A_531 : i32 to index
    %swap3A_533 = arith.constant 64 : index
    %swap3A_534 = tpu.vector_load %arg15[%swap3A_532, %swap3A_533] {strides = array<i32>} : memref<16x128xf32, #tpu.memory_space<vmem>>, vector<16xf32>,
    tpu.vector_store %arg15[%swap3A_532, %swap3A_533], %broadcast_in_dim3A_3 {strides = array<i32>} : memref<16x128xf32, #tpu.memory_space<vmem>>, vector<16xf32>,
    %swap3A_535 = arith.constant 0 : i32
    %swap3A_536 = arith.index_cast %swap3A_535 : i32 to index
    %swap3A_537 = arith.constant 80 : index
    %swap3A_538 = tpu.vector_load %arg15[%swap3A_536, %swap3A_537] {strides = array<i32>} : memref<16x128xf32, #tpu.memory_space<vmem>>, vector<16xf32>,
    tpu.vector_store %arg15[%swap3A_536, %swap3A_537], %broadcast_in_dim3A_3 {strides = array<i32>} : memref<16x128xf32, #tpu.memory_space<vmem>>, vector<16xf32>,
    %swap3A_539 = arith.constant 0 : i32
    %swap3A_540 = arith.index_cast %swap3A_539 : i32 to index
    %swap3A_541 = arith.constant 96 : index
    %swap3A_542 = tpu.vector_load %arg15[%swap3A_540, %swap3A_541] {strides = array<i32>} : memref<16x128xf32, #tpu.memory_space<vmem>>, vector<16xf32>,
    tpu.vector_store %arg15[%swap3A_540, %swap3A_541], %broadcast_in_dim3A_3 {strides = array<i32>} : memref<16x128xf32, #tpu.memory_space<vmem>>, vector<16xf32>,
    %swap3A_543 = arith.constant 0 : i32
    %swap3A_544 = arith.index_cast %swap3A_543 : i32 to index
    %swap3A_545 = arith.constant 112 : index
    %swap3A_546 = tpu.vector_load %arg15[%swap3A_544, %swap3A_545] {strides = array<i32>} : memref<16x128xf32, #tpu.memory_space<vmem>>, vector<16xf32>,
    tpu.vector_store %arg15[%swap3A_544, %swap3A_545], %broadcast_in_dim3A_3 {strides = array<i32>} : memref<16x128xf32, #tpu.memory_space<vmem>>, vector<16xf32>,
    %swap3A_547 = arith.constant 1 : i32
    %swap3A_548 = arith.index_cast %swap3A_547 : i32 to index
    %swap3A_549 = arith.constant 0 : index
    %swap3A_550 = tpu.vector_load %arg15[%swap3A_548, %swap3A_549] {strides = array<i32>} : memref<16x128xf32, #tpu.memory_space<vmem>>, vector<16xf32>,
    tpu.vector_store %arg15[%swap3A_548, %swap3A_549], %broadcast_in_dim3A_3 {strides = array<i32>} : memref<16x128xf32, #tpu.memory_space<vmem>>, vector<16xf32>,
    %swap3A_551 = arith.constant 1 : i32
    %swap3A_552 = arith.index_cast %swap3A_551 : i32 to index
    %swap3A_553 = arith.constant 16 : index
    %swap3A_554 = tpu.vector_load %arg15[%swap3A_552, %swap3A_553] {strides = array<i32>} : memref<16x128xf32, #tpu.memory_space<vmem>>, vector<16xf32>,
    tpu.vector_store %arg15[%swap3A_552, %swap3A_553], %broadcast_in_dim3A_3 {strides = array<i32>} : memref<16x128xf32, #tpu.memory_space<vmem>>, vector<16xf32>,
    %swap3A_555 = arith.constant 1 : i32
    %swap3A_556 = arith.index_cast %swap3A_555 : i32 to index
    %swap3A_557 = arith.constant 32 : index
    %swap3A_558 = tpu.vector_load %arg15[%swap3A_556, %swap3A_557] {strides = array<i32>} : memref<16x128xf32, #tpu.memory_space<vmem>>, vector<16xf32>,
    tpu.vector_store %arg15[%swap3A_556, %swap3A_557], %broadcast_in_dim3A_3 {strides = array<i32>} : memref<16x128xf32, #tpu.memory_space<vmem>>, vector<16xf32>,
    %swap3A_559 = arith.constant 1 : i32
    %swap3A_560 = arith.index_cast %swap3A_559 : i32 to index
    %swap3A_561 = arith.constant 48 : index
    %swap3A_562 = tpu.vector_load %arg15[%swap3A_560, %swap3A_561] {strides = array<i32>} : memref<16x128xf32, #tpu.memory_space<vmem>>, vector<16xf32>,
    tpu.vector_store %arg15[%swap3A_560, %swap3A_561], %broadcast_in_dim3A_3 {strides = array<i32>} : memref<16x128xf32, #tpu.memory_space<vmem>>, vector<16xf32>,
    %swap3A_563 = arith.constant 1 : i32
    %swap3A_564 = arith.index_cast %swap3A_563 : i32 to index
    %swap3A_565 = arith.constant 64 : index
    %swap3A_566 = tpu.vector_load %arg15[%swap3A_564, %swap3A_565] {strides = array<i32>} : memref<16x128xf32, #tpu.memory_space<vmem>>, vector<16xf32>,
    tpu.vector_store %arg15[%swap3A_564, %swap3A_565], %broadcast_in_dim3A_3 {strides = array<i32>} : memref<16x128xf32, #tpu.memory_space<vmem>>, vector<16xf32>,
    %swap3A_567 = arith.constant 1 : i32
    %swap3A_568 = arith.index_cast %swap3A_567 : i32 to index
    %swap3A_569 = arith.constant 80 : index
    %swap3A_570 = tpu.vector_load %arg15[%swap3A_568, %swap3A_569] {strides = array<i32>} : memref<16x128xf32, #tpu.memory_space<vmem>>, vector<16xf32>,
    tpu.vector_store %arg15[%swap3A_568, %swap3A_569], %broadcast_in_dim3A_3 {strides = array<i32>} : memref<16x128xf32, #tpu.memory_space<vmem>>, vector<16xf32>,
    %swap3A_571 = arith.constant 1 : i32
    %swap3A_572 = arith.index_cast %swap3A_571 : i32 to index
    %swap3A_573 = arith.constant 96 : index
    %swap3A_574 = tpu.vector_load %arg15[%swap3A_572, %swap3A_573] {strides = array<i32>} : memref<16x128xf32, #tpu.memory_space<vmem>>, vector<16xf32>,
    tpu.vector_store %arg15[%swap3A_572, %swap3A_573], %broadcast_in_dim3A_3 {strides = array<i32>} : memref<16x128xf32, #tpu.memory_space<vmem>>, vector<16xf32>,
    %swap3A_575 = arith.constant 1 : i32
    %swap3A_576 = arith.index_cast %swap3A_575 : i32 to index
    %swap3A_577 = arith.constant 112 : index
    %swap3A_578 = tpu.vector_load %arg15[%swap3A_576, %swap3A_577] {strides = array<i32>} : memref<16x128xf32, #tpu.memory_space<vmem>>, vector<16xf32>,
    tpu.vector_store %arg15[%swap3A_576, %swap3A_577], %broadcast_in_dim3A_3 {strides = array<i32>} : memref<16x128xf32, #tpu.memory_space<vmem>>, vector<16xf32>,
    %swap3A_579 = arith.constant 2 : i32
    %swap3A_580 = arith.index_cast %swap3A_579 : i32 to index
    %swap3A_581 = arith.constant 0 : index
    %swap3A_582 = tpu.vector_load %arg15[%swap3A_580, %swap3A_581] {strides = array<i32>} : memref<16x128xf32, #tpu.memory_space<vmem>>, vector<16xf32>,
    tpu.vector_store %arg15[%swap3A_580, %swap3A_581], %broadcast_in_dim3A_3 {strides = array<i32>} : memref<16x128xf32, #tpu.memory_space<vmem>>, vector<16xf32>,
    %swap3A_583 = arith.constant 2 : i32
    %swap3A_584 = arith.index_cast %swap3A_583 : i32 to index
    %swap3A_585 = arith.constant 16 : index
    %swap3A_586 = tpu.vector_load %arg15[%swap3A_584, %swap3A_585] {strides = array<i32>} : memref<16x128xf32, #tpu.memory_space<vmem>>, vector<16xf32>,
    tpu.vector_store %arg15[%swap3A_584, %swap3A_585], %broadcast_in_dim3A_3 {strides = array<i32>} : memref<16x128xf32, #tpu.memory_space<vmem>>, vector<16xf32>,
    %swap3A_587 = arith.constant 2 : i32
    %swap3A_588 = arith.index_cast %swap3A_587 : i32 to index
    %swap3A_589 = arith.constant 32 : index
    %swap3A_590 = tpu.vector_load %arg15[%swap3A_588, %swap3A_589] {strides = array<i32>} : memref<16x128xf32, #tpu.memory_space<vmem>>, vector<16xf32>,
    tpu.vector_store %arg15[%swap3A_588, %swap3A_589], %broadcast_in_dim3A_3 {strides = array<i32>} : memref<16x128xf32, #tpu.memory_space<vmem>>, vector<16xf32>,
    %swap3A_591 = arith.constant 2 : i32
    %swap3A_592 = arith.index_cast %swap3A_591 : i32 to index
    %swap3A_593 = arith.constant 48 : index
    %swap3A_594 = tpu.vector_load %arg15[%swap3A_592, %swap3A_593] {strides = array<i32>} : memref<16x128xf32, #tpu.memory_space<vmem>>, vector<16xf32>,
    tpu.vector_store %arg15[%swap3A_592, %swap3A_593], %broadcast_in_dim3A_3 {strides = array<i32>} : memref<16x128xf32, #tpu.memory_space<vmem>>, vector<16xf32>,
    %swap3A_595 = arith.constant 2 : i32
    %swap3A_596 = arith.index_cast %swap3A_595 : i32 to index
    %swap3A_597 = arith.constant 64 : index
    %swap3A_598 = tpu.vector_load %arg15[%swap3A_596, %swap3A_597] {strides = array<i32>} : memref<16x128xf32, #tpu.memory_space<vmem>>, vector<16xf32>,
    tpu.vector_store %arg15[%swap3A_596, %swap3A_597], %broadcast_in_dim3A_3 {strides = array<i32>} : memref<16x128xf32, #tpu.memory_space<vmem>>, vector<16xf32>,
    %swap3A_599 = arith.constant 2 : i32
    %swap3A_600 = arith.index_cast %swap3A_599 : i32 to index
    %swap3A_601 = arith.constant 80 : index
    %swap3A_602 = tpu.vector_load %arg15[%swap3A_600, %swap3A_601] {strides = array<i32>} : memref<16x128xf32, #tpu.memory_space<vmem>>, vector<16xf32>,
    tpu.vector_store %arg15[%swap3A_600, %swap3A_601], %broadcast_in_dim3A_3 {strides = array<i32>} : memref<16x128xf32, #tpu.memory_space<vmem>>, vector<16xf32>,
    %swap3A_603 = arith.constant 2 : i32
    %swap3A_604 = arith.index_cast %swap3A_603 : i32 to index
    %swap3A_605 = arith.constant 96 : index
    %swap3A_606 = tpu.vector_load %arg15[%swap3A_604, %swap3A_605] {strides = array<i32>} : memref<16x128xf32, #tpu.memory_space<vmem>>, vector<16xf32>,
    tpu.vector_store %arg15[%swap3A_604, %swap3A_605], %broadcast_in_dim3A_3 {strides = array<i32>} : memref<16x128xf32, #tpu.memory_space<vmem>>, vector<16xf32>,
    %swap3A_607 = arith.constant 2 : i32
    %swap3A_608 = arith.index_cast %swap3A_607 : i32 to index
    %swap3A_609 = arith.constant 112 : index
    %swap3A_610 = tpu.vector_load %arg15[%swap3A_608, %swap3A_609] {strides = array<i32>} : memref<16x128xf32, #tpu.memory_space<vmem>>, vector<16xf32>,
    tpu.vector_store %arg15[%swap3A_608, %swap3A_609], %broadcast_in_dim3A_3 {strides = array<i32>} : memref<16x128xf32, #tpu.memory_space<vmem>>, vector<16xf32>,
    %swap3A_611 = arith.constant 3 : i32
    %swap3A_612 = arith.index_cast %swap3A_611 : i32 to index
    %swap3A_613 = arith.constant 0 : index
    %swap3A_614 = tpu.vector_load %arg15[%swap3A_612, %swap3A_613] {strides = array<i32>} : memref<16x128xf32, #tpu.memory_space<vmem>>, vector<16xf32>,
    tpu.vector_store %arg15[%swap3A_612, %swap3A_613], %broadcast_in_dim3A_3 {strides = array<i32>} : memref<16x128xf32, #tpu.memory_space<vmem>>, vector<16xf32>,
    %swap3A_615 = arith.constant 3 : i32
    %swap3A_616 = arith.index_cast %swap3A_615 : i32 to index
    %swap3A_617 = arith.constant 16 : index
    %swap3A_618 = tpu.vector_load %arg15[%swap3A_616, %swap3A_617] {strides = array<i32>} : memref<16x128xf32, #tpu.memory_space<vmem>>, vector<16xf32>,
    tpu.vector_store %arg15[%swap3A_616, %swap3A_617], %broadcast_in_dim3A_3 {strides = array<i32>} : memref<16x128xf32, #tpu.memory_space<vmem>>, vector<16xf32>,
    %swap3A_619 = arith.constant 3 : i32
    %swap3A_620 = arith.index_cast %swap3A_619 : i32 to index
    %swap3A_621 = arith.constant 32 : index
    %swap3A_622 = tpu.vector_load %arg15[%swap3A_620, %swap3A_621] {strides = array<i32>} : memref<16x128xf32, #tpu.memory_space<vmem>>, vector<16xf32>,
    tpu.vector_store %arg15[%swap3A_620, %swap3A_621], %broadcast_in_dim3A_3 {strides = array<i32>} : memref<16x128xf32, #tpu.memory_space<vmem>>, vector<16xf32>,
    %swap3A_623 = arith.constant 3 : i32
    %swap3A_624 = arith.index_cast %swap3A_623 : i32 to index
    %swap3A_625 = arith.constant 48 : index
    %swap3A_626 = tpu.vector_load %arg15[%swap3A_624, %swap3A_625] {strides = array<i32>} : memref<16x128xf32, #tpu.memory_space<vmem>>, vector<16xf32>,
    tpu.vector_store %arg15[%swap3A_624, %swap3A_625], %broadcast_in_dim3A_3 {strides = array<i32>} : memref<16x128xf32, #tpu.memory_space<vmem>>, vector<16xf32>,
    %swap3A_627 = arith.constant 3 : i32
    %swap3A_628 = arith.index_cast %swap3A_627 : i32 to index
    %swap3A_629 = arith.constant 64 : index
    %swap3A_630 = tpu.vector_load %arg15[%swap3A_628, %swap3A_629] {strides = array<i32>} : memref<16x128xf32, #tpu.memory_space<vmem>>, vector<16xf32>,
    tpu.vector_store %arg15[%swap3A_628, %swap3A_629], %broadcast_in_dim3A_3 {strides = array<i32>} : memref<16x128xf32, #tpu.memory_space<vmem>>, vector<16xf32>,
    %swap3A_631 = arith.constant 3 : i32
    %swap3A_632 = arith.index_cast %swap3A_631 : i32 to index
    %swap3A_633 = arith.constant 80 : index
    %swap3A_634 = tpu.vector_load %arg15[%swap3A_632, %swap3A_633] {strides = array<i32>} : memref<16x128xf32, #tpu.memory_space<vmem>>, vector<16xf32>,
    tpu.vector_store %arg15[%swap3A_632, %swap3A_633], %broadcast_in_dim3A_3 {strides = array<i32>} : memref<16x128xf32, #tpu.memory_space<vmem>>, vector<16xf32>,
    %swap3A_635 = arith.constant 3 : i32
    %swap3A_636 = arith.index_cast %swap3A_635 : i32 to index
    %swap3A_637 = arith.constant 96 : index
    %swap3A_638 = tpu.vector_load %arg15[%swap3A_636, %swap3A_637] {strides = array<i32>} : memref<16x128xf32, #tpu.memory_space<vmem>>, vector<16xf32>,
    tpu.vector_store %arg15[%swap3A_636, %swap3A_637], %broadcast_in_dim3A_3 {strides = array<i32>} : memref<16x128xf32, #tpu.memory_space<vmem>>, vector<16xf32>,
    %swap3A_639 = arith.constant 3 : i32
    %swap3A_640 = arith.index_cast %swap3A_639 : i32 to index
    %swap3A_641 = arith.constant 112 : index
    %swap3A_642 = tpu.vector_load %arg15[%swap3A_640, %swap3A_641] {strides = array<i32>} : memref<16x128xf32, #tpu.memory_space<vmem>>, vector<16xf32>,
    tpu.vector_store %arg15[%swap3A_640, %swap3A_641], %broadcast_in_dim3A_3 {strides = array<i32>} : memref<16x128xf32, #tpu.memory_space<vmem>>, vector<16xf32>,
    %swap3A_643 = arith.constant 4 : i32
    %swap3A_644 = arith.index_cast %swap3A_643 : i32 to index
    %swap3A_645 = arith.constant 0 : index
    %swap3A_646 = tpu.vector_load %arg15[%swap3A_644, %swap3A_645] {strides = array<i32>} : memref<16x128xf32, #tpu.memory_space<vmem>>, vector<16xf32>,
    tpu.vector_store %arg15[%swap3A_644, %swap3A_645], %broadcast_in_dim3A_3 {strides = array<i32>} : memref<16x128xf32, #tpu.memory_space<vmem>>, vector<16xf32>,
    %swap3A_647 = arith.constant 4 : i32
    %swap3A_648 = arith.index_cast %swap3A_647 : i32 to index
    %swap3A_649 = arith.constant 16 : index
    %swap3A_650 = tpu.vector_load %arg15[%swap3A_648, %swap3A_649] {strides = array<i32>} : memref<16x128xf32, #tpu.memory_space<vmem>>, vector<16xf32>,
    tpu.vector_store %arg15[%swap3A_648, %swap3A_649], %broadcast_in_dim3A_3 {strides = array<i32>} : memref<16x128xf32, #tpu.memory_space<vmem>>, vector<16xf32>,
    %swap3A_651 = arith.constant 4 : i32
    %swap3A_652 = arith.index_cast %swap3A_651 : i32 to index
    %swap3A_653 = arith.constant 32 : index
    %swap3A_654 = tpu.vector_load %arg15[%swap3A_652, %swap3A_653] {strides = array<i32>} : memref<16x128xf32, #tpu.memory_space<vmem>>, vector<16xf32>,
    tpu.vector_store %arg15[%swap3A_652, %swap3A_653], %broadcast_in_dim3A_3 {strides = array<i32>} : memref<16x128xf32, #tpu.memory_space<vmem>>, vector<16xf32>,
    %swap3A_655 = arith.constant 4 : i32
    %swap3A_656 = arith.index_cast %swap3A_655 : i32 to index
    %swap3A_657 = arith.constant 48 : index
    %swap3A_658 = tpu.vector_load %arg15[%swap3A_656, %swap3A_657] {strides = array<i32>} : memref<16x128xf32, #tpu.memory_space<vmem>>, vector<16xf32>,
    tpu.vector_store %arg15[%swap3A_656, %swap3A_657], %broadcast_in_dim3A_3 {strides = array<i32>} : memref<16x128xf32, #tpu.memory_space<vmem>>, vector<16xf32>,
    %swap3A_659 = arith.constant 4 : i32
    %swap3A_660 = arith.index_cast %swap3A_659 : i32 to index
    %swap3A_661 = arith.constant 64 : index
    %swap3A_662 = tpu.vector_load %arg15[%swap3A_660, %swap3A_661] {strides = array<i32>} : memref<16x128xf32, #tpu.memory_space<vmem>>, vector<16xf32>,
    tpu.vector_store %arg15[%swap3A_660, %swap3A_661], %broadcast_in_dim3A_3 {strides = array<i32>} : memref<16x128xf32, #tpu.memory_space<vmem>>, vector<16xf32>,
    %swap3A_663 = arith.constant 4 : i32
    %swap3A_664 = arith.index_cast %swap3A_663 : i32 to index
    %swap3A_665 = arith.constant 80 : index
    %swap3A_666 = tpu.vector_load %arg15[%swap3A_664, %swap3A_665] {strides = array<i32>} : memref<16x128xf32, #tpu.memory_space<vmem>>, vector<16xf32>,
    tpu.vector_store %arg15[%swap3A_664, %swap3A_665], %broadcast_in_dim3A_3 {strides = array<i32>} : memref<16x128xf32, #tpu.memory_space<vmem>>, vector<16xf32>,
    %swap3A_667 = arith.constant 4 : i32
    %swap3A_668 = arith.index_cast %swap3A_667 : i32 to index
    %swap3A_669 = arith.constant 96 : index
    %swap3A_670 = tpu.vector_load %arg15[%swap3A_668, %swap3A_669] {strides = array<i32>} : memref<16x128xf32, #tpu.memory_space<vmem>>, vector<16xf32>,
    tpu.vector_store %arg15[%swap3A_668, %swap3A_669], %broadcast_in_dim3A_3 {strides = array<i32>} : memref<16x128xf32, #tpu.memory_space<vmem>>, vector<16xf32>,
    %swap3A_671 = arith.constant 4 : i32
    %swap3A_672 = arith.index_cast %swap3A_671 : i32 to index
    %swap3A_673 = arith.constant 112 : index
    %swap3A_674 = tpu.vector_load %arg15[%swap3A_672, %swap3A_673] {strides = array<i32>} : memref<16x128xf32, #tpu.memory_space<vmem>>, vector<16xf32>,
    tpu.vector_store %arg15[%swap3A_672, %swap3A_673], %broadcast_in_dim3A_3 {strides = array<i32>} : memref<16x128xf32, #tpu.memory_space<vmem>>, vector<16xf32>,
    %swap3A_675 = arith.constant 5 : i32
    %swap3A_676 = arith.index_cast %swap3A_675 : i32 to index
    %swap3A_677 = arith.constant 0 : index
    %swap3A_678 = tpu.vector_load %arg15[%swap3A_676, %swap3A_677] {strides = array<i32>} : memref<16x128xf32, #tpu.memory_space<vmem>>, vector<16xf32>,
    tpu.vector_store %arg15[%swap3A_676, %swap3A_677], %broadcast_in_dim3A_3 {strides = array<i32>} : memref<16x128xf32, #tpu.memory_space<vmem>>, vector<16xf32>,
    %swap3A_679 = arith.constant 5 : i32
    %swap3A_680 = arith.index_cast %swap3A_679 : i32 to index
    %swap3A_681 = arith.constant 16 : index
    %swap3A_682 = tpu.vector_load %arg15[%swap3A_680, %swap3A_681] {strides = array<i32>} : memref<16x128xf32, #tpu.memory_space<vmem>>, vector<16xf32>,
    tpu.vector_store %arg15[%swap3A_680, %swap3A_681], %broadcast_in_dim3A_3 {strides = array<i32>} : memref<16x128xf32, #tpu.memory_space<vmem>>, vector<16xf32>,
    %swap3A_683 = arith.constant 5 : i32
    %swap3A_684 = arith.index_cast %swap3A_683 : i32 to index
    %swap3A_685 = arith.constant 32 : index
    %swap3A_686 = tpu.vector_load %arg15[%swap3A_684, %swap3A_685] {strides = array<i32>} : memref<16x128xf32, #tpu.memory_space<vmem>>, vector<16xf32>,
    tpu.vector_store %arg15[%swap3A_684, %swap3A_685], %broadcast_in_dim3A_3 {strides = array<i32>} : memref<16x128xf32, #tpu.memory_space<vmem>>, vector<16xf32>,
    %swap3A_687 = arith.constant 5 : i32
    %swap3A_688 = arith.index_cast %swap3A_687 : i32 to index
    %swap3A_689 = arith.constant 48 : index
    %swap3A_690 = tpu.vector_load %arg15[%swap3A_688, %swap3A_689] {strides = array<i32>} : memref<16x128xf32, #tpu.memory_space<vmem>>, vector<16xf32>,
    tpu.vector_store %arg15[%swap3A_688, %swap3A_689], %broadcast_in_dim3A_3 {strides = array<i32>} : memref<16x128xf32, #tpu.memory_space<vmem>>, vector<16xf32>,
    %swap3A_691 = arith.constant 5 : i32
    %swap3A_692 = arith.index_cast %swap3A_691 : i32 to index
    %swap3A_693 = arith.constant 64 : index
    %swap3A_694 = tpu.vector_load %arg15[%swap3A_692, %swap3A_693] {strides = array<i32>} : memref<16x128xf32, #tpu.memory_space<vmem>>, vector<16xf32>,
    tpu.vector_store %arg15[%swap3A_692, %swap3A_693], %broadcast_in_dim3A_3 {strides = array<i32>} : memref<16x128xf32, #tpu.memory_space<vmem>>, vector<16xf32>,
    %swap3A_695 = arith.constant 5 : i32
    %swap3A_696 = arith.index_cast %swap3A_695 : i32 to index
    %swap3A_697 = arith.constant 80 : index
    %swap3A_698 = tpu.vector_load %arg15[%swap3A_696, %swap3A_697] {strides = array<i32>} : memref<16x128xf32, #tpu.memory_space<vmem>>, vector<16xf32>,
    tpu.vector_store %arg15[%swap3A_696, %swap3A_697], %broadcast_in_dim3A_3 {strides = array<i32>} : memref<16x128xf32, #tpu.memory_space<vmem>>, vector<16xf32>,
    %swap3A_699 = arith.constant 5 : i32
    %swap3A_700 = arith.index_cast %swap3A_699 : i32 to index
    %swap3A_701 = arith.constant 96 : index
    %swap3A_702 = tpu.vector_load %arg15[%swap3A_700, %swap3A_701] {strides = array<i32>} : memref<16x128xf32, #tpu.memory_space<vmem>>, vector<16xf32>,
    tpu.vector_store %arg15[%swap3A_700, %swap3A_701], %broadcast_in_dim3A_3 {strides = array<i32>} : memref<16x128xf32, #tpu.memory_space<vmem>>, vector<16xf32>,
    %swap3A_703 = arith.constant 5 : i32
    %swap3A_704 = arith.index_cast %swap3A_703 : i32 to index
    %swap3A_705 = arith.constant 112 : index
    %swap3A_706 = tpu.vector_load %arg15[%swap3A_704, %swap3A_705] {strides = array<i32>} : memref<16x128xf32, #tpu.memory_space<vmem>>, vector<16xf32>,
    tpu.vector_store %arg15[%swap3A_704, %swap3A_705], %broadcast_in_dim3A_3 {strides = array<i32>} : memref<16x128xf32, #tpu.memory_space<vmem>>, vector<16xf32>,
    %swap3A_707 = arith.constant 6 : i32
    %swap3A_708 = arith.index_cast %swap3A_707 : i32 to index
    %swap3A_709 = arith.constant 0 : index
    %swap3A_710 = tpu.vector_load %arg15[%swap3A_708, %swap3A_709] {strides = array<i32>} : memref<16x128xf32, #tpu.memory_space<vmem>>, vector<16xf32>,
    tpu.vector_store %arg15[%swap3A_708, %swap3A_709], %broadcast_in_dim3A_3 {strides = array<i32>} : memref<16x128xf32, #tpu.memory_space<vmem>>, vector<16xf32>,
    %swap3A_711 = arith.constant 6 : i32
    %swap3A_712 = arith.index_cast %swap3A_711 : i32 to index
    %swap3A_713 = arith.constant 16 : index
    %swap3A_714 = tpu.vector_load %arg15[%swap3A_712, %swap3A_713] {strides = array<i32>} : memref<16x128xf32, #tpu.memory_space<vmem>>, vector<16xf32>,
    tpu.vector_store %arg15[%swap3A_712, %swap3A_713], %broadcast_in_dim3A_3 {strides = array<i32>} : memref<16x128xf32, #tpu.memory_space<vmem>>, vector<16xf32>,
    %swap3A_715 = arith.constant 6 : i32
    %swap3A_716 = arith.index_cast %swap3A_715 : i32 to index
    %swap3A_717 = arith.constant 32 : index
    %swap3A_718 = tpu.vector_load %arg15[%swap3A_716, %swap3A_717] {strides = array<i32>} : memref<16x128xf32, #tpu.memory_space<vmem>>, vector<16xf32>,
    tpu.vector_store %arg15[%swap3A_716, %swap3A_717], %broadcast_in_dim3A_3 {strides = array<i32>} : memref<16x128xf32, #tpu.memory_space<vmem>>, vector<16xf32>,
    %swap3A_719 = arith.constant 6 : i32
    %swap3A_720 = arith.index_cast %swap3A_719 : i32 to index
    %swap3A_721 = arith.constant 48 : index
    %swap3A_722 = tpu.vector_load %arg15[%swap3A_720, %swap3A_721] {strides = array<i32>} : memref<16x128xf32, #tpu.memory_space<vmem>>, vector<16xf32>,
    tpu.vector_store %arg15[%swap3A_720, %swap3A_721], %broadcast_in_dim3A_3 {strides = array<i32>} : memref<16x128xf32, #tpu.memory_space<vmem>>, vector<16xf32>,
    %swap3A_723 = arith.constant 6 : i32
    %swap3A_724 = arith.index_cast %swap3A_723 : i32 to index
    %swap3A_725 = arith.constant 64 : index
    %swap3A_726 = tpu.vector_load %arg15[%swap3A_724, %swap3A_725] {strides = array<i32>} : memref<16x128xf32, #tpu.memory_space<vmem>>, vector<16xf32>,
    tpu.vector_store %arg15[%swap3A_724, %swap3A_725], %broadcast_in_dim3A_3 {strides = array<i32>} : memref<16x128xf32, #tpu.memory_space<vmem>>, vector<16xf32>,
    %swap3A_727 = arith.constant 6 : i32
    %swap3A_728 = arith.index_cast %swap3A_727 : i32 to index
    %swap3A_729 = arith.constant 80 : index
    %swap3A_730 = tpu.vector_load %arg15[%swap3A_728, %swap3A_729] {strides = array<i32>} : memref<16x128xf32, #tpu.memory_space<vmem>>, vector<16xf32>,
    tpu.vector_store %arg15[%swap3A_728, %swap3A_729], %broadcast_in_dim3A_3 {strides = array<i32>} : memref<16x128xf32, #tpu.memory_space<vmem>>, vector<16xf32>,
    %swap3A_731 = arith.constant 6 : i32
    %swap3A_732 = arith.index_cast %swap3A_731 : i32 to index
    %swap3A_733 = arith.constant 96 : index
    %swap3A_734 = tpu.vector_load %arg15[%swap3A_732, %swap3A_733] {strides = array<i32>} : memref<16x128xf32, #tpu.memory_space<vmem>>, vector<16xf32>,
    tpu.vector_store %arg15[%swap3A_732, %swap3A_733], %broadcast_in_dim3A_3 {strides = array<i32>} : memref<16x128xf32, #tpu.memory_space<vmem>>, vector<16xf32>,
    %swap3A_735 = arith.constant 6 : i32
    %swap3A_736 = arith.index_cast %swap3A_735 : i32 to index
    %swap3A_737 = arith.constant 112 : index
    %swap3A_738 = tpu.vector_load %arg15[%swap3A_736, %swap3A_737] {strides = array<i32>} : memref<16x128xf32, #tpu.memory_space<vmem>>, vector<16xf32>,
    tpu.vector_store %arg15[%swap3A_736, %swap3A_737], %broadcast_in_dim3A_3 {strides = array<i32>} : memref<16x128xf32, #tpu.memory_space<vmem>>, vector<16xf32>,
    %swap3A_739 = arith.constant 7 : i32
    %swap3A_740 = arith.index_cast %swap3A_739 : i32 to index
    %swap3A_741 = arith.constant 0 : index
    %swap3A_742 = tpu.vector_load %arg15[%swap3A_740, %swap3A_741] {strides = array<i32>} : memref<16x128xf32, #tpu.memory_space<vmem>>, vector<16xf32>,
    tpu.vector_store %arg15[%swap3A_740, %swap3A_741], %broadcast_in_dim3A_3 {strides = array<i32>} : memref<16x128xf32, #tpu.memory_space<vmem>>, vector<16xf32>,
    %swap3A_743 = arith.constant 7 : i32
    %swap3A_744 = arith.index_cast %swap3A_743 : i32 to index
    %swap3A_745 = arith.constant 16 : index
    %swap3A_746 = tpu.vector_load %arg15[%swap3A_744, %swap3A_745] {strides = array<i32>} : memref<16x128xf32, #tpu.memory_space<vmem>>, vector<16xf32>,
    tpu.vector_store %arg15[%swap3A_744, %swap3A_745], %broadcast_in_dim3A_3 {strides = array<i32>} : memref<16x128xf32, #tpu.memory_space<vmem>>, vector<16xf32>,
    %swap3A_747 = arith.constant 7 : i32
    %swap3A_748 = arith.index_cast %swap3A_747 : i32 to index
    %swap3A_749 = arith.constant 32 : index
    %swap3A_750 = tpu.vector_load %arg15[%swap3A_748, %swap3A_749] {strides = array<i32>} : memref<16x128xf32, #tpu.memory_space<vmem>>, vector<16xf32>,
    tpu.vector_store %arg15[%swap3A_748, %swap3A_749], %broadcast_in_dim3A_3 {strides = array<i32>} : memref<16x128xf32, #tpu.memory_space<vmem>>, vector<16xf32>,
    %swap3A_751 = arith.constant 7 : i32
    %swap3A_752 = arith.index_cast %swap3A_751 : i32 to index
    %swap3A_753 = arith.constant 48 : index
    %swap3A_754 = tpu.vector_load %arg15[%swap3A_752, %swap3A_753] {strides = array<i32>} : memref<16x128xf32, #tpu.memory_space<vmem>>, vector<16xf32>,
    tpu.vector_store %arg15[%swap3A_752, %swap3A_753], %broadcast_in_dim3A_3 {strides = array<i32>} : memref<16x128xf32, #tpu.memory_space<vmem>>, vector<16xf32>,
    %swap3A_755 = arith.constant 7 : i32
    %swap3A_756 = arith.index_cast %swap3A_755 : i32 to index
    %swap3A_757 = arith.constant 64 : index
    %swap3A_758 = tpu.vector_load %arg15[%swap3A_756, %swap3A_757] {strides = array<i32>} : memref<16x128xf32, #tpu.memory_space<vmem>>, vector<16xf32>,
    tpu.vector_store %arg15[%swap3A_756, %swap3A_757], %broadcast_in_dim3A_3 {strides = array<i32>} : memref<16x128xf32, #tpu.memory_space<vmem>>, vector<16xf32>,
    %swap3A_759 = arith.constant 7 : i32
    %swap3A_760 = arith.index_cast %swap3A_759 : i32 to index
    %swap3A_761 = arith.constant 80 : index
    %swap3A_762 = tpu.vector_load %arg15[%swap3A_760, %swap3A_761] {strides = array<i32>} : memref<16x128xf32, #tpu.memory_space<vmem>>, vector<16xf32>,
    tpu.vector_store %arg15[%swap3A_760, %swap3A_761], %broadcast_in_dim3A_3 {strides = array<i32>} : memref<16x128xf32, #tpu.memory_space<vmem>>, vector<16xf32>,
    %swap3A_763 = arith.constant 7 : i32
    %swap3A_764 = arith.index_cast %swap3A_763 : i32 to index
    %swap3A_765 = arith.constant 96 : index
    %swap3A_766 = tpu.vector_load %arg15[%swap3A_764, %swap3A_765] {strides = array<i32>} : memref<16x128xf32, #tpu.memory_space<vmem>>, vector<16xf32>,
    tpu.vector_store %arg15[%swap3A_764, %swap3A_765], %broadcast_in_dim3A_3 {strides = array<i32>} : memref<16x128xf32, #tpu.memory_space<vmem>>, vector<16xf32>,
    %swap3A_767 = arith.constant 7 : i32
    %swap3A_768 = arith.index_cast %swap3A_767 : i32 to index
    %swap3A_769 = arith.constant 112 : index
    %swap3A_770 = tpu.vector_load %arg15[%swap3A_768, %swap3A_769] {strides = array<i32>} : memref<16x128xf32, #tpu.memory_space<vmem>>, vector<16xf32>,
    tpu.vector_store %arg15[%swap3A_768, %swap3A_769], %broadcast_in_dim3A_3 {strides = array<i32>} : memref<16x128xf32, #tpu.memory_space<vmem>>, vector<16xf32>,
    %swap3A_771 = arith.constant 8 : i32
    %swap3A_772 = arith.index_cast %swap3A_771 : i32 to index
    %swap3A_773 = arith.constant 0 : index
    %swap3A_774 = tpu.vector_load %arg15[%swap3A_772, %swap3A_773] {strides = array<i32>} : memref<16x128xf32, #tpu.memory_space<vmem>>, vector<16xf32>,
    tpu.vector_store %arg15[%swap3A_772, %swap3A_773], %broadcast_in_dim3A_3 {strides = array<i32>} : memref<16x128xf32, #tpu.memory_space<vmem>>, vector<16xf32>,
    %swap3A_775 = arith.constant 8 : i32
    %swap3A_776 = arith.index_cast %swap3A_775 : i32 to index
    %swap3A_777 = arith.constant 16 : index
    %swap3A_778 = tpu.vector_load %arg15[%swap3A_776, %swap3A_777] {strides = array<i32>} : memref<16x128xf32, #tpu.memory_space<vmem>>, vector<16xf32>,
    tpu.vector_store %arg15[%swap3A_776, %swap3A_777], %broadcast_in_dim3A_3 {strides = array<i32>} : memref<16x128xf32, #tpu.memory_space<vmem>>, vector<16xf32>,
    %swap3A_779 = arith.constant 8 : i32
    %swap3A_780 = arith.index_cast %swap3A_779 : i32 to index
    %swap3A_781 = arith.constant 32 : index
    %swap3A_782 = tpu.vector_load %arg15[%swap3A_780, %swap3A_781] {strides = array<i32>} : memref<16x128xf32, #tpu.memory_space<vmem>>, vector<16xf32>,
    tpu.vector_store %arg15[%swap3A_780, %swap3A_781], %broadcast_in_dim3A_3 {strides = array<i32>} : memref<16x128xf32, #tpu.memory_space<vmem>>, vector<16xf32>,
    %swap3A_783 = arith.constant 8 : i32
    %swap3A_784 = arith.index_cast %swap3A_783 : i32 to index
    %swap3A_785 = arith.constant 48 : index
    %swap3A_786 = tpu.vector_load %arg15[%swap3A_784, %swap3A_785] {strides = array<i32>} : memref<16x128xf32, #tpu.memory_space<vmem>>, vector<16xf32>,
    tpu.vector_store %arg15[%swap3A_784, %swap3A_785], %broadcast_in_dim3A_3 {strides = array<i32>} : memref<16x128xf32, #tpu.memory_space<vmem>>, vector<16xf32>,
    %swap3A_787 = arith.constant 8 : i32
    %swap3A_788 = arith.index_cast %swap3A_787 : i32 to index
    %swap3A_789 = arith.constant 64 : index
    %swap3A_790 = tpu.vector_load %arg15[%swap3A_788, %swap3A_789] {strides = array<i32>} : memref<16x128xf32, #tpu.memory_space<vmem>>, vector<16xf32>,
    tpu.vector_store %arg15[%swap3A_788, %swap3A_789], %broadcast_in_dim3A_3 {strides = array<i32>} : memref<16x128xf32, #tpu.memory_space<vmem>>, vector<16xf32>,
    %swap3A_791 = arith.constant 8 : i32
    %swap3A_792 = arith.index_cast %swap3A_791 : i32 to index
    %swap3A_793 = arith.constant 80 : index
    %swap3A_794 = tpu.vector_load %arg15[%swap3A_792, %swap3A_793] {strides = array<i32>} : memref<16x128xf32, #tpu.memory_space<vmem>>, vector<16xf32>,
    tpu.vector_store %arg15[%swap3A_792, %swap3A_793], %broadcast_in_dim3A_3 {strides = array<i32>} : memref<16x128xf32, #tpu.memory_space<vmem>>, vector<16xf32>,
    %swap3A_795 = arith.constant 8 : i32
    %swap3A_796 = arith.index_cast %swap3A_795 : i32 to index
    %swap3A_797 = arith.constant 96 : index
    %swap3A_798 = tpu.vector_load %arg15[%swap3A_796, %swap3A_797] {strides = array<i32>} : memref<16x128xf32, #tpu.memory_space<vmem>>, vector<16xf32>,
    tpu.vector_store %arg15[%swap3A_796, %swap3A_797], %broadcast_in_dim3A_3 {strides = array<i32>} : memref<16x128xf32, #tpu.memory_space<vmem>>, vector<16xf32>,
    %swap3A_799 = arith.constant 8 : i32
    %swap3A_800 = arith.index_cast %swap3A_799 : i32 to index
    %swap3A_801 = arith.constant 112 : index
    %swap3A_802 = tpu.vector_load %arg15[%swap3A_800, %swap3A_801] {strides = array<i32>} : memref<16x128xf32, #tpu.memory_space<vmem>>, vector<16xf32>,
    tpu.vector_store %arg15[%swap3A_800, %swap3A_801], %broadcast_in_dim3A_3 {strides = array<i32>} : memref<16x128xf32, #tpu.memory_space<vmem>>, vector<16xf32>,
    %swap3A_803 = arith.constant 9 : i32
    %swap3A_804 = arith.index_cast %swap3A_803 : i32 to index
    %swap3A_805 = arith.constant 0 : index
    %swap3A_806 = tpu.vector_load %arg15[%swap3A_804, %swap3A_805] {strides = array<i32>} : memref<16x128xf32, #tpu.memory_space<vmem>>, vector<16xf32>,
    tpu.vector_store %arg15[%swap3A_804, %swap3A_805], %broadcast_in_dim3A_3 {strides = array<i32>} : memref<16x128xf32, #tpu.memory_space<vmem>>, vector<16xf32>,
    %swap3A_807 = arith.constant 9 : i32
    %swap3A_808 = arith.index_cast %swap3A_807 : i32 to index
    %swap3A_809 = arith.constant 16 : index
    %swap3A_810 = tpu.vector_load %arg15[%swap3A_808, %swap3A_809] {strides = array<i32>} : memref<16x128xf32, #tpu.memory_space<vmem>>, vector<16xf32>,
    tpu.vector_store %arg15[%swap3A_808, %swap3A_809], %broadcast_in_dim3A_3 {strides = array<i32>} : memref<16x128xf32, #tpu.memory_space<vmem>>, vector<16xf32>,
    %swap3A_811 = arith.constant 9 : i32
    %swap3A_812 = arith.index_cast %swap3A_811 : i32 to index
    %swap3A_813 = arith.constant 32 : index
    %swap3A_814 = tpu.vector_load %arg15[%swap3A_812, %swap3A_813] {strides = array<i32>} : memref<16x128xf32, #tpu.memory_space<vmem>>, vector<16xf32>,
    tpu.vector_store %arg15[%swap3A_812, %swap3A_813], %broadcast_in_dim3A_3 {strides = array<i32>} : memref<16x128xf32, #tpu.memory_space<vmem>>, vector<16xf32>,
    %swap3A_815 = arith.constant 9 : i32
    %swap3A_816 = arith.index_cast %swap3A_815 : i32 to index
    %swap3A_817 = arith.constant 48 : index
    %swap3A_818 = tpu.vector_load %arg15[%swap3A_816, %swap3A_817] {strides = array<i32>} : memref<16x128xf32, #tpu.memory_space<vmem>>, vector<16xf32>,
    tpu.vector_store %arg15[%swap3A_816, %swap3A_817], %broadcast_in_dim3A_3 {strides = array<i32>} : memref<16x128xf32, #tpu.memory_space<vmem>>, vector<16xf32>,
    %swap3A_819 = arith.constant 9 : i32
    %swap3A_820 = arith.index_cast %swap3A_819 : i32 to index
    %swap3A_821 = arith.constant 64 : index
    %swap3A_822 = tpu.vector_load %arg15[%swap3A_820, %swap3A_821] {strides = array<i32>} : memref<16x128xf32, #tpu.memory_space<vmem>>, vector<16xf32>,
    tpu.vector_store %arg15[%swap3A_820, %swap3A_821], %broadcast_in_dim3A_3 {strides = array<i32>} : memref<16x128xf32, #tpu.memory_space<vmem>>, vector<16xf32>,
    %swap3A_823 = arith.constant 9 : i32
    %swap3A_824 = arith.index_cast %swap3A_823 : i32 to index
    %swap3A_825 = arith.constant 80 : index
    %swap3A_826 = tpu.vector_load %arg15[%swap3A_824, %swap3A_825] {strides = array<i32>} : memref<16x128xf32, #tpu.memory_space<vmem>>, vector<16xf32>,
    tpu.vector_store %arg15[%swap3A_824, %swap3A_825], %broadcast_in_dim3A_3 {strides = array<i32>} : memref<16x128xf32, #tpu.memory_space<vmem>>, vector<16xf32>,
    %swap3A_827 = arith.constant 9 : i32
    %swap3A_828 = arith.index_cast %swap3A_827 : i32 to index
    %swap3A_829 = arith.constant 96 : index
    %swap3A_830 = tpu.vector_load %arg15[%swap3A_828, %swap3A_829] {strides = array<i32>} : memref<16x128xf32, #tpu.memory_space<vmem>>, vector<16xf32>,
    tpu.vector_store %arg15[%swap3A_828, %swap3A_829], %broadcast_in_dim3A_3 {strides = array<i32>} : memref<16x128xf32, #tpu.memory_space<vmem>>, vector<16xf32>,
    %swap3A_831 = arith.constant 9 : i32
    %swap3A_832 = arith.index_cast %swap3A_831 : i32 to index
    %swap3A_833 = arith.constant 112 : index
    %swap3A_834 = tpu.vector_load %arg15[%swap3A_832, %swap3A_833] {strides = array<i32>} : memref<16x128xf32, #tpu.memory_space<vmem>>, vector<16xf32>,
    tpu.vector_store %arg15[%swap3A_832, %swap3A_833], %broadcast_in_dim3A_3 {strides = array<i32>} : memref<16x128xf32, #tpu.memory_space<vmem>>, vector<16xf32>,
    %swap3A_835 = arith.constant 10 : i32
    %swap3A_836 = arith.index_cast %swap3A_835 : i32 to index
    %swap3A_837 = arith.constant 0 : index
    %swap3A_838 = tpu.vector_load %arg15[%swap3A_836, %swap3A_837] {strides = array<i32>} : memref<16x128xf32, #tpu.memory_space<vmem>>, vector<16xf32>,
    tpu.vector_store %arg15[%swap3A_836, %swap3A_837], %broadcast_in_dim3A_3 {strides = array<i32>} : memref<16x128xf32, #tpu.memory_space<vmem>>, vector<16xf32>,
    %swap3A_839 = arith.constant 10 : i32
    %swap3A_840 = arith.index_cast %swap3A_839 : i32 to index
    %swap3A_841 = arith.constant 16 : index
    %swap3A_842 = tpu.vector_load %arg15[%swap3A_840, %swap3A_841] {strides = array<i32>} : memref<16x128xf32, #tpu.memory_space<vmem>>, vector<16xf32>,
    tpu.vector_store %arg15[%swap3A_840, %swap3A_841], %broadcast_in_dim3A_3 {strides = array<i32>} : memref<16x128xf32, #tpu.memory_space<vmem>>, vector<16xf32>,
    %swap3A_843 = arith.constant 10 : i32
    %swap3A_844 = arith.index_cast %swap3A_843 : i32 to index
    %swap3A_845 = arith.constant 32 : index
    %swap3A_846 = tpu.vector_load %arg15[%swap3A_844, %swap3A_845] {strides = array<i32>} : memref<16x128xf32, #tpu.memory_space<vmem>>, vector<16xf32>,
    tpu.vector_store %arg15[%swap3A_844, %swap3A_845], %broadcast_in_dim3A_3 {strides = array<i32>} : memref<16x128xf32, #tpu.memory_space<vmem>>, vector<16xf32>,
    %swap3A_847 = arith.constant 10 : i32
    %swap3A_848 = arith.index_cast %swap3A_847 : i32 to index
    %swap3A_849 = arith.constant 48 : index
    %swap3A_850 = tpu.vector_load %arg15[%swap3A_848, %swap3A_849] {strides = array<i32>} : memref<16x128xf32, #tpu.memory_space<vmem>>, vector<16xf32>,
    tpu.vector_store %arg15[%swap3A_848, %swap3A_849], %broadcast_in_dim3A_3 {strides = array<i32>} : memref<16x128xf32, #tpu.memory_space<vmem>>, vector<16xf32>,
    %swap3A_851 = arith.constant 10 : i32
    %swap3A_852 = arith.index_cast %swap3A_851 : i32 to index
    %swap3A_853 = arith.constant 64 : index
    %swap3A_854 = tpu.vector_load %arg15[%swap3A_852, %swap3A_853] {strides = array<i32>} : memref<16x128xf32, #tpu.memory_space<vmem>>, vector<16xf32>,
    tpu.vector_store %arg15[%swap3A_852, %swap3A_853], %broadcast_in_dim3A_3 {strides = array<i32>} : memref<16x128xf32, #tpu.memory_space<vmem>>, vector<16xf32>,
    %swap3A_855 = arith.constant 10 : i32
    %swap3A_856 = arith.index_cast %swap3A_855 : i32 to index
    %swap3A_857 = arith.constant 80 : index
    %swap3A_858 = tpu.vector_load %arg15[%swap3A_856, %swap3A_857] {strides = array<i32>} : memref<16x128xf32, #tpu.memory_space<vmem>>, vector<16xf32>,
    tpu.vector_store %arg15[%swap3A_856, %swap3A_857], %broadcast_in_dim3A_3 {strides = array<i32>} : memref<16x128xf32, #tpu.memory_space<vmem>>, vector<16xf32>,
    %swap3A_859 = arith.constant 10 : i32
    %swap3A_860 = arith.index_cast %swap3A_859 : i32 to index
    %swap3A_861 = arith.constant 96 : index
    %swap3A_862 = tpu.vector_load %arg15[%swap3A_860, %swap3A_861] {strides = array<i32>} : memref<16x128xf32, #tpu.memory_space<vmem>>, vector<16xf32>,
    tpu.vector_store %arg15[%swap3A_860, %swap3A_861], %broadcast_in_dim3A_3 {strides = array<i32>} : memref<16x128xf32, #tpu.memory_space<vmem>>, vector<16xf32>,
    %swap3A_863 = arith.constant 10 : i32
    %swap3A_864 = arith.index_cast %swap3A_863 : i32 to index
    %swap3A_865 = arith.constant 112 : index
    %swap3A_866 = tpu.vector_load %arg15[%swap3A_864, %swap3A_865] {strides = array<i32>} : memref<16x128xf32, #tpu.memory_space<vmem>>, vector<16xf32>,
    tpu.vector_store %arg15[%swap3A_864, %swap3A_865], %broadcast_in_dim3A_3 {strides = array<i32>} : memref<16x128xf32, #tpu.memory_space<vmem>>, vector<16xf32>,
    %swap3A_867 = arith.constant 11 : i32
    %swap3A_868 = arith.index_cast %swap3A_867 : i32 to index
    %swap3A_869 = arith.constant 0 : index
    %swap3A_870 = tpu.vector_load %arg15[%swap3A_868, %swap3A_869] {strides = array<i32>} : memref<16x128xf32, #tpu.memory_space<vmem>>, vector<16xf32>,
    tpu.vector_store %arg15[%swap3A_868, %swap3A_869], %broadcast_in_dim3A_3 {strides = array<i32>} : memref<16x128xf32, #tpu.memory_space<vmem>>, vector<16xf32>,
    %swap3A_871 = arith.constant 11 : i32
    %swap3A_872 = arith.index_cast %swap3A_871 : i32 to index
    %swap3A_873 = arith.constant 16 : index
    %swap3A_874 = tpu.vector_load %arg15[%swap3A_872, %swap3A_873] {strides = array<i32>} : memref<16x128xf32, #tpu.memory_space<vmem>>, vector<16xf32>,
    tpu.vector_store %arg15[%swap3A_872, %swap3A_873], %broadcast_in_dim3A_3 {strides = array<i32>} : memref<16x128xf32, #tpu.memory_space<vmem>>, vector<16xf32>,
    %swap3A_875 = arith.constant 11 : i32
    %swap3A_876 = arith.index_cast %swap3A_875 : i32 to index
    %swap3A_877 = arith.constant 32 : index
    %swap3A_878 = tpu.vector_load %arg15[%swap3A_876, %swap3A_877] {strides = array<i32>} : memref<16x128xf32, #tpu.memory_space<vmem>>, vector<16xf32>,
    tpu.vector_store %arg15[%swap3A_876, %swap3A_877], %broadcast_in_dim3A_3 {strides = array<i32>} : memref<16x128xf32, #tpu.memory_space<vmem>>, vector<16xf32>,
    %swap3A_879 = arith.constant 11 : i32
    %swap3A_880 = arith.index_cast %swap3A_879 : i32 to index
    %swap3A_881 = arith.constant 48 : index
    %swap3A_882 = tpu.vector_load %arg15[%swap3A_880, %swap3A_881] {strides = array<i32>} : memref<16x128xf32, #tpu.memory_space<vmem>>, vector<16xf32>,
    tpu.vector_store %arg15[%swap3A_880, %swap3A_881], %broadcast_in_dim3A_3 {strides = array<i32>} : memref<16x128xf32, #tpu.memory_space<vmem>>, vector<16xf32>,
    %swap3A_883 = arith.constant 11 : i32
    %swap3A_884 = arith.index_cast %swap3A_883 : i32 to index
    %swap3A_885 = arith.constant 64 : index
    %swap3A_886 = tpu.vector_load %arg15[%swap3A_884, %swap3A_885] {strides = array<i32>} : memref<16x128xf32, #tpu.memory_space<vmem>>, vector<16xf32>,
    tpu.vector_store %arg15[%swap3A_884, %swap3A_885], %broadcast_in_dim3A_3 {strides = array<i32>} : memref<16x128xf32, #tpu.memory_space<vmem>>, vector<16xf32>,
    %swap3A_887 = arith.constant 11 : i32
    %swap3A_888 = arith.index_cast %swap3A_887 : i32 to index
    %swap3A_889 = arith.constant 80 : index
    %swap3A_890 = tpu.vector_load %arg15[%swap3A_888, %swap3A_889] {strides = array<i32>} : memref<16x128xf32, #tpu.memory_space<vmem>>, vector<16xf32>,
    tpu.vector_store %arg15[%swap3A_888, %swap3A_889], %broadcast_in_dim3A_3 {strides = array<i32>} : memref<16x128xf32, #tpu.memory_space<vmem>>, vector<16xf32>,
    %swap3A_891 = arith.constant 11 : i32
    %swap3A_892 = arith.index_cast %swap3A_891 : i32 to index
    %swap3A_893 = arith.constant 96 : index
    %swap3A_894 = tpu.vector_load %arg15[%swap3A_892, %swap3A_893] {strides = array<i32>} : memref<16x128xf32, #tpu.memory_space<vmem>>, vector<16xf32>,
    tpu.vector_store %arg15[%swap3A_892, %swap3A_893], %broadcast_in_dim3A_3 {strides = array<i32>} : memref<16x128xf32, #tpu.memory_space<vmem>>, vector<16xf32>,
    %swap3A_895 = arith.constant 11 : i32
    %swap3A_896 = arith.index_cast %swap3A_895 : i32 to index
    %swap3A_897 = arith.constant 112 : index
    %swap3A_898 = tpu.vector_load %arg15[%swap3A_896, %swap3A_897] {strides = array<i32>} : memref<16x128xf32, #tpu.memory_space<vmem>>, vector<16xf32>,
    tpu.vector_store %arg15[%swap3A_896, %swap3A_897], %broadcast_in_dim3A_3 {strides = array<i32>} : memref<16x128xf32, #tpu.memory_space<vmem>>, vector<16xf32>,
    %swap3A_899 = arith.constant 12 : i32
    %swap3A_900 = arith.index_cast %swap3A_899 : i32 to index
    %swap3A_901 = arith.constant 0 : index
    %swap3A_902 = tpu.vector_load %arg15[%swap3A_900, %swap3A_901] {strides = array<i32>} : memref<16x128xf32, #tpu.memory_space<vmem>>, vector<16xf32>,
    tpu.vector_store %arg15[%swap3A_900, %swap3A_901], %broadcast_in_dim3A_3 {strides = array<i32>} : memref<16x128xf32, #tpu.memory_space<vmem>>, vector<16xf32>,
    %swap3A_903 = arith.constant 12 : i32
    %swap3A_904 = arith.index_cast %swap3A_903 : i32 to index
    %swap3A_905 = arith.constant 16 : index
    %swap3A_906 = tpu.vector_load %arg15[%swap3A_904, %swap3A_905] {strides = array<i32>} : memref<16x128xf32, #tpu.memory_space<vmem>>, vector<16xf32>,
    tpu.vector_store %arg15[%swap3A_904, %swap3A_905], %broadcast_in_dim3A_3 {strides = array<i32>} : memref<16x128xf32, #tpu.memory_space<vmem>>, vector<16xf32>,
    %swap3A_907 = arith.constant 12 : i32
    %swap3A_908 = arith.index_cast %swap3A_907 : i32 to index
    %swap3A_909 = arith.constant 32 : index
    %swap3A_910 = tpu.vector_load %arg15[%swap3A_908, %swap3A_909] {strides = array<i32>} : memref<16x128xf32, #tpu.memory_space<vmem>>, vector<16xf32>,
    tpu.vector_store %arg15[%swap3A_908, %swap3A_909], %broadcast_in_dim3A_3 {strides = array<i32>} : memref<16x128xf32, #tpu.memory_space<vmem>>, vector<16xf32>,
    %swap3A_911 = arith.constant 12 : i32
    %swap3A_912 = arith.index_cast %swap3A_911 : i32 to index
    %swap3A_913 = arith.constant 48 : index
    %swap3A_914 = tpu.vector_load %arg15[%swap3A_912, %swap3A_913] {strides = array<i32>} : memref<16x128xf32, #tpu.memory_space<vmem>>, vector<16xf32>,
    tpu.vector_store %arg15[%swap3A_912, %swap3A_913], %broadcast_in_dim3A_3 {strides = array<i32>} : memref<16x128xf32, #tpu.memory_space<vmem>>, vector<16xf32>,
    %swap3A_915 = arith.constant 12 : i32
    %swap3A_916 = arith.index_cast %swap3A_915 : i32 to index
    %swap3A_917 = arith.constant 64 : index
    %swap3A_918 = tpu.vector_load %arg15[%swap3A_916, %swap3A_917] {strides = array<i32>} : memref<16x128xf32, #tpu.memory_space<vmem>>, vector<16xf32>,
    tpu.vector_store %arg15[%swap3A_916, %swap3A_917], %broadcast_in_dim3A_3 {strides = array<i32>} : memref<16x128xf32, #tpu.memory_space<vmem>>, vector<16xf32>,
    %swap3A_919 = arith.constant 12 : i32
    %swap3A_920 = arith.index_cast %swap3A_919 : i32 to index
    %swap3A_921 = arith.constant 80 : index
    %swap3A_922 = tpu.vector_load %arg15[%swap3A_920, %swap3A_921] {strides = array<i32>} : memref<16x128xf32, #tpu.memory_space<vmem>>, vector<16xf32>,
    tpu.vector_store %arg15[%swap3A_920, %swap3A_921], %broadcast_in_dim3A_3 {strides = array<i32>} : memref<16x128xf32, #tpu.memory_space<vmem>>, vector<16xf32>,
    %swap3A_923 = arith.constant 12 : i32
    %swap3A_924 = arith.index_cast %swap3A_923 : i32 to index
    %swap3A_925 = arith.constant 96 : index
    %swap3A_926 = tpu.vector_load %arg15[%swap3A_924, %swap3A_925] {strides = array<i32>} : memref<16x128xf32, #tpu.memory_space<vmem>>, vector<16xf32>,
    tpu.vector_store %arg15[%swap3A_924, %swap3A_925], %broadcast_in_dim3A_3 {strides = array<i32>} : memref<16x128xf32, #tpu.memory_space<vmem>>, vector<16xf32>,
    %swap3A_927 = arith.constant 12 : i32
    %swap3A_928 = arith.index_cast %swap3A_927 : i32 to index
    %swap3A_929 = arith.constant 112 : index
    %swap3A_930 = tpu.vector_load %arg15[%swap3A_928, %swap3A_929] {strides = array<i32>} : memref<16x128xf32, #tpu.memory_space<vmem>>, vector<16xf32>,
    tpu.vector_store %arg15[%swap3A_928, %swap3A_929], %broadcast_in_dim3A_3 {strides = array<i32>} : memref<16x128xf32, #tpu.memory_space<vmem>>, vector<16xf32>,
    %swap3A_931 = arith.constant 13 : i32
    %swap3A_932 = arith.index_cast %swap3A_931 : i32 to index
    %swap3A_933 = arith.constant 0 : index
    %swap3A_934 = tpu.vector_load %arg15[%swap3A_932, %swap3A_933] {strides = array<i32>} : memref<16x128xf32, #tpu.memory_space<vmem>>, vector<16xf32>,
    tpu.vector_store %arg15[%swap3A_932, %swap3A_933], %broadcast_in_dim3A_3 {strides = array<i32>} : memref<16x128xf32, #tpu.memory_space<vmem>>, vector<16xf32>,
    %swap3A_935 = arith.constant 13 : i32
    %swap3A_936 = arith.index_cast %swap3A_935 : i32 to index
    %swap3A_937 = arith.constant 16 : index
    %swap3A_938 = tpu.vector_load %arg15[%swap3A_936, %swap3A_937] {strides = array<i32>} : memref<16x128xf32, #tpu.memory_space<vmem>>, vector<16xf32>,
    tpu.vector_store %arg15[%swap3A_936, %swap3A_937], %broadcast_in_dim3A_3 {strides = array<i32>} : memref<16x128xf32, #tpu.memory_space<vmem>>, vector<16xf32>,
    %swap3A_939 = arith.constant 13 : i32
    %swap3A_940 = arith.index_cast %swap3A_939 : i32 to index
    %swap3A_941 = arith.constant 32 : index
    %swap3A_942 = tpu.vector_load %arg15[%swap3A_940, %swap3A_941] {strides = array<i32>} : memref<16x128xf32, #tpu.memory_space<vmem>>, vector<16xf32>,
    tpu.vector_store %arg15[%swap3A_940, %swap3A_941], %broadcast_in_dim3A_3 {strides = array<i32>} : memref<16x128xf32, #tpu.memory_space<vmem>>, vector<16xf32>,
    %swap3A_943 = arith.constant 13 : i32
    %swap3A_944 = arith.index_cast %swap3A_943 : i32 to index
    %swap3A_945 = arith.constant 48 : index
    %swap3A_946 = tpu.vector_load %arg15[%swap3A_944, %swap3A_945] {strides = array<i32>} : memref<16x128xf32, #tpu.memory_space<vmem>>, vector<16xf32>,
    tpu.vector_store %arg15[%swap3A_944, %swap3A_945], %broadcast_in_dim3A_3 {strides = array<i32>} : memref<16x128xf32, #tpu.memory_space<vmem>>, vector<16xf32>,
    %swap3A_947 = arith.constant 13 : i32
    %swap3A_948 = arith.index_cast %swap3A_947 : i32 to index
    %swap3A_949 = arith.constant 64 : index
    %swap3A_950 = tpu.vector_load %arg15[%swap3A_948, %swap3A_949] {strides = array<i32>} : memref<16x128xf32, #tpu.memory_space<vmem>>, vector<16xf32>,
    tpu.vector_store %arg15[%swap3A_948, %swap3A_949], %broadcast_in_dim3A_3 {strides = array<i32>} : memref<16x128xf32, #tpu.memory_space<vmem>>, vector<16xf32>,
    %swap3A_951 = arith.constant 13 : i32
    %swap3A_952 = arith.index_cast %swap3A_951 : i32 to index
    %swap3A_953 = arith.constant 80 : index
    %swap3A_954 = tpu.vector_load %arg15[%swap3A_952, %swap3A_953] {strides = array<i32>} : memref<16x128xf32, #tpu.memory_space<vmem>>, vector<16xf32>,
    tpu.vector_store %arg15[%swap3A_952, %swap3A_953], %broadcast_in_dim3A_3 {strides = array<i32>} : memref<16x128xf32, #tpu.memory_space<vmem>>, vector<16xf32>,
    %swap3A_955 = arith.constant 13 : i32
    %swap3A_956 = arith.index_cast %swap3A_955 : i32 to index
    %swap3A_957 = arith.constant 96 : index
    %swap3A_958 = tpu.vector_load %arg15[%swap3A_956, %swap3A_957] {strides = array<i32>} : memref<16x128xf32, #tpu.memory_space<vmem>>, vector<16xf32>,
    tpu.vector_store %arg15[%swap3A_956, %swap3A_957], %broadcast_in_dim3A_3 {strides = array<i32>} : memref<16x128xf32, #tpu.memory_space<vmem>>, vector<16xf32>,
    %swap3A_959 = arith.constant 13 : i32
    %swap3A_960 = arith.index_cast %swap3A_959 : i32 to index
    %swap3A_961 = arith.constant 112 : index
    %swap3A_962 = tpu.vector_load %arg15[%swap3A_960, %swap3A_961] {strides = array<i32>} : memref<16x128xf32, #tpu.memory_space<vmem>>, vector<16xf32>,
    tpu.vector_store %arg15[%swap3A_960, %swap3A_961], %broadcast_in_dim3A_3 {strides = array<i32>} : memref<16x128xf32, #tpu.memory_space<vmem>>, vector<16xf32>,
    %swap3A_963 = arith.constant 14 : i32
    %swap3A_964 = arith.index_cast %swap3A_963 : i32 to index
    %swap3A_965 = arith.constant 0 : index
    %swap3A_966 = tpu.vector_load %arg15[%swap3A_964, %swap3A_965] {strides = array<i32>} : memref<16x128xf32, #tpu.memory_space<vmem>>, vector<16xf32>,
    tpu.vector_store %arg15[%swap3A_964, %swap3A_965], %broadcast_in_dim3A_3 {strides = array<i32>} : memref<16x128xf32, #tpu.memory_space<vmem>>, vector<16xf32>,
    %swap3A_967 = arith.constant 14 : i32
    %swap3A_968 = arith.index_cast %swap3A_967 : i32 to index
    %swap3A_969 = arith.constant 16 : index
    %swap3A_970 = tpu.vector_load %arg15[%swap3A_968, %swap3A_969] {strides = array<i32>} : memref<16x128xf32, #tpu.memory_space<vmem>>, vector<16xf32>,
    tpu.vector_store %arg15[%swap3A_968, %swap3A_969], %broadcast_in_dim3A_3 {strides = array<i32>} : memref<16x128xf32, #tpu.memory_space<vmem>>, vector<16xf32>,
    %swap3A_971 = arith.constant 14 : i32
    %swap3A_972 = arith.index_cast %swap3A_971 : i32 to index
    %swap3A_973 = arith.constant 32 : index
    %swap3A_974 = tpu.vector_load %arg15[%swap3A_972, %swap3A_973] {strides = array<i32>} : memref<16x128xf32, #tpu.memory_space<vmem>>, vector<16xf32>,
    tpu.vector_store %arg15[%swap3A_972, %swap3A_973], %broadcast_in_dim3A_3 {strides = array<i32>} : memref<16x128xf32, #tpu.memory_space<vmem>>, vector<16xf32>,
    %swap3A_975 = arith.constant 14 : i32
    %swap3A_976 = arith.index_cast %swap3A_975 : i32 to index
    %swap3A_977 = arith.constant 48 : index
    %swap3A_978 = tpu.vector_load %arg15[%swap3A_976, %swap3A_977] {strides = array<i32>} : memref<16x128xf32, #tpu.memory_space<vmem>>, vector<16xf32>,
    tpu.vector_store %arg15[%swap3A_976, %swap3A_977], %broadcast_in_dim3A_3 {strides = array<i32>} : memref<16x128xf32, #tpu.memory_space<vmem>>, vector<16xf32>,
    %swap3A_979 = arith.constant 14 : i32
    %swap3A_980 = arith.index_cast %swap3A_979 : i32 to index
    %swap3A_981 = arith.constant 64 : index
    %swap3A_982 = tpu.vector_load %arg15[%swap3A_980, %swap3A_981] {strides = array<i32>} : memref<16x128xf32, #tpu.memory_space<vmem>>, vector<16xf32>,
    tpu.vector_store %arg15[%swap3A_980, %swap3A_981], %broadcast_in_dim3A_3 {strides = array<i32>} : memref<16x128xf32, #tpu.memory_space<vmem>>, vector<16xf32>,
    %swap3A_983 = arith.constant 14 : i32
    %swap3A_984 = arith.index_cast %swap3A_983 : i32 to index
    %swap3A_985 = arith.constant 80 : index
    %swap3A_986 = tpu.vector_load %arg15[%swap3A_984, %swap3A_985] {strides = array<i32>} : memref<16x128xf32, #tpu.memory_space<vmem>>, vector<16xf32>,
    tpu.vector_store %arg15[%swap3A_984, %swap3A_985], %broadcast_in_dim3A_3 {strides = array<i32>} : memref<16x128xf32, #tpu.memory_space<vmem>>, vector<16xf32>,
    %swap3A_987 = arith.constant 14 : i32
    %swap3A_988 = arith.index_cast %swap3A_987 : i32 to index
    %swap3A_989 = arith.constant 96 : index
    %swap3A_990 = tpu.vector_load %arg15[%swap3A_988, %swap3A_989] {strides = array<i32>} : memref<16x128xf32, #tpu.memory_space<vmem>>, vector<16xf32>,
    tpu.vector_store %arg15[%swap3A_988, %swap3A_989], %broadcast_in_dim3A_3 {strides = array<i32>} : memref<16x128xf32, #tpu.memory_space<vmem>>, vector<16xf32>,
    %swap3A_991 = arith.constant 14 : i32
    %swap3A_992 = arith.index_cast %swap3A_991 : i32 to index
    %swap3A_993 = arith.constant 112 : index
    %swap3A_994 = tpu.vector_load %arg15[%swap3A_992, %swap3A_993] {strides = array<i32>} : memref<16x128xf32, #tpu.memory_space<vmem>>, vector<16xf32>,
    tpu.vector_store %arg15[%swap3A_992, %swap3A_993], %broadcast_in_dim3A_3 {strides = array<i32>} : memref<16x128xf32, #tpu.memory_space<vmem>>, vector<16xf32>,
    %swap3A_995 = arith.constant 15 : i32
    %swap3A_996 = arith.index_cast %swap3A_995 : i32 to index
    %swap3A_997 = arith.constant 0 : index
    %swap3A_998 = tpu.vector_load %arg15[%swap3A_996, %swap3A_997] {strides = array<i32>} : memref<16x128xf32, #tpu.memory_space<vmem>>, vector<16xf32>,
    tpu.vector_store %arg15[%swap3A_996, %swap3A_997], %broadcast_in_dim3A_3 {strides = array<i32>} : memref<16x128xf32, #tpu.memory_space<vmem>>, vector<16xf32>,
    %swap3A_999 = arith.constant 15 : i32
    %swap3A_1000 = arith.index_cast %swap3A_999 : i32 to index
    %swap3A_1001 = arith.constant 16 : index
    %swap3A_1002 = tpu.vector_load %arg15[%swap3A_1000, %swap3A_1001] {strides = array<i32>} : memref<16x128xf32, #tpu.memory_space<vmem>>, vector<16xf32>,
    tpu.vector_store %arg15[%swap3A_1000, %swap3A_1001], %broadcast_in_dim3A_3 {strides = array<i32>} : memref<16x128xf32, #tpu.memory_space<vmem>>, vector<16xf32>,
    %swap3A_1003 = arith.constant 15 : i32
    %swap3A_1004 = arith.index_cast %swap3A_1003 : i32 to index
    %swap3A_1005 = arith.constant 32 : index
    %swap3A_1006 = tpu.vector_load %arg15[%swap3A_1004, %swap3A_1005] {strides = array<i32>} : memref<16x128xf32, #tpu.memory_space<vmem>>, vector<16xf32>,
    tpu.vector_store %arg15[%swap3A_1004, %swap3A_1005], %broadcast_in_dim3A_3 {strides = array<i32>} : memref<16x128xf32, #tpu.memory_space<vmem>>, vector<16xf32>,
    %swap3A_1007 = arith.constant 15 : i32
    %swap3A_1008 = arith.index_cast %swap3A_1007 : i32 to index
    %swap3A_1009 = arith.constant 48 : index
    %swap3A_1010 = tpu.vector_load %arg15[%swap3A_1008, %swap3A_1009] {strides = array<i32>} : memref<16x128xf32, #tpu.memory_space<vmem>>, vector<16xf32>,
    tpu.vector_store %arg15[%swap3A_1008, %swap3A_1009], %broadcast_in_dim3A_3 {strides = array<i32>} : memref<16x128xf32, #tpu.memory_space<vmem>>, vector<16xf32>,
    %swap3A_1011 = arith.constant 15 : i32
    %swap3A_1012 = arith.index_cast %swap3A_1011 : i32 to index
    %swap3A_1013 = arith.constant 64 : index
    %swap3A_1014 = tpu.vector_load %arg15[%swap3A_1012, %swap3A_1013] {strides = array<i32>} : memref<16x128xf32, #tpu.memory_space<vmem>>, vector<16xf32>,
    tpu.vector_store %arg15[%swap3A_1012, %swap3A_1013], %broadcast_in_dim3A_3 {strides = array<i32>} : memref<16x128xf32, #tpu.memory_space<vmem>>, vector<16xf32>,
    %swap3A_1015 = arith.constant 15 : i32
    %swap3A_1016 = arith.index_cast %swap3A_1015 : i32 to index
    %swap3A_1017 = arith.constant 80 : index
    %swap3A_1018 = tpu.vector_load %arg15[%swap3A_1016, %swap3A_1017] {strides = array<i32>} : memref<16x128xf32, #tpu.memory_space<vmem>>, vector<16xf32>,
    tpu.vector_store %arg15[%swap3A_1016, %swap3A_1017], %broadcast_in_dim3A_3 {strides = array<i32>} : memref<16x128xf32, #tpu.memory_space<vmem>>, vector<16xf32>,
    %swap3A_1019 = arith.constant 15 : i32
    %swap3A_1020 = arith.index_cast %swap3A_1019 : i32 to index
    %swap3A_1021 = arith.constant 96 : index
    %swap3A_1022 = tpu.vector_load %arg15[%swap3A_1020, %swap3A_1021] {strides = array<i32>} : memref<16x128xf32, #tpu.memory_space<vmem>>, vector<16xf32>,
    tpu.vector_store %arg15[%swap3A_1020, %swap3A_1021], %broadcast_in_dim3A_3 {strides = array<i32>} : memref<16x128xf32, #tpu.memory_space<vmem>>, vector<16xf32>,
    %swap3A_1023 = arith.constant 15 : i32
    %swap3A_1024 = arith.index_cast %swap3A_1023 : i32 to index
    %swap3A_1025 = arith.constant 112 : index
    %swap3A_1026 = tpu.vector_load %arg15[%swap3A_1024, %swap3A_1025] {strides = array<i32>} : memref<16x128xf32, #tpu.memory_space<vmem>>, vector<16xf32>,
    tpu.vector_store %arg15[%swap3A_1024, %swap3A_1025], %broadcast_in_dim3A_3 {strides = array<i32>} : memref<16x128xf32, #tpu.memory_space<vmem>>, vector<16xf32>,
    %mul3A_1027 = arith.constant 632 : i32
    %mul3A_1028 = arith.muli %arg1, %mul3A_1027 : i32
    %scan3A = arith.constant 0 : i32
    %scan3A_1029 = arith.constant 0 : i32
    %scan3A_1030 = arith.constant 39 : i32
    %scan3A_1031 = arith.addi %scan3A_1029, %scan3A_1030 : i32
    %scan3A_1032 = arith.constant 1 : i32
    scf.for %scan3A_1092 = %scan3A_1029 to %scan3A_1031 step %scan3A_1032  : i32 {
      %mul3A_1093 = arith.constant 16 : i32
      %mul3A_1094 = arith.muli %scan3A_1092, %mul3A_1093 : i32
      %add3A_1095 = arith.addi %mul3A_1028, %mul3A_1094 : i32
      "tpu.region"() ({
        %run_scoped3A = tpu.sem_alloc : memref<!tpu.dma_semaphore, #tpu.memory_space<semaphore_mem>>
        %dma_start3A_1096 = arith.constant 0 : i32
        %dma_start3A_1097 = tpu.memref_slice %arg16[%add3A_1095, %dma_start3A_1096] : memref<10112x128xf32, #tpu.memory_space<vmem_shared>> -> memref<16x128xf32, #tpu.memory_space<vmem_shared>>
        %dma_start3A_1098 = arith.constant 0 : i32
        %dma_start3A_1099 = tpu.memref_slice %arg16[%add3A_1095, %dma_start3A_1098] : memref<10112x128xf32, #tpu.memory_space<vmem_shared>> -> memref<16x128xf32, #tpu.memory_space<vmem_shared>>
        tpu.enqueue_dma source(%arg14 : memref<16x128xf32, #tpu.memory_space<vmem>>) target(%dma_start3A_1099 : memref<16x128xf32, #tpu.memory_space<vmem_shared>>) target_semaphore(%run_scoped3A : memref<!tpu.dma_semaphore, #tpu.memory_space<semaphore_mem>>)
        %dma_wait3A_1100 = arith.constant 0 : i32
        %dma_wait3A_1101 = tpu.memref_slice %arg16[%add3A_1095, %dma_wait3A_1100] : memref<10112x128xf32, #tpu.memory_space<vmem_shared>> -> memref<16x128xf32, #tpu.memory_space<vmem_shared>>
        %dma_wait3A_1102 = arith.constant 0 : i32
        %dma_wait3A_1103 = tpu.memref_slice %arg16[%add3A_1095, %dma_wait3A_1102] : memref<10112x128xf32, #tpu.memory_space<vmem_shared>> -> memref<16x128xf32, #tpu.memory_space<vmem_shared>>
        tpu.wait_dma2 semaphore(%run_scoped3A : memref<!tpu.dma_semaphore, #tpu.memory_space<semaphore_mem>>) src(%arg14 : memref<16x128xf32, #tpu.memory_space<vmem>>) dst(%dma_wait3A_1103 : memref<16x128xf32, #tpu.memory_space<vmem_shared>>)
        tpu.yield
      }) : () -> ()
    }
    %scan3A_1033 = arith.constant 39 : i32
    %add3A_1034 = arith.constant 624 : i32
    %add3A_1035 = arith.addi %mul3A_1028, %add3A_1034 : i32
    "tpu.region"() ({
      %run_scoped3A = tpu.sem_alloc : memref<!tpu.dma_semaphore, #tpu.memory_space<semaphore_mem>>
      %dma_start3A_1092 = arith.constant 0 : i32
      %dma_start3A_1093 = arith.constant 0 : i32
      %dma_start3A_1094 = tpu.memref_slice %arg14[%dma_start3A_1092, %dma_start3A_1093] : memref<16x128xf32, #tpu.memory_space<vmem>> -> memref<8x128xf32, #tpu.memory_space<vmem>>
      %dma_start3A_1095 = arith.constant 0 : i32
      %dma_start3A_1096 = tpu.memref_slice %arg16[%add3A_1035, %dma_start3A_1095] : memref<10112x128xf32, #tpu.memory_space<vmem_shared>> -> memref<8x128xf32, #tpu.memory_space<vmem_shared>>
      %dma_start3A_1097 = arith.constant 0 : i32
      %dma_start3A_1098 = tpu.memref_slice %arg16[%add3A_1035, %dma_start3A_1097] : memref<10112x128xf32, #tpu.memory_space<vmem_shared>> -> memref<8x128xf32, #tpu.memory_space<vmem_shared>>
      %dma_start3A_1099 = arith.constant 0 : i32
      %dma_start3A_1100 = arith.constant 0 : i32
      %dma_start3A_1101 = tpu.memref_slice %arg14[%dma_start3A_1099, %dma_start3A_1100] : memref<16x128xf32, #tpu.memory_space<vmem>> -> memref<8x128xf32, #tpu.memory_space<vmem>>
      tpu.enqueue_dma source(%dma_start3A_1101 : memref<8x128xf32, #tpu.memory_space<vmem>>) target(%dma_start3A_1098 : memref<8x128xf32, #tpu.memory_space<vmem_shared>>) target_semaphore(%run_scoped3A : memref<!tpu.dma_semaphore, #tpu.memory_space<semaphore_mem>>)
      %dma_wait3A_1102 = arith.constant 0 : i32
      %dma_wait3A_1103 = arith.constant 0 : i32
      %dma_wait3A_1104 = tpu.memref_slice %arg14[%dma_wait3A_1102, %dma_wait3A_1103] : memref<16x128xf32, #tpu.memory_space<vmem>> -> memref<8x128xf32, #tpu.memory_space<vmem>>
      %dma_wait3A_1105 = arith.constant 0 : i32
      %dma_wait3A_1106 = tpu.memref_slice %arg16[%add3A_1035, %dma_wait3A_1105] : memref<10112x128xf32, #tpu.memory_space<vmem_shared>> -> memref<8x128xf32, #tpu.memory_space<vmem_shared>>
      %dma_wait3A_1107 = arith.constant 0 : i32
      %dma_wait3A_1108 = tpu.memref_slice %arg16[%add3A_1035, %dma_wait3A_1107] : memref<10112x128xf32, #tpu.memory_space<vmem_shared>> -> memref<8x128xf32, #tpu.memory_space<vmem_shared>>
      %dma_wait3A_1109 = arith.constant 0 : i32
      %dma_wait3A_1110 = arith.constant 0 : i32
      %dma_wait3A_1111 = tpu.memref_slice %arg14[%dma_wait3A_1109, %dma_wait3A_1110] : memref<16x128xf32, #tpu.memory_space<vmem>> -> memref<8x128xf32, #tpu.memory_space<vmem>>
      tpu.wait_dma2 semaphore(%run_scoped3A : memref<!tpu.dma_semaphore, #tpu.memory_space<semaphore_mem>>) src(%dma_wait3A_1111 : memref<8x128xf32, #tpu.memory_space<vmem>>) dst(%dma_wait3A_1108 : memref<8x128xf32, #tpu.memory_space<vmem_shared>>)
      tpu.yield
    }) : () -> ()
    %barrier3A = arith.constant 0 : index
    tpu.barrier barrier_id(%barrier3A)
    %broadcast_in_dim3A_1036 = arith.constant 10000 : i32
    %broadcast_in_dim3A_1037 = vector.broadcast %broadcast_in_dim3A_1036 : i32 to vector<16xi32>
    %get3A = arith.constant 0 : index
    %get3A_1038 = tpu.vector_load %arg6[%get3A] {strides = array<i32>} : memref<10112xi32, #tpu.memory_space<vmem>>, vector<16xi32>,
    %dma_start3A = arith.constant 0 : i32
    %dma_start3A_1039 = arith.constant 0 : i32
    %dma_start3A_1040 = tpu.memref_slice %arg4[%dma_start3A, %dma_start3A_1039] : memref<10240x128xf32, #tpu.memory_space<hbm>> -> memref<10240x128xf32, #tpu.memory_space<hbm>>
    tpu.enqueue_indirect_dma source(%dma_start3A_1040 : memref<10240x128xf32, #tpu.memory_space<hbm>>) target(%arg8 : memref<16x128xf32, #tpu.memory_space<vmem>>) offsets(%get3A_1038 : vector<16xi32>) semaphore(%arg17 : memref<!tpu.dma_semaphore, #tpu.memory_space<semaphore_mem>>)
    %get3A_1041 = arith.constant 16 : index
    %get3A_1042 = tpu.vector_load %arg6[%get3A_1041] {strides = array<i32>} : memref<10112xi32, #tpu.memory_space<vmem>>, vector<16xi32>,
    %dma_start3A_1043 = arith.constant 0 : i32
    %dma_start3A_1044 = arith.constant 0 : i32
    %dma_start3A_1045 = tpu.memref_slice %arg4[%dma_start3A_1043, %dma_start3A_1044] : memref<10240x128xf32, #tpu.memory_space<hbm>> -> memref<10240x128xf32, #tpu.memory_space<hbm>>
    tpu.enqueue_indirect_dma source(%dma_start3A_1045 : memref<10240x128xf32, #tpu.memory_space<hbm>>) target(%arg9 : memref<16x128xf32, #tpu.memory_space<vmem>>) offsets(%get3A_1042 : vector<16xi32>) semaphore(%arg18 : memref<!tpu.dma_semaphore, #tpu.memory_space<semaphore_mem>>)
    %get3A_1046 = arith.constant 32 : index
    %get3A_1047 = tpu.vector_load %arg6[%get3A_1046] {strides = array<i32>} : memref<10112xi32, #tpu.memory_space<vmem>>, vector<16xi32>,
    %dma_start3A_1048 = arith.constant 0 : i32
    %dma_start3A_1049 = arith.constant 0 : i32
    %dma_start3A_1050 = tpu.memref_slice %arg4[%dma_start3A_1048, %dma_start3A_1049] : memref<10240x128xf32, #tpu.memory_space<hbm>> -> memref<10240x128xf32, #tpu.memory_space<hbm>>
    tpu.enqueue_indirect_dma source(%dma_start3A_1050 : memref<10240x128xf32, #tpu.memory_space<hbm>>) target(%arg10 : memref<16x128xf32, #tpu.memory_space<vmem>>) offsets(%get3A_1047 : vector<16xi32>) semaphore(%arg19 : memref<!tpu.dma_semaphore, #tpu.memory_space<semaphore_mem>>)
    %get3A_1051 = arith.constant 48 : index
    %get3A_1052 = tpu.vector_load %arg6[%get3A_1051] {strides = array<i32>} : memref<10112xi32, #tpu.memory_space<vmem>>, vector<16xi32>,
    %dma_start3A_1053 = arith.constant 0 : i32
    %dma_start3A_1054 = arith.constant 0 : i32
    %dma_start3A_1055 = tpu.memref_slice %arg4[%dma_start3A_1053, %dma_start3A_1054] : memref<10240x128xf32, #tpu.memory_space<hbm>> -> memref<10240x128xf32, #tpu.memory_space<hbm>>
    tpu.enqueue_indirect_dma source(%dma_start3A_1055 : memref<10240x128xf32, #tpu.memory_space<hbm>>) target(%arg11 : memref<16x128xf32, #tpu.memory_space<vmem>>) offsets(%get3A_1052 : vector<16xi32>) semaphore(%arg20 : memref<!tpu.dma_semaphore, #tpu.memory_space<semaphore_mem>>)
    %get3A_1056 = arith.constant 64 : index
    %get3A_1057 = tpu.vector_load %arg6[%get3A_1056] {strides = array<i32>} : memref<10112xi32, #tpu.memory_space<vmem>>, vector<16xi32>,
    %dma_start3A_1058 = arith.constant 0 : i32
    %dma_start3A_1059 = arith.constant 0 : i32
    %dma_start3A_1060 = tpu.memref_slice %arg4[%dma_start3A_1058, %dma_start3A_1059] : memref<10240x128xf32, #tpu.memory_space<hbm>> -> memref<10240x128xf32, #tpu.memory_space<hbm>>
    tpu.enqueue_indirect_dma source(%dma_start3A_1060 : memref<10240x128xf32, #tpu.memory_space<hbm>>) target(%arg12 : memref<16x128xf32, #tpu.memory_space<vmem>>) offsets(%get3A_1057 : vector<16xi32>) semaphore(%arg21 : memref<!tpu.dma_semaphore, #tpu.memory_space<semaphore_mem>>)
    %get3A_1061 = arith.constant 80 : index
    %get3A_1062 = tpu.vector_load %arg6[%get3A_1061] {strides = array<i32>} : memref<10112xi32, #tpu.memory_space<vmem>>, vector<16xi32>,
    %dma_start3A_1063 = arith.constant 0 : i32
    %dma_start3A_1064 = arith.constant 0 : i32
    %dma_start3A_1065 = tpu.memref_slice %arg4[%dma_start3A_1063, %dma_start3A_1064] : memref<10240x128xf32, #tpu.memory_space<hbm>> -> memref<10240x128xf32, #tpu.memory_space<hbm>>
    tpu.enqueue_indirect_dma source(%dma_start3A_1065 : memref<10240x128xf32, #tpu.memory_space<hbm>>) target(%arg13 : memref<16x128xf32, #tpu.memory_space<vmem>>) offsets(%get3A_1062 : vector<16xi32>) semaphore(%arg22 : memref<!tpu.dma_semaphore, #tpu.memory_space<semaphore_mem>>)
    %dma_start3A_1066 = arith.constant 0 : i32
    %dma_start3A_1067 = arith.constant 0 : i32
    %dma_start3A_1068 = tpu.memref_slice %arg16[%dma_start3A_1066, %dma_start3A_1067] : memref<10112x128xf32, #tpu.memory_space<vmem_shared>> -> memref<10112x128xf32, #tpu.memory_space<vmem_shared>>
    tpu.enqueue_indirect_dma source(%arg14 : memref<16x128xf32, #tpu.memory_space<vmem>>) target(%dma_start3A_1068 : memref<10112x128xf32, #tpu.memory_space<vmem_shared>>) offsets(%broadcast_in_dim3A_1037 : vector<16xi32>) semaphore(%arg25 : memref<!tpu.dma_semaphore, #tpu.memory_space<semaphore_mem>>) {add = true}
    %dma_start3A_1069 = arith.constant 0 : i32
    %dma_start3A_1070 = arith.constant 0 : i32
    %dma_start3A_1071 = tpu.memref_slice %arg16[%dma_start3A_1069, %dma_start3A_1070] : memref<10112x128xf32, #tpu.memory_space<vmem_shared>> -> memref<10112x128xf32, #tpu.memory_space<vmem_shared>>
    tpu.enqueue_indirect_dma source(%arg15 : memref<16x128xf32, #tpu.memory_space<vmem>>) target(%dma_start3A_1071 : memref<10112x128xf32, #tpu.memory_space<vmem_shared>>) offsets(%broadcast_in_dim3A_1037 : vector<16xi32>) semaphore(%arg26 : memref<!tpu.dma_semaphore, #tpu.memory_space<semaphore_mem>>) {add = true}
    %scan3A_1072 = arith.constant 0 : i32
    %scan3A_1073 = arith.constant 0 : i32
    %scan3A_1074 = arith.constant 79 : i32
    %scan3A_1075 = arith.addi %scan3A_1073, %scan3A_1074 : i32
    %scan3A_1076 = arith.constant 1 : i32
    scf.for %scan3A_1092 = %scan3A_1073 to %scan3A_1075 step %scan3A_1076  : i32 {
      %mul3A_1093 = arith.constant 8 : i32
      %mul3A_1094 = arith.muli %scan3A_1092, %mul3A_1093 : i32
      %add3A_1095 = arith.constant 0 : i32
      %add3A_1096 = arith.addi %mul3A_1094, %add3A_1095 : i32
      %mul3A_1097 = arith.constant 16 : i32
      %mul3A_1098 = arith.muli %add3A_1096, %mul3A_1097 : i32
      %get3A_1099 = arith.index_cast %mul3A_1098 : i32 to index
      %get3A_1100 = tpu.vector_load %arg6[%get3A_1099] {strides = array<i32>} : memref<10112xi32, #tpu.memory_space<vmem>>, vector<16xi32>,
      %dma_wait3A_1101 = arith.constant 0 : i32
      %dma_wait3A_1102 = arith.constant 0 : i32
      %dma_wait3A_1103 = tpu.memref_slice %arg4[%dma_wait3A_1101, %dma_wait3A_1102] : memref<10240x128xf32, #tpu.memory_space<hbm>> -> memref<10240x128xf32, #tpu.memory_space<hbm>>
      tpu.wait_indirect_dma semaphore(%arg17 : memref<!tpu.dma_semaphore, #tpu.memory_space<semaphore_mem>>) src(%dma_wait3A_1103 : memref<10240x128xf32, #tpu.memory_space<hbm>>) dst(%arg8 : memref<16x128xf32, #tpu.memory_space<vmem>>)
      %dma_wait3A_1104 = arith.constant 0 : i32
      %dma_wait3A_1105 = arith.constant 0 : i32
      %dma_wait3A_1106 = tpu.memref_slice %arg16[%dma_wait3A_1104, %dma_wait3A_1105] : memref<10112x128xf32, #tpu.memory_space<vmem_shared>> -> memref<10112x128xf32, #tpu.memory_space<vmem_shared>>
      tpu.wait_indirect_dma semaphore(%arg25 : memref<!tpu.dma_semaphore, #tpu.memory_space<semaphore_mem>>) src(%arg8 : memref<16x128xf32, #tpu.memory_space<vmem>>) dst(%dma_wait3A_1106 : memref<10112x128xf32, #tpu.memory_space<vmem_shared>>)
      %get3A_1107 = arith.index_cast %mul3A_1098 : i32 to index
      %get3A_1108 = tpu.vector_load %arg7[%get3A_1107] {strides = array<i32>} : memref<10112xi32, #tpu.memory_space<vmem>>, vector<16xi32>,
      %dma_start3A_1109 = arith.constant 0 : i32
      %dma_start3A_1110 = arith.constant 0 : i32
      %dma_start3A_1111 = tpu.memref_slice %arg16[%dma_start3A_1109, %dma_start3A_1110] : memref<10112x128xf32, #tpu.memory_space<vmem_shared>> -> memref<10112x128xf32, #tpu.memory_space<vmem_shared>>
      tpu.enqueue_indirect_dma source(%arg8 : memref<16x128xf32, #tpu.memory_space<vmem>>) target(%dma_start3A_1111 : memref<10112x128xf32, #tpu.memory_space<vmem_shared>>) offsets(%get3A_1108 : vector<16xi32>) semaphore(%arg25 : memref<!tpu.dma_semaphore, #tpu.memory_space<semaphore_mem>>) {add = true}
      %add3A_1112 = arith.constant 6 : i32
      %add3A_1113 = arith.addi %add3A_1096, %add3A_1112 : i32
      %lt3A = arith.constant 632 : i32
      %lt3A_1114 = arith.cmpi slt, %add3A_1113, %lt3A : i32
      %convert_element_type3A = arith.extui %lt3A_1114 : i1 to i32
      %cond3A = arith.constant 0 : i32
      %cond3A_1115 = arith.cmpi ne, %convert_element_type3A, %cond3A : i32
      scf.if %cond3A_1115 {
        %add3A_1298 = arith.constant 96 : i32
        %add3A_1299 = arith.addi %mul3A_1098, %add3A_1298 : i32
        %get3A_1300 = arith.index_cast %add3A_1299 : i32 to index
        %get3A_1301 = tpu.vector_load %arg6[%get3A_1300] {strides = array<i32>} : memref<10112xi32, #tpu.memory_space<vmem>>, vector<16xi32>,
        %dma_start3A_1302 = arith.constant 0 : i32
        %dma_start3A_1303 = arith.constant 0 : i32
        %dma_start3A_1304 = tpu.memref_slice %arg4[%dma_start3A_1302, %dma_start3A_1303] : memref<10240x128xf32, #tpu.memory_space<hbm>> -> memref<10240x128xf32, #tpu.memory_space<hbm>>
        tpu.enqueue_indirect_dma source(%dma_start3A_1304 : memref<10240x128xf32, #tpu.memory_space<hbm>>) target(%arg14 : memref<16x128xf32, #tpu.memory_space<vmem>>) offsets(%get3A_1301 : vector<16xi32>) semaphore(%arg23 : memref<!tpu.dma_semaphore, #tpu.memory_space<semaphore_mem>>)
      } else {
      }
      %mul3A_1116 = arith.constant 8 : i32
      %mul3A_1117 = arith.muli %scan3A_1092, %mul3A_1116 : i32
      %add3A_1118 = arith.constant 1 : i32
      %add3A_1119 = arith.addi %mul3A_1117, %add3A_1118 : i32
      %mul3A_1120 = arith.constant 16 : i32
      %mul3A_1121 = arith.muli %add3A_1119, %mul3A_1120 : i32
      %get3A_1122 = arith.index_cast %mul3A_1121 : i32 to index
      %get3A_1123 = tpu.vector_load %arg6[%get3A_1122] {strides = array<i32>} : memref<10112xi32, #tpu.memory_space<vmem>>, vector<16xi32>,
      %dma_wait3A_1124 = arith.constant 0 : i32
      %dma_wait3A_1125 = arith.constant 0 : i32
      %dma_wait3A_1126 = tpu.memref_slice %arg4[%dma_wait3A_1124, %dma_wait3A_1125] : memref<10240x128xf32, #tpu.memory_space<hbm>> -> memref<10240x128xf32, #tpu.memory_space<hbm>>
      tpu.wait_indirect_dma semaphore(%arg18 : memref<!tpu.dma_semaphore, #tpu.memory_space<semaphore_mem>>) src(%dma_wait3A_1126 : memref<10240x128xf32, #tpu.memory_space<hbm>>) dst(%arg9 : memref<16x128xf32, #tpu.memory_space<vmem>>)
      %dma_wait3A_1127 = arith.constant 0 : i32
      %dma_wait3A_1128 = arith.constant 0 : i32
      %dma_wait3A_1129 = tpu.memref_slice %arg16[%dma_wait3A_1127, %dma_wait3A_1128] : memref<10112x128xf32, #tpu.memory_space<vmem_shared>> -> memref<10112x128xf32, #tpu.memory_space<vmem_shared>>
      tpu.wait_indirect_dma semaphore(%arg26 : memref<!tpu.dma_semaphore, #tpu.memory_space<semaphore_mem>>) src(%arg9 : memref<16x128xf32, #tpu.memory_space<vmem>>) dst(%dma_wait3A_1129 : memref<10112x128xf32, #tpu.memory_space<vmem_shared>>)
      %get3A_1130 = arith.index_cast %mul3A_1121 : i32 to index
      %get3A_1131 = tpu.vector_load %arg7[%get3A_1130] {strides = array<i32>} : memref<10112xi32, #tpu.memory_space<vmem>>, vector<16xi32>,
      %dma_start3A_1132 = arith.constant 0 : i32
      %dma_start3A_1133 = arith.constant 0 : i32
      %dma_start3A_1134 = tpu.memref_slice %arg16[%dma_start3A_1132, %dma_start3A_1133] : memref<10112x128xf32, #tpu.memory_space<vmem_shared>> -> memref<10112x128xf32, #tpu.memory_space<vmem_shared>>
      tpu.enqueue_indirect_dma source(%arg9 : memref<16x128xf32, #tpu.memory_space<vmem>>) target(%dma_start3A_1134 : memref<10112x128xf32, #tpu.memory_space<vmem_shared>>) offsets(%get3A_1131 : vector<16xi32>) semaphore(%arg26 : memref<!tpu.dma_semaphore, #tpu.memory_space<semaphore_mem>>) {add = true}
      %add3A_1135 = arith.constant 6 : i32
      %add3A_1136 = arith.addi %add3A_1119, %add3A_1135 : i32
      %lt3A_1137 = arith.constant 632 : i32
      %lt3A_1138 = arith.cmpi slt, %add3A_1136, %lt3A_1137 : i32
      %convert_element_type3A_1139 = arith.extui %lt3A_1138 : i1 to i32
      %cond3A_1140 = arith.constant 0 : i32
      %cond3A_1141 = arith.cmpi ne, %convert_element_type3A_1139, %cond3A_1140 : i32
      scf.if %cond3A_1141 {
        %add3A_1298 = arith.constant 96 : i32
        %add3A_1299 = arith.addi %mul3A_1121, %add3A_1298 : i32
        %get3A_1300 = arith.index_cast %add3A_1299 : i32 to index
        %get3A_1301 = tpu.vector_load %arg6[%get3A_1300] {strides = array<i32>} : memref<10112xi32, #tpu.memory_space<vmem>>, vector<16xi32>,
        %dma_start3A_1302 = arith.constant 0 : i32
        %dma_start3A_1303 = arith.constant 0 : i32
        %dma_start3A_1304 = tpu.memref_slice %arg4[%dma_start3A_1302, %dma_start3A_1303] : memref<10240x128xf32, #tpu.memory_space<hbm>> -> memref<10240x128xf32, #tpu.memory_space<hbm>>
        tpu.enqueue_indirect_dma source(%dma_start3A_1304 : memref<10240x128xf32, #tpu.memory_space<hbm>>) target(%arg15 : memref<16x128xf32, #tpu.memory_space<vmem>>) offsets(%get3A_1301 : vector<16xi32>) semaphore(%arg24 : memref<!tpu.dma_semaphore, #tpu.memory_space<semaphore_mem>>)
      } else {
      }
      %mul3A_1142 = arith.constant 8 : i32
      %mul3A_1143 = arith.muli %scan3A_1092, %mul3A_1142 : i32
      %add3A_1144 = arith.constant 2 : i32
      %add3A_1145 = arith.addi %mul3A_1143, %add3A_1144 : i32
      %mul3A_1146 = arith.constant 16 : i32
      %mul3A_1147 = arith.muli %add3A_1145, %mul3A_1146 : i32
      %get3A_1148 = arith.index_cast %mul3A_1147 : i32 to index
      %get3A_1149 = tpu.vector_load %arg6[%get3A_1148] {strides = array<i32>} : memref<10112xi32, #tpu.memory_space<vmem>>, vector<16xi32>,
      %dma_wait3A_1150 = arith.constant 0 : i32
      %dma_wait3A_1151 = arith.constant 0 : i32
      %dma_wait3A_1152 = tpu.memref_slice %arg4[%dma_wait3A_1150, %dma_wait3A_1151] : memref<10240x128xf32, #tpu.memory_space<hbm>> -> memref<10240x128xf32, #tpu.memory_space<hbm>>
      tpu.wait_indirect_dma semaphore(%arg19 : memref<!tpu.dma_semaphore, #tpu.memory_space<semaphore_mem>>) src(%dma_wait3A_1152 : memref<10240x128xf32, #tpu.memory_space<hbm>>) dst(%arg10 : memref<16x128xf32, #tpu.memory_space<vmem>>)
      %dma_wait3A_1153 = arith.constant 0 : i32
      %dma_wait3A_1154 = arith.constant 0 : i32
      %dma_wait3A_1155 = tpu.memref_slice %arg16[%dma_wait3A_1153, %dma_wait3A_1154] : memref<10112x128xf32, #tpu.memory_space<vmem_shared>> -> memref<10112x128xf32, #tpu.memory_space<vmem_shared>>
      tpu.wait_indirect_dma semaphore(%arg25 : memref<!tpu.dma_semaphore, #tpu.memory_space<semaphore_mem>>) src(%arg10 : memref<16x128xf32, #tpu.memory_space<vmem>>) dst(%dma_wait3A_1155 : memref<10112x128xf32, #tpu.memory_space<vmem_shared>>)
      %get3A_1156 = arith.index_cast %mul3A_1147 : i32 to index
      %get3A_1157 = tpu.vector_load %arg7[%get3A_1156] {strides = array<i32>} : memref<10112xi32, #tpu.memory_space<vmem>>, vector<16xi32>,
      %dma_start3A_1158 = arith.constant 0 : i32
      %dma_start3A_1159 = arith.constant 0 : i32
      %dma_start3A_1160 = tpu.memref_slice %arg16[%dma_start3A_1158, %dma_start3A_1159] : memref<10112x128xf32, #tpu.memory_space<vmem_shared>> -> memref<10112x128xf32, #tpu.memory_space<vmem_shared>>
      tpu.enqueue_indirect_dma source(%arg10 : memref<16x128xf32, #tpu.memory_space<vmem>>) target(%dma_start3A_1160 : memref<10112x128xf32, #tpu.memory_space<vmem_shared>>) offsets(%get3A_1157 : vector<16xi32>) semaphore(%arg25 : memref<!tpu.dma_semaphore, #tpu.memory_space<semaphore_mem>>) {add = true}
      %add3A_1161 = arith.constant 6 : i32
      %add3A_1162 = arith.addi %add3A_1145, %add3A_1161 : i32
      %lt3A_1163 = arith.constant 632 : i32
      %lt3A_1164 = arith.cmpi slt, %add3A_1162, %lt3A_1163 : i32
      %convert_element_type3A_1165 = arith.extui %lt3A_1164 : i1 to i32
      %cond3A_1166 = arith.constant 0 : i32
      %cond3A_1167 = arith.cmpi ne, %convert_element_type3A_1165, %cond3A_1166 : i32
      scf.if %cond3A_1167 {
        %add3A_1298 = arith.constant 96 : i32
        %add3A_1299 = arith.addi %mul3A_1147, %add3A_1298 : i32
        %get3A_1300 = arith.index_cast %add3A_1299 : i32 to index
        %get3A_1301 = tpu.vector_load %arg6[%get3A_1300] {strides = array<i32>} : memref<10112xi32, #tpu.memory_space<vmem>>, vector<16xi32>,
        %dma_start3A_1302 = arith.constant 0 : i32
        %dma_start3A_1303 = arith.constant 0 : i32
        %dma_start3A_1304 = tpu.memref_slice %arg4[%dma_start3A_1302, %dma_start3A_1303] : memref<10240x128xf32, #tpu.memory_space<hbm>> -> memref<10240x128xf32, #tpu.memory_space<hbm>>
        tpu.enqueue_indirect_dma source(%dma_start3A_1304 : memref<10240x128xf32, #tpu.memory_space<hbm>>) target(%arg8 : memref<16x128xf32, #tpu.memory_space<vmem>>) offsets(%get3A_1301 : vector<16xi32>) semaphore(%arg17 : memref<!tpu.dma_semaphore, #tpu.memory_space<semaphore_mem>>)
      } else {
      }
      %mul3A_1168 = arith.constant 8 : i32
      %mul3A_1169 = arith.muli %scan3A_1092, %mul3A_1168 : i32
      %add3A_1170 = arith.constant 3 : i32
      %add3A_1171 = arith.addi %mul3A_1169, %add3A_1170 : i32
      %mul3A_1172 = arith.constant 16 : i32
      %mul3A_1173 = arith.muli %add3A_1171, %mul3A_1172 : i32
      %get3A_1174 = arith.index_cast %mul3A_1173 : i32 to index
      %get3A_1175 = tpu.vector_load %arg6[%get3A_1174] {strides = array<i32>} : memref<10112xi32, #tpu.memory_space<vmem>>, vector<16xi32>,
      %dma_wait3A_1176 = arith.constant 0 : i32
      %dma_wait3A_1177 = arith.constant 0 : i32
      %dma_wait3A_1178 = tpu.memref_slice %arg4[%dma_wait3A_1176, %dma_wait3A_1177] : memref<10240x128xf32, #tpu.memory_space<hbm>> -> memref<10240x128xf32, #tpu.memory_space<hbm>>
      tpu.wait_indirect_dma semaphore(%arg20 : memref<!tpu.dma_semaphore, #tpu.memory_space<semaphore_mem>>) src(%dma_wait3A_1178 : memref<10240x128xf32, #tpu.memory_space<hbm>>) dst(%arg11 : memref<16x128xf32, #tpu.memory_space<vmem>>)
      %dma_wait3A_1179 = arith.constant 0 : i32
      %dma_wait3A_1180 = arith.constant 0 : i32
      %dma_wait3A_1181 = tpu.memref_slice %arg16[%dma_wait3A_1179, %dma_wait3A_1180] : memref<10112x128xf32, #tpu.memory_space<vmem_shared>> -> memref<10112x128xf32, #tpu.memory_space<vmem_shared>>
      tpu.wait_indirect_dma semaphore(%arg26 : memref<!tpu.dma_semaphore, #tpu.memory_space<semaphore_mem>>) src(%arg11 : memref<16x128xf32, #tpu.memory_space<vmem>>) dst(%dma_wait3A_1181 : memref<10112x128xf32, #tpu.memory_space<vmem_shared>>)
      %get3A_1182 = arith.index_cast %mul3A_1173 : i32 to index
      %get3A_1183 = tpu.vector_load %arg7[%get3A_1182] {strides = array<i32>} : memref<10112xi32, #tpu.memory_space<vmem>>, vector<16xi32>,
      %dma_start3A_1184 = arith.constant 0 : i32
      %dma_start3A_1185 = arith.constant 0 : i32
      %dma_start3A_1186 = tpu.memref_slice %arg16[%dma_start3A_1184, %dma_start3A_1185] : memref<10112x128xf32, #tpu.memory_space<vmem_shared>> -> memref<10112x128xf32, #tpu.memory_space<vmem_shared>>
      tpu.enqueue_indirect_dma source(%arg11 : memref<16x128xf32, #tpu.memory_space<vmem>>) target(%dma_start3A_1186 : memref<10112x128xf32, #tpu.memory_space<vmem_shared>>) offsets(%get3A_1183 : vector<16xi32>) semaphore(%arg26 : memref<!tpu.dma_semaphore, #tpu.memory_space<semaphore_mem>>) {add = true}
      %add3A_1187 = arith.constant 6 : i32
      %add3A_1188 = arith.addi %add3A_1171, %add3A_1187 : i32
      %lt3A_1189 = arith.constant 632 : i32
      %lt3A_1190 = arith.cmpi slt, %add3A_1188, %lt3A_1189 : i32
      %convert_element_type3A_1191 = arith.extui %lt3A_1190 : i1 to i32
      %cond3A_1192 = arith.constant 0 : i32
      %cond3A_1193 = arith.cmpi ne, %convert_element_type3A_1191, %cond3A_1192 : i32
      scf.if %cond3A_1193 {
        %add3A_1298 = arith.constant 96 : i32
        %add3A_1299 = arith.addi %mul3A_1173, %add3A_1298 : i32
        %get3A_1300 = arith.index_cast %add3A_1299 : i32 to index
        %get3A_1301 = tpu.vector_load %arg6[%get3A_1300] {strides = array<i32>} : memref<10112xi32, #tpu.memory_space<vmem>>, vector<16xi32>,
        %dma_start3A_1302 = arith.constant 0 : i32
        %dma_start3A_1303 = arith.constant 0 : i32
        %dma_start3A_1304 = tpu.memref_slice %arg4[%dma_start3A_1302, %dma_start3A_1303] : memref<10240x128xf32, #tpu.memory_space<hbm>> -> memref<10240x128xf32, #tpu.memory_space<hbm>>
        tpu.enqueue_indirect_dma source(%dma_start3A_1304 : memref<10240x128xf32, #tpu.memory_space<hbm>>) target(%arg9 : memref<16x128xf32, #tpu.memory_space<vmem>>) offsets(%get3A_1301 : vector<16xi32>) semaphore(%arg18 : memref<!tpu.dma_semaphore, #tpu.memory_space<semaphore_mem>>)
      } else {
      }
      %mul3A_1194 = arith.constant 8 : i32
      %mul3A_1195 = arith.muli %scan3A_1092, %mul3A_1194 : i32
      %add3A_1196 = arith.constant 4 : i32
      %add3A_1197 = arith.addi %mul3A_1195, %add3A_1196 : i32
      %mul3A_1198 = arith.constant 16 : i32
      %mul3A_1199 = arith.muli %add3A_1197, %mul3A_1198 : i32
      %get3A_1200 = arith.index_cast %mul3A_1199 : i32 to index
      %get3A_1201 = tpu.vector_load %arg6[%get3A_1200] {strides = array<i32>} : memref<10112xi32, #tpu.memory_space<vmem>>, vector<16xi32>,
      %dma_wait3A_1202 = arith.constant 0 : i32
      %dma_wait3A_1203 = arith.constant 0 : i32
      %dma_wait3A_1204 = tpu.memref_slice %arg4[%dma_wait3A_1202, %dma_wait3A_1203] : memref<10240x128xf32, #tpu.memory_space<hbm>> -> memref<10240x128xf32, #tpu.memory_space<hbm>>
      tpu.wait_indirect_dma semaphore(%arg21 : memref<!tpu.dma_semaphore, #tpu.memory_space<semaphore_mem>>) src(%dma_wait3A_1204 : memref<10240x128xf32, #tpu.memory_space<hbm>>) dst(%arg12 : memref<16x128xf32, #tpu.memory_space<vmem>>)
      %dma_wait3A_1205 = arith.constant 0 : i32
      %dma_wait3A_1206 = arith.constant 0 : i32
      %dma_wait3A_1207 = tpu.memref_slice %arg16[%dma_wait3A_1205, %dma_wait3A_1206] : memref<10112x128xf32, #tpu.memory_space<vmem_shared>> -> memref<10112x128xf32, #tpu.memory_space<vmem_shared>>
      tpu.wait_indirect_dma semaphore(%arg25 : memref<!tpu.dma_semaphore, #tpu.memory_space<semaphore_mem>>) src(%arg12 : memref<16x128xf32, #tpu.memory_space<vmem>>) dst(%dma_wait3A_1207 : memref<10112x128xf32, #tpu.memory_space<vmem_shared>>)
      %get3A_1208 = arith.index_cast %mul3A_1199 : i32 to index
      %get3A_1209 = tpu.vector_load %arg7[%get3A_1208] {strides = array<i32>} : memref<10112xi32, #tpu.memory_space<vmem>>, vector<16xi32>,
      %dma_start3A_1210 = arith.constant 0 : i32
      %dma_start3A_1211 = arith.constant 0 : i32
      %dma_start3A_1212 = tpu.memref_slice %arg16[%dma_start3A_1210, %dma_start3A_1211] : memref<10112x128xf32, #tpu.memory_space<vmem_shared>> -> memref<10112x128xf32, #tpu.memory_space<vmem_shared>>
      tpu.enqueue_indirect_dma source(%arg12 : memref<16x128xf32, #tpu.memory_space<vmem>>) target(%dma_start3A_1212 : memref<10112x128xf32, #tpu.memory_space<vmem_shared>>) offsets(%get3A_1209 : vector<16xi32>) semaphore(%arg25 : memref<!tpu.dma_semaphore, #tpu.memory_space<semaphore_mem>>) {add = true}
      %add3A_1213 = arith.constant 6 : i32
      %add3A_1214 = arith.addi %add3A_1197, %add3A_1213 : i32
      %lt3A_1215 = arith.constant 632 : i32
      %lt3A_1216 = arith.cmpi slt, %add3A_1214, %lt3A_1215 : i32
      %convert_element_type3A_1217 = arith.extui %lt3A_1216 : i1 to i32
      %cond3A_1218 = arith.constant 0 : i32
      %cond3A_1219 = arith.cmpi ne, %convert_element_type3A_1217, %cond3A_1218 : i32
      scf.if %cond3A_1219 {
        %add3A_1298 = arith.constant 96 : i32
        %add3A_1299 = arith.addi %mul3A_1199, %add3A_1298 : i32
        %get3A_1300 = arith.index_cast %add3A_1299 : i32 to index
        %get3A_1301 = tpu.vector_load %arg6[%get3A_1300] {strides = array<i32>} : memref<10112xi32, #tpu.memory_space<vmem>>, vector<16xi32>,
        %dma_start3A_1302 = arith.constant 0 : i32
        %dma_start3A_1303 = arith.constant 0 : i32
        %dma_start3A_1304 = tpu.memref_slice %arg4[%dma_start3A_1302, %dma_start3A_1303] : memref<10240x128xf32, #tpu.memory_space<hbm>> -> memref<10240x128xf32, #tpu.memory_space<hbm>>
        tpu.enqueue_indirect_dma source(%dma_start3A_1304 : memref<10240x128xf32, #tpu.memory_space<hbm>>) target(%arg10 : memref<16x128xf32, #tpu.memory_space<vmem>>) offsets(%get3A_1301 : vector<16xi32>) semaphore(%arg19 : memref<!tpu.dma_semaphore, #tpu.memory_space<semaphore_mem>>)
      } else {
      }
      %mul3A_1220 = arith.constant 8 : i32
      %mul3A_1221 = arith.muli %scan3A_1092, %mul3A_1220 : i32
      %add3A_1222 = arith.constant 5 : i32
      %add3A_1223 = arith.addi %mul3A_1221, %add3A_1222 : i32
      %mul3A_1224 = arith.constant 16 : i32
      %mul3A_1225 = arith.muli %add3A_1223, %mul3A_1224 : i32
      %get3A_1226 = arith.index_cast %mul3A_1225 : i32 to index
      %get3A_1227 = tpu.vector_load %arg6[%get3A_1226] {strides = array<i32>} : memref<10112xi32, #tpu.memory_space<vmem>>, vector<16xi32>,
      %dma_wait3A_1228 = arith.constant 0 : i32
      %dma_wait3A_1229 = arith.constant 0 : i32
      %dma_wait3A_1230 = tpu.memref_slice %arg4[%dma_wait3A_1228, %dma_wait3A_1229] : memref<10240x128xf32, #tpu.memory_space<hbm>> -> memref<10240x128xf32, #tpu.memory_space<hbm>>
      tpu.wait_indirect_dma semaphore(%arg22 : memref<!tpu.dma_semaphore, #tpu.memory_space<semaphore_mem>>) src(%dma_wait3A_1230 : memref<10240x128xf32, #tpu.memory_space<hbm>>) dst(%arg13 : memref<16x128xf32, #tpu.memory_space<vmem>>)
      %dma_wait3A_1231 = arith.constant 0 : i32
      %dma_wait3A_1232 = arith.constant 0 : i32
      %dma_wait3A_1233 = tpu.memref_slice %arg16[%dma_wait3A_1231, %dma_wait3A_1232] : memref<10112x128xf32, #tpu.memory_space<vmem_shared>> -> memref<10112x128xf32, #tpu.memory_space<vmem_shared>>
      tpu.wait_indirect_dma semaphore(%arg26 : memref<!tpu.dma_semaphore, #tpu.memory_space<semaphore_mem>>) src(%arg13 : memref<16x128xf32, #tpu.memory_space<vmem>>) dst(%dma_wait3A_1233 : memref<10112x128xf32, #tpu.memory_space<vmem_shared>>)
      %get3A_1234 = arith.index_cast %mul3A_1225 : i32 to index
      %get3A_1235 = tpu.vector_load %arg7[%get3A_1234] {strides = array<i32>} : memref<10112xi32, #tpu.memory_space<vmem>>, vector<16xi32>,
      %dma_start3A_1236 = arith.constant 0 : i32
      %dma_start3A_1237 = arith.constant 0 : i32
      %dma_start3A_1238 = tpu.memref_slice %arg16[%dma_start3A_1236, %dma_start3A_1237] : memref<10112x128xf32, #tpu.memory_space<vmem_shared>> -> memref<10112x128xf32, #tpu.memory_space<vmem_shared>>
      tpu.enqueue_indirect_dma source(%arg13 : memref<16x128xf32, #tpu.memory_space<vmem>>) target(%dma_start3A_1238 : memref<10112x128xf32, #tpu.memory_space<vmem_shared>>) offsets(%get3A_1235 : vector<16xi32>) semaphore(%arg26 : memref<!tpu.dma_semaphore, #tpu.memory_space<semaphore_mem>>) {add = true}
      %add3A_1239 = arith.constant 6 : i32
      %add3A_1240 = arith.addi %add3A_1223, %add3A_1239 : i32
      %lt3A_1241 = arith.constant 632 : i32
      %lt3A_1242 = arith.cmpi slt, %add3A_1240, %lt3A_1241 : i32
      %convert_element_type3A_1243 = arith.extui %lt3A_1242 : i1 to i32
      %cond3A_1244 = arith.constant 0 : i32
      %cond3A_1245 = arith.cmpi ne, %convert_element_type3A_1243, %cond3A_1244 : i32
      scf.if %cond3A_1245 {
        %add3A_1298 = arith.constant 96 : i32
        %add3A_1299 = arith.addi %mul3A_1225, %add3A_1298 : i32
        %get3A_1300 = arith.index_cast %add3A_1299 : i32 to index
        %get3A_1301 = tpu.vector_load %arg6[%get3A_1300] {strides = array<i32>} : memref<10112xi32, #tpu.memory_space<vmem>>, vector<16xi32>,
        %dma_start3A_1302 = arith.constant 0 : i32
        %dma_start3A_1303 = arith.constant 0 : i32
        %dma_start3A_1304 = tpu.memref_slice %arg4[%dma_start3A_1302, %dma_start3A_1303] : memref<10240x128xf32, #tpu.memory_space<hbm>> -> memref<10240x128xf32, #tpu.memory_space<hbm>>
        tpu.enqueue_indirect_dma source(%dma_start3A_1304 : memref<10240x128xf32, #tpu.memory_space<hbm>>) target(%arg11 : memref<16x128xf32, #tpu.memory_space<vmem>>) offsets(%get3A_1301 : vector<16xi32>) semaphore(%arg20 : memref<!tpu.dma_semaphore, #tpu.memory_space<semaphore_mem>>)
      } else {
      }
      %mul3A_1246 = arith.constant 8 : i32
      %mul3A_1247 = arith.muli %scan3A_1092, %mul3A_1246 : i32
      %add3A_1248 = arith.constant 6 : i32
      %add3A_1249 = arith.addi %mul3A_1247, %add3A_1248 : i32
      %mul3A_1250 = arith.constant 16 : i32
      %mul3A_1251 = arith.muli %add3A_1249, %mul3A_1250 : i32
      %get3A_1252 = arith.index_cast %mul3A_1251 : i32 to index
      %get3A_1253 = tpu.vector_load %arg6[%get3A_1252] {strides = array<i32>} : memref<10112xi32, #tpu.memory_space<vmem>>, vector<16xi32>,
      %dma_wait3A_1254 = arith.constant 0 : i32
      %dma_wait3A_1255 = arith.constant 0 : i32
      %dma_wait3A_1256 = tpu.memref_slice %arg4[%dma_wait3A_1254, %dma_wait3A_1255] : memref<10240x128xf32, #tpu.memory_space<hbm>> -> memref<10240x128xf32, #tpu.memory_space<hbm>>
      tpu.wait_indirect_dma semaphore(%arg23 : memref<!tpu.dma_semaphore, #tpu.memory_space<semaphore_mem>>) src(%dma_wait3A_1256 : memref<10240x128xf32, #tpu.memory_space<hbm>>) dst(%arg14 : memref<16x128xf32, #tpu.memory_space<vmem>>)
      %dma_wait3A_1257 = arith.constant 0 : i32
      %dma_wait3A_1258 = arith.constant 0 : i32
      %dma_wait3A_1259 = tpu.memref_slice %arg16[%dma_wait3A_1257, %dma_wait3A_1258] : memref<10112x128xf32, #tpu.memory_space<vmem_shared>> -> memref<10112x128xf32, #tpu.memory_space<vmem_shared>>
      tpu.wait_indirect_dma semaphore(%arg25 : memref<!tpu.dma_semaphore, #tpu.memory_space<semaphore_mem>>) src(%arg14 : memref<16x128xf32, #tpu.memory_space<vmem>>) dst(%dma_wait3A_1259 : memref<10112x128xf32, #tpu.memory_space<vmem_shared>>)
      %get3A_1260 = arith.index_cast %mul3A_1251 : i32 to index
      %get3A_1261 = tpu.vector_load %arg7[%get3A_1260] {strides = array<i32>} : memref<10112xi32, #tpu.memory_space<vmem>>, vector<16xi32>,
      %dma_start3A_1262 = arith.constant 0 : i32
      %dma_start3A_1263 = arith.constant 0 : i32
      %dma_start3A_1264 = tpu.memref_slice %arg16[%dma_start3A_1262, %dma_start3A_1263] : memref<10112x128xf32, #tpu.memory_space<vmem_shared>> -> memref<10112x128xf32, #tpu.memory_space<vmem_shared>>
      tpu.enqueue_indirect_dma source(%arg14 : memref<16x128xf32, #tpu.memory_space<vmem>>) target(%dma_start3A_1264 : memref<10112x128xf32, #tpu.memory_space<vmem_shared>>) offsets(%get3A_1261 : vector<16xi32>) semaphore(%arg25 : memref<!tpu.dma_semaphore, #tpu.memory_space<semaphore_mem>>) {add = true}
      %add3A_1265 = arith.constant 6 : i32
      %add3A_1266 = arith.addi %add3A_1249, %add3A_1265 : i32
      %lt3A_1267 = arith.constant 632 : i32
      %lt3A_1268 = arith.cmpi slt, %add3A_1266, %lt3A_1267 : i32
      %convert_element_type3A_1269 = arith.extui %lt3A_1268 : i1 to i32
      %cond3A_1270 = arith.constant 0 : i32
      %cond3A_1271 = arith.cmpi ne, %convert_element_type3A_1269, %cond3A_1270 : i32
      scf.if %cond3A_1271 {
        %add3A_1298 = arith.constant 96 : i32
        %add3A_1299 = arith.addi %mul3A_1251, %add3A_1298 : i32
        %get3A_1300 = arith.index_cast %add3A_1299 : i32 to index
        %get3A_1301 = tpu.vector_load %arg6[%get3A_1300] {strides = array<i32>} : memref<10112xi32, #tpu.memory_space<vmem>>, vector<16xi32>,
        %dma_start3A_1302 = arith.constant 0 : i32
        %dma_start3A_1303 = arith.constant 0 : i32
        %dma_start3A_1304 = tpu.memref_slice %arg4[%dma_start3A_1302, %dma_start3A_1303] : memref<10240x128xf32, #tpu.memory_space<hbm>> -> memref<10240x128xf32, #tpu.memory_space<hbm>>
        tpu.enqueue_indirect_dma source(%dma_start3A_1304 : memref<10240x128xf32, #tpu.memory_space<hbm>>) target(%arg12 : memref<16x128xf32, #tpu.memory_space<vmem>>) offsets(%get3A_1301 : vector<16xi32>) semaphore(%arg21 : memref<!tpu.dma_semaphore, #tpu.memory_space<semaphore_mem>>)
      } else {
      }
      %mul3A_1272 = arith.constant 8 : i32
      %mul3A_1273 = arith.muli %scan3A_1092, %mul3A_1272 : i32
      %add3A_1274 = arith.constant 7 : i32
      %add3A_1275 = arith.addi %mul3A_1273, %add3A_1274 : i32
      %mul3A_1276 = arith.constant 16 : i32
      %mul3A_1277 = arith.muli %add3A_1275, %mul3A_1276 : i32
      %get3A_1278 = arith.index_cast %mul3A_1277 : i32 to index
      %get3A_1279 = tpu.vector_load %arg6[%get3A_1278] {strides = array<i32>} : memref<10112xi32, #tpu.memory_space<vmem>>, vector<16xi32>,
      %dma_wait3A_1280 = arith.constant 0 : i32
      %dma_wait3A_1281 = arith.constant 0 : i32
      %dma_wait3A_1282 = tpu.memref_slice %arg4[%dma_wait3A_1280, %dma_wait3A_1281] : memref<10240x128xf32, #tpu.memory_space<hbm>> -> memref<10240x128xf32, #tpu.memory_space<hbm>>
      tpu.wait_indirect_dma semaphore(%arg24 : memref<!tpu.dma_semaphore, #tpu.memory_space<semaphore_mem>>) src(%dma_wait3A_1282 : memref<10240x128xf32, #tpu.memory_space<hbm>>) dst(%arg15 : memref<16x128xf32, #tpu.memory_space<vmem>>)
      %dma_wait3A_1283 = arith.constant 0 : i32
      %dma_wait3A_1284 = arith.constant 0 : i32
      %dma_wait3A_1285 = tpu.memref_slice %arg16[%dma_wait3A_1283, %dma_wait3A_1284] : memref<10112x128xf32, #tpu.memory_space<vmem_shared>> -> memref<10112x128xf32, #tpu.memory_space<vmem_shared>>
      tpu.wait_indirect_dma semaphore(%arg26 : memref<!tpu.dma_semaphore, #tpu.memory_space<semaphore_mem>>) src(%arg15 : memref<16x128xf32, #tpu.memory_space<vmem>>) dst(%dma_wait3A_1285 : memref<10112x128xf32, #tpu.memory_space<vmem_shared>>)
      %get3A_1286 = arith.index_cast %mul3A_1277 : i32 to index
      %get3A_1287 = tpu.vector_load %arg7[%get3A_1286] {strides = array<i32>} : memref<10112xi32, #tpu.memory_space<vmem>>, vector<16xi32>,
      %dma_start3A_1288 = arith.constant 0 : i32
      %dma_start3A_1289 = arith.constant 0 : i32
      %dma_start3A_1290 = tpu.memref_slice %arg16[%dma_start3A_1288, %dma_start3A_1289] : memref<10112x128xf32, #tpu.memory_space<vmem_shared>> -> memref<10112x128xf32, #tpu.memory_space<vmem_shared>>
      tpu.enqueue_indirect_dma source(%arg15 : memref<16x128xf32, #tpu.memory_space<vmem>>) target(%dma_start3A_1290 : memref<10112x128xf32, #tpu.memory_space<vmem_shared>>) offsets(%get3A_1287 : vector<16xi32>) semaphore(%arg26 : memref<!tpu.dma_semaphore, #tpu.memory_space<semaphore_mem>>) {add = true}
      %add3A_1291 = arith.constant 6 : i32
      %add3A_1292 = arith.addi %add3A_1275, %add3A_1291 : i32
      %lt3A_1293 = arith.constant 632 : i32
      %lt3A_1294 = arith.cmpi slt, %add3A_1292, %lt3A_1293 : i32
      %convert_element_type3A_1295 = arith.extui %lt3A_1294 : i1 to i32
      %cond3A_1296 = arith.constant 0 : i32
      %cond3A_1297 = arith.cmpi ne, %convert_element_type3A_1295, %cond3A_1296 : i32
      scf.if %cond3A_1297 {
        %add3A_1298 = arith.constant 96 : i32
        %add3A_1299 = arith.addi %mul3A_1277, %add3A_1298 : i32
        %get3A_1300 = arith.index_cast %add3A_1299 : i32 to index
        %get3A_1301 = tpu.vector_load %arg6[%get3A_1300] {strides = array<i32>} : memref<10112xi32, #tpu.memory_space<vmem>>, vector<16xi32>,
        %dma_start3A_1302 = arith.constant 0 : i32
        %dma_start3A_1303 = arith.constant 0 : i32
        %dma_start3A_1304 = tpu.memref_slice %arg4[%dma_start3A_1302, %dma_start3A_1303] : memref<10240x128xf32, #tpu.memory_space<hbm>> -> memref<10240x128xf32, #tpu.memory_space<hbm>>
        tpu.enqueue_indirect_dma source(%dma_start3A_1304 : memref<10240x128xf32, #tpu.memory_space<hbm>>) target(%arg13 : memref<16x128xf32, #tpu.memory_space<vmem>>) offsets(%get3A_1301 : vector<16xi32>) semaphore(%arg22 : memref<!tpu.dma_semaphore, #tpu.memory_space<semaphore_mem>>)
      } else {
      }
    }
    %scan3A_1077 = arith.constant 79 : i32
    %dma_wait3A = arith.constant 0 : i32
    %dma_wait3A_1078 = arith.constant 0 : i32
    %dma_wait3A_1079 = tpu.memref_slice %arg16[%dma_wait3A, %dma_wait3A_1078] : memref<10112x128xf32, #tpu.memory_space<vmem_shared>> -> memref<10112x128xf32, #tpu.memory_space<vmem_shared>>
    tpu.wait_indirect_dma semaphore(%arg25 : memref<!tpu.dma_semaphore, #tpu.memory_space<semaphore_mem>>) src(%arg8 : memref<16x128xf32, #tpu.memory_space<vmem>>) dst(%dma_wait3A_1079 : memref<10112x128xf32, #tpu.memory_space<vmem_shared>>)
    %dma_wait3A_1080 = arith.constant 0 : i32
    %dma_wait3A_1081 = arith.constant 0 : i32
    %dma_wait3A_1082 = tpu.memref_slice %arg16[%dma_wait3A_1080, %dma_wait3A_1081] : memref<10112x128xf32, #tpu.memory_space<vmem_shared>> -> memref<10112x128xf32, #tpu.memory_space<vmem_shared>>
    tpu.wait_indirect_dma semaphore(%arg26 : memref<!tpu.dma_semaphore, #tpu.memory_space<semaphore_mem>>) src(%arg9 : memref<16x128xf32, #tpu.memory_space<vmem>>) dst(%dma_wait3A_1082 : memref<10112x128xf32, #tpu.memory_space<vmem_shared>>)
    %barrier3A_1083 = arith.constant 0 : index
    tpu.barrier barrier_id(%barrier3A_1083)
    %scan3A_1084 = arith.constant 0 : i32
    %scan3A_1085 = arith.constant 0 : i32
    %scan3A_1086 = arith.constant 39 : i32
    %scan3A_1087 = arith.addi %scan3A_1085, %scan3A_1086 : i32
    %scan3A_1088 = arith.constant 1 : i32
    scf.for %scan3A_1092 = %scan3A_1085 to %scan3A_1087 step %scan3A_1088  : i32 {
      %mul3A_1093 = arith.constant 16 : i32
      %mul3A_1094 = arith.muli %scan3A_1092, %mul3A_1093 : i32
      %add3A_1095 = arith.addi %mul3A_1028, %mul3A_1094 : i32
      "tpu.region"() ({
        %run_scoped3A = tpu.sem_alloc : memref<!tpu.dma_semaphore, #tpu.memory_space<semaphore_mem>>
        %dma_start3A_1096 = arith.constant 0 : i32
        %dma_start3A_1097 = tpu.memref_slice %arg16[%add3A_1095, %dma_start3A_1096] : memref<10112x128xf32, #tpu.memory_space<vmem_shared>> -> memref<16x128xf32, #tpu.memory_space<vmem_shared>>
        %dma_start3A_1098 = arith.constant 0 : i32
        %dma_start3A_1099 = tpu.memref_slice %arg16[%add3A_1095, %dma_start3A_1098] : memref<10112x128xf32, #tpu.memory_space<vmem_shared>> -> memref<16x128xf32, #tpu.memory_space<vmem_shared>>
        tpu.enqueue_dma source(%dma_start3A_1099 : memref<16x128xf32, #tpu.memory_space<vmem_shared>>) target(%arg8 : memref<16x128xf32, #tpu.memory_space<vmem>>) target_semaphore(%run_scoped3A : memref<!tpu.dma_semaphore, #tpu.memory_space<semaphore_mem>>)
        %dma_wait3A_1100 = arith.constant 0 : i32
        %dma_wait3A_1101 = tpu.memref_slice %arg16[%add3A_1095, %dma_wait3A_1100] : memref<10112x128xf32, #tpu.memory_space<vmem_shared>> -> memref<16x128xf32, #tpu.memory_space<vmem_shared>>
        %dma_wait3A_1102 = arith.constant 0 : i32
        %dma_wait3A_1103 = tpu.memref_slice %arg16[%add3A_1095, %dma_wait3A_1102] : memref<10112x128xf32, #tpu.memory_space<vmem_shared>> -> memref<16x128xf32, #tpu.memory_space<vmem_shared>>
        tpu.wait_dma2 semaphore(%run_scoped3A : memref<!tpu.dma_semaphore, #tpu.memory_space<semaphore_mem>>) src(%dma_wait3A_1103 : memref<16x128xf32, #tpu.memory_space<vmem_shared>>) dst(%arg8 : memref<16x128xf32, #tpu.memory_space<vmem>>)
        tpu.yield
      }) : () -> ()
      "tpu.region"() ({
        %run_scoped3A = tpu.sem_alloc : memref<!tpu.dma_semaphore, #tpu.memory_space<semaphore_mem>>
        %dma_start3A_1096 = arith.constant 0 : i32
        %dma_start3A_1097 = tpu.memref_slice %arg5[%arg0, %add3A_1095, %dma_start3A_1096] : memref<2x10112x128xf32, #tpu.memory_space<hbm>> -> memref<1x16x128xf32, #tpu.memory_space<hbm>>
        %dma_start3A_1098 = tpu.memref_squeeze %dma_start3A_1097 : memref<1x16x128xf32, #tpu.memory_space<hbm>> -> memref<16x128xf32, #tpu.memory_space<hbm>>
        %dma_start3A_1099 = arith.constant 0 : i32
        %dma_start3A_1100 = tpu.memref_slice %arg5[%arg0, %add3A_1095, %dma_start3A_1099] : memref<2x10112x128xf32, #tpu.memory_space<hbm>> -> memref<1x16x128xf32, #tpu.memory_space<hbm>>
        %dma_start3A_1101 = tpu.memref_squeeze %dma_start3A_1100 : memref<1x16x128xf32, #tpu.memory_space<hbm>> -> memref<16x128xf32, #tpu.memory_space<hbm>>
        tpu.enqueue_dma source(%arg8 : memref<16x128xf32, #tpu.memory_space<vmem>>) target(%dma_start3A_1101 : memref<16x128xf32, #tpu.memory_space<hbm>>) target_semaphore(%run_scoped3A : memref<!tpu.dma_semaphore, #tpu.memory_space<semaphore_mem>>)
        %dma_wait3A_1102 = arith.constant 0 : i32
        %dma_wait3A_1103 = tpu.memref_slice %arg5[%arg0, %add3A_1095, %dma_wait3A_1102] : memref<2x10112x128xf32, #tpu.memory_space<hbm>> -> memref<1x16x128xf32, #tpu.memory_space<hbm>>
        %dma_wait3A_1104 = tpu.memref_squeeze %dma_wait3A_1103 : memref<1x16x128xf32, #tpu.memory_space<hbm>> -> memref<16x128xf32, #tpu.memory_space<hbm>>
        %dma_wait3A_1105 = arith.constant 0 : i32
        %dma_wait3A_1106 = tpu.memref_slice %arg5[%arg0, %add3A_1095, %dma_wait3A_1105] : memref<2x10112x128xf32, #tpu.memory_space<hbm>> -> memref<1x16x128xf32, #tpu.memory_space<hbm>>
        %dma_wait3A_1107 = tpu.memref_squeeze %dma_wait3A_1106 : memref<1x16x128xf32, #tpu.memory_space<hbm>> -> memref<16x128xf32, #tpu.memory_space<hbm>>
        tpu.wait_dma2 semaphore(%run_scoped3A : memref<!tpu.dma_semaphore, #tpu.memory_space<semaphore_mem>>) src(%arg8 : memref<16x128xf32, #tpu.memory_space<vmem>>) dst(%dma_wait3A_1107 : memref<16x128xf32, #tpu.memory_space<hbm>>)
        tpu.yield
      }) : () -> ()
    }
    %scan3A_1089 = arith.constant 39 : i32
    %add3A_1090 = arith.constant 624 : i32
    %add3A_1091 = arith.addi %mul3A_1028, %add3A_1090 : i32
    "tpu.region"() ({
      %run_scoped3A = tpu.sem_alloc : memref<!tpu.dma_semaphore, #tpu.memory_space<semaphore_mem>>
      %dma_start3A_1092 = arith.constant 0 : i32
      %dma_start3A_1093 = arith.constant 0 : i32
      %dma_start3A_1094 = tpu.memref_slice %arg8[%dma_start3A_1092, %dma_start3A_1093] : memref<16x128xf32, #tpu.memory_space<vmem>> -> memref<8x128xf32, #tpu.memory_space<vmem>>
      %dma_start3A_1095 = arith.constant 0 : i32
      %dma_start3A_1096 = tpu.memref_slice %arg16[%add3A_1091, %dma_start3A_1095] : memref<10112x128xf32, #tpu.memory_space<vmem_shared>> -> memref<8x128xf32, #tpu.memory_space<vmem_shared>>
      %dma_start3A_1097 = arith.constant 0 : i32
      %dma_start3A_1098 = arith.constant 0 : i32
      %dma_start3A_1099 = tpu.memref_slice %arg8[%dma_start3A_1097, %dma_start3A_1098] : memref<16x128xf32, #tpu.memory_space<vmem>> -> memref<8x128xf32, #tpu.memory_space<vmem>>
      %dma_start3A_1100 = arith.constant 0 : i32
      %dma_start3A_1101 = tpu.memref_slice %arg16[%add3A_1091, %dma_start3A_1100] : memref<10112x128xf32, #tpu.memory_space<vmem_shared>> -> memref<8x128xf32, #tpu.memory_space<vmem_shared>>
      tpu.enqueue_dma source(%dma_start3A_1101 : memref<8x128xf32, #tpu.memory_space<vmem_shared>>) target(%dma_start3A_1099 : memref<8x128xf32, #tpu.memory_space<vmem>>) target_semaphore(%run_scoped3A : memref<!tpu.dma_semaphore, #tpu.memory_space<semaphore_mem>>)
      %dma_wait3A_1102 = arith.constant 0 : i32
      %dma_wait3A_1103 = arith.constant 0 : i32
      %dma_wait3A_1104 = tpu.memref_slice %arg8[%dma_wait3A_1102, %dma_wait3A_1103] : memref<16x128xf32, #tpu.memory_space<vmem>> -> memref<8x128xf32, #tpu.memory_space<vmem>>
      %dma_wait3A_1105 = arith.constant 0 : i32
      %dma_wait3A_1106 = tpu.memref_slice %arg16[%add3A_1091, %dma_wait3A_1105] : memref<10112x128xf32, #tpu.memory_space<vmem_shared>> -> memref<8x128xf32, #tpu.memory_space<vmem_shared>>
      %dma_wait3A_1107 = arith.constant 0 : i32
      %dma_wait3A_1108 = arith.constant 0 : i32
      %dma_wait3A_1109 = tpu.memref_slice %arg8[%dma_wait3A_1107, %dma_wait3A_1108] : memref<16x128xf32, #tpu.memory_space<vmem>> -> memref<8x128xf32, #tpu.memory_space<vmem>>
      %dma_wait3A_1110 = arith.constant 0 : i32
      %dma_wait3A_1111 = tpu.memref_slice %arg16[%add3A_1091, %dma_wait3A_1110] : memref<10112x128xf32, #tpu.memory_space<vmem_shared>> -> memref<8x128xf32, #tpu.memory_space<vmem_shared>>
      tpu.wait_dma2 semaphore(%run_scoped3A : memref<!tpu.dma_semaphore, #tpu.memory_space<semaphore_mem>>) src(%dma_wait3A_1111 : memref<8x128xf32, #tpu.memory_space<vmem_shared>>) dst(%dma_wait3A_1109 : memref<8x128xf32, #tpu.memory_space<vmem>>)
      tpu.yield
    }) : () -> ()
    "tpu.region"() ({
      %run_scoped3A = tpu.sem_alloc : memref<!tpu.dma_semaphore, #tpu.memory_space<semaphore_mem>>
      %dma_start3A_1092 = arith.constant 0 : i32
      %dma_start3A_1093 = arith.constant 0 : i32
      %dma_start3A_1094 = tpu.memref_slice %arg8[%dma_start3A_1092, %dma_start3A_1093] : memref<16x128xf32, #tpu.memory_space<vmem>> -> memref<8x128xf32, #tpu.memory_space<vmem>>
      %dma_start3A_1095 = arith.constant 0 : i32
      %dma_start3A_1096 = tpu.memref_slice %arg5[%arg0, %add3A_1091, %dma_start3A_1095] : memref<2x10112x128xf32, #tpu.memory_space<hbm>> -> memref<1x8x128xf32, #tpu.memory_space<hbm>>
      %dma_start3A_1097 = tpu.memref_squeeze %dma_start3A_1096 : memref<1x8x128xf32, #tpu.memory_space<hbm>> -> memref<8x128xf32, #tpu.memory_space<hbm>>
      %dma_start3A_1098 = arith.constant 0 : i32
      %dma_start3A_1099 = tpu.memref_slice %arg5[%arg0, %add3A_1091, %dma_start3A_1098] : memref<2x10112x128xf32, #tpu.memory_space<hbm>> -> memref<1x8x128xf32, #tpu.memory_space<hbm>>
      %dma_start3A_1100 = tpu.memref_squeeze %dma_start3A_1099 : memref<1x8x128xf32, #tpu.memory_space<hbm>> -> memref<8x128xf32, #tpu.memory_space<hbm>>
      %dma_start3A_1101 = arith.constant 0 : i32
      %dma_start3A_1102 = arith.constant 0 : i32
      %dma_start3A_1103 = tpu.memref_slice %arg8[%dma_start3A_1101, %dma_start3A_1102] : memref<16x128xf32, #tpu.memory_space<vmem>> -> memref<8x128xf32, #tpu.memory_space<vmem>>
      tpu.enqueue_dma source(%dma_start3A_1103 : memref<8x128xf32, #tpu.memory_space<vmem>>) target(%dma_start3A_1100 : memref<8x128xf32, #tpu.memory_space<hbm>>) target_semaphore(%run_scoped3A : memref<!tpu.dma_semaphore, #tpu.memory_space<semaphore_mem>>)
      %dma_wait3A_1104 = arith.constant 0 : i32
      %dma_wait3A_1105 = arith.constant 0 : i32
      %dma_wait3A_1106 = tpu.memref_slice %arg8[%dma_wait3A_1104, %dma_wait3A_1105] : memref<16x128xf32, #tpu.memory_space<vmem>> -> memref<8x128xf32, #tpu.memory_space<vmem>>
      %dma_wait3A_1107 = arith.constant 0 : i32
      %dma_wait3A_1108 = tpu.memref_slice %arg5[%arg0, %add3A_1091, %dma_wait3A_1107] : memref<2x10112x128xf32, #tpu.memory_space<hbm>> -> memref<1x8x128xf32, #tpu.memory_space<hbm>>
      %dma_wait3A_1109 = tpu.memref_squeeze %dma_wait3A_1108 : memref<1x8x128xf32, #tpu.memory_space<hbm>> -> memref<8x128xf32, #tpu.memory_space<hbm>>
      %dma_wait3A_1110 = arith.constant 0 : i32
      %dma_wait3A_1111 = tpu.memref_slice %arg5[%arg0, %add3A_1091, %dma_wait3A_1110] : memref<2x10112x128xf32, #tpu.memory_space<hbm>> -> memref<1x8x128xf32, #tpu.memory_space<hbm>>
      %dma_wait3A_1112 = tpu.memref_squeeze %dma_wait3A_1111 : memref<1x8x128xf32, #tpu.memory_space<hbm>> -> memref<8x128xf32, #tpu.memory_space<hbm>>
      %dma_wait3A_1113 = arith.constant 0 : i32
      %dma_wait3A_1114 = arith.constant 0 : i32
      %dma_wait3A_1115 = tpu.memref_slice %arg8[%dma_wait3A_1113, %dma_wait3A_1114] : memref<16x128xf32, #tpu.memory_space<vmem>> -> memref<8x128xf32, #tpu.memory_space<vmem>>
      tpu.wait_dma2 semaphore(%run_scoped3A : memref<!tpu.dma_semaphore, #tpu.memory_space<semaphore_mem>>) src(%dma_wait3A_1115 : memref<8x128xf32, #tpu.memory_space<vmem>>) dst(%dma_wait3A_1112 : memref<8x128xf32, #tpu.memory_space<hbm>>)
      tpu.yield
    }) : () -> ()
    return
  }
}

#map = affine_map<(d0, d1) -> (0)>
#map1 = affine_map<(d0, d1) -> (0, 0)>
module attributes {stable_mosaic.version = 14 : i64} {
  func.func @_edge_phase_a(%arg0: i32, %arg1: i32, %arg2: memref<323584xi32, #tpu.memory_space<hbm>>, %arg3: memref<323584xi32, #tpu.memory_space<hbm>>, %arg4: memref<10240xf32, #tpu.memory_space<hbm>>, %arg5: memref<2x10240xf32, #tpu.memory_space<hbm>>, %arg6: memref<10240xf32, #tpu.memory_space<vmem>>, %arg7: memref<10112xi32, #tpu.memory_space<vmem>>, %arg8: memref<10112xi32, #tpu.memory_space<vmem>>, %arg9: memref<10240xf32, #tpu.memory_space<vmem>>, %arg10: memref<16x640xf32, #tpu.memory_space<vmem>>, %arg11: memref<16x10240xf32, #tpu.memory_space<vmem_shared>>) attributes {dimension_semantics = [#tpu.dimension_semantics<core_parallel>, #tpu.dimension_semantics<subcore_parallel>], iteration_bounds = array<i64: 2, 16>, scalar_prefetch = 0 : i64, scratch_operands = 6 : i64, tpu.core_type = #tpu.core_type<sc_vector_subcore>, window_params = [{transform_indices = #map}, {transform_indices = #map}, {transform_indices = #map}, {transform_indices = #map1}]} {
    %mul3A = arith.constant 2 : i32
    %mul3A_0 = arith.muli %arg1, %mul3A : i32
    %add3A = arith.addi %mul3A_0, %arg0 : i32
    %mul3A_1 = arith.constant 10112 : i32
    %mul3A_2 = arith.muli %add3A, %mul3A_1 : i32
    "tpu.region"() ({
      %run_scoped3A = tpu.sem_alloc : memref<!tpu.dma_semaphore, #tpu.memory_space<semaphore_mem>>
      tpu.enqueue_dma source(%arg4 : memref<10240xf32, #tpu.memory_space<hbm>>) target(%arg6 : memref<10240xf32, #tpu.memory_space<vmem>>) target_semaphore(%run_scoped3A : memref<!tpu.dma_semaphore, #tpu.memory_space<semaphore_mem>>)
      tpu.wait_dma2 semaphore(%run_scoped3A : memref<!tpu.dma_semaphore, #tpu.memory_space<semaphore_mem>>) src(%arg4 : memref<10240xf32, #tpu.memory_space<hbm>>) dst(%arg6 : memref<10240xf32, #tpu.memory_space<vmem>>)
      tpu.yield
    }) : () -> ()
    "tpu.region"() ({
      %run_scoped3A = tpu.sem_alloc : memref<!tpu.dma_semaphore, #tpu.memory_space<semaphore_mem>>
      %dma_start3A = tpu.memref_slice %arg2[%mul3A_2] : memref<323584xi32, #tpu.memory_space<hbm>> -> memref<10112xi32, #tpu.memory_space<hbm>>
      %dma_start3A_23 = tpu.memref_slice %arg2[%mul3A_2] : memref<323584xi32, #tpu.memory_space<hbm>> -> memref<10112xi32, #tpu.memory_space<hbm>>
      tpu.enqueue_dma source(%dma_start3A_23 : memref<10112xi32, #tpu.memory_space<hbm>>) target(%arg7 : memref<10112xi32, #tpu.memory_space<vmem>>) target_semaphore(%run_scoped3A : memref<!tpu.dma_semaphore, #tpu.memory_space<semaphore_mem>>)
      %dma_wait3A = tpu.memref_slice %arg2[%mul3A_2] : memref<323584xi32, #tpu.memory_space<hbm>> -> memref<10112xi32, #tpu.memory_space<hbm>>
      %dma_wait3A_24 = tpu.memref_slice %arg2[%mul3A_2] : memref<323584xi32, #tpu.memory_space<hbm>> -> memref<10112xi32, #tpu.memory_space<hbm>>
      tpu.wait_dma2 semaphore(%run_scoped3A : memref<!tpu.dma_semaphore, #tpu.memory_space<semaphore_mem>>) src(%dma_wait3A_24 : memref<10112xi32, #tpu.memory_space<hbm>>) dst(%arg7 : memref<10112xi32, #tpu.memory_space<vmem>>)
      tpu.yield
    }) : () -> ()
    "tpu.region"() ({
      %run_scoped3A = tpu.sem_alloc : memref<!tpu.dma_semaphore, #tpu.memory_space<semaphore_mem>>
      %dma_start3A = tpu.memref_slice %arg3[%mul3A_2] : memref<323584xi32, #tpu.memory_space<hbm>> -> memref<10112xi32, #tpu.memory_space<hbm>>
      %dma_start3A_23 = tpu.memref_slice %arg3[%mul3A_2] : memref<323584xi32, #tpu.memory_space<hbm>> -> memref<10112xi32, #tpu.memory_space<hbm>>
      tpu.enqueue_dma source(%dma_start3A_23 : memref<10112xi32, #tpu.memory_space<hbm>>) target(%arg8 : memref<10112xi32, #tpu.memory_space<vmem>>) target_semaphore(%run_scoped3A : memref<!tpu.dma_semaphore, #tpu.memory_space<semaphore_mem>>)
      %dma_wait3A = tpu.memref_slice %arg3[%mul3A_2] : memref<323584xi32, #tpu.memory_space<hbm>> -> memref<10112xi32, #tpu.memory_space<hbm>>
      %dma_wait3A_24 = tpu.memref_slice %arg3[%mul3A_2] : memref<323584xi32, #tpu.memory_space<hbm>> -> memref<10112xi32, #tpu.memory_space<hbm>>
      tpu.wait_dma2 semaphore(%run_scoped3A : memref<!tpu.dma_semaphore, #tpu.memory_space<semaphore_mem>>) src(%dma_wait3A_24 : memref<10112xi32, #tpu.memory_space<hbm>>) dst(%arg8 : memref<10112xi32, #tpu.memory_space<vmem>>)
      tpu.yield
    }) : () -> ()
    %broadcast_in_dim3A = arith.constant 0.000000e+00 : f32
    %broadcast_in_dim3A_3 = vector.broadcast %broadcast_in_dim3A : f32 to vector<16xf32>
    %scan3A = arith.constant 0 : i32
    %scan3A_4 = arith.constant 0 : i32
    %scan3A_5 = arith.constant 640 : i32
    %scan3A_6 = arith.addi %scan3A_4, %scan3A_5 : i32
    %scan3A_7 = arith.constant 1 : i32
    scf.for %scan3A_23 = %scan3A_4 to %scan3A_6 step %scan3A_7  : i32 {
      %mul3A_24 = arith.constant 16 : i32
      %mul3A_25 = arith.muli %scan3A_23, %mul3A_24 : i32
      %swap3A = arith.index_cast %mul3A_25 : i32 to index
      %swap3A_26 = tpu.vector_load %arg9[%swap3A] {strides = array<i32>} : memref<10240xf32, #tpu.memory_space<vmem>>, vector<16xf32>,
      tpu.vector_store %arg9[%swap3A], %broadcast_in_dim3A_3 {strides = array<i32>} : memref<10240xf32, #tpu.memory_space<vmem>>, vector<16xf32>,
    }
    %scan3A_8 = arith.constant 640 : i32
    %scan3A_9 = arith.constant 0 : i32
    %scan3A_10 = arith.constant 0 : i32
    %scan3A_11 = arith.constant 632 : i32
    %scan3A_12 = arith.addi %scan3A_10, %scan3A_11 : i32
    %scan3A_13 = arith.constant 1 : i32
    scf.for %scan3A_23 = %scan3A_10 to %scan3A_12 step %scan3A_13  : i32 {
      %mul3A_24 = arith.constant 16 : i32
      %mul3A_25 = arith.muli %scan3A_23, %mul3A_24 : i32
      %get3A = arith.index_cast %mul3A_25 : i32 to index
      %get3A_26 = tpu.vector_load %arg7[%get3A] {strides = array<i32>} : memref<10112xi32, #tpu.memory_space<vmem>>, vector<16xi32>,
      %get3A_27 = arith.index_cast %mul3A_25 : i32 to index
      %get3A_28 = tpu.vector_load %arg8[%get3A_27] {strides = array<i32>} : memref<10112xi32, #tpu.memory_space<vmem>>, vector<16xi32>,
      %gather3A = tpu.vector_load_idx %arg6[%get3A_26] : memref<10240xf32, #tpu.memory_space<vmem>>[vector<16xi32>], vector<16xf32>,
      tpu.vector_store_idx %arg9[%get3A_28], %gather3A {add = true} : memref<10240xf32, #tpu.memory_space<vmem>>[vector<16xi32>], vector<16xf32>,
    }
    %scan3A_14 = arith.constant 632 : i32
    "tpu.region"() ({
      %run_scoped3A = tpu.sem_alloc : memref<!tpu.dma_semaphore, #tpu.memory_space<semaphore_mem>>
      %dma_start3A = arith.constant 0 : i32
      %dma_start3A_23 = tpu.memref_slice %arg11[%arg1, %dma_start3A] : memref<16x10240xf32, #tpu.memory_space<vmem_shared>> -> memref<1x10240xf32, #tpu.memory_space<vmem_shared>>
      %dma_start3A_24 = tpu.memref_squeeze %dma_start3A_23 : memref<1x10240xf32, #tpu.memory_space<vmem_shared>> -> memref<10240xf32, #tpu.memory_space<vmem_shared>>
      %dma_start3A_25 = arith.constant 0 : i32
      %dma_start3A_26 = tpu.memref_slice %arg11[%arg1, %dma_start3A_25] : memref<16x10240xf32, #tpu.memory_space<vmem_shared>> -> memref<1x10240xf32, #tpu.memory_space<vmem_shared>>
      %dma_start3A_27 = tpu.memref_squeeze %dma_start3A_26 : memref<1x10240xf32, #tpu.memory_space<vmem_shared>> -> memref<10240xf32, #tpu.memory_space<vmem_shared>>
      tpu.enqueue_dma source(%arg9 : memref<10240xf32, #tpu.memory_space<vmem>>) target(%dma_start3A_27 : memref<10240xf32, #tpu.memory_space<vmem_shared>>) target_semaphore(%run_scoped3A : memref<!tpu.dma_semaphore, #tpu.memory_space<semaphore_mem>>)
      %dma_wait3A = arith.constant 0 : i32
      %dma_wait3A_28 = tpu.memref_slice %arg11[%arg1, %dma_wait3A] : memref<16x10240xf32, #tpu.memory_space<vmem_shared>> -> memref<1x10240xf32, #tpu.memory_space<vmem_shared>>
      %dma_wait3A_29 = tpu.memref_squeeze %dma_wait3A_28 : memref<1x10240xf32, #tpu.memory_space<vmem_shared>> -> memref<10240xf32, #tpu.memory_space<vmem_shared>>
      %dma_wait3A_30 = arith.constant 0 : i32
      %dma_wait3A_31 = tpu.memref_slice %arg11[%arg1, %dma_wait3A_30] : memref<16x10240xf32, #tpu.memory_space<vmem_shared>> -> memref<1x10240xf32, #tpu.memory_space<vmem_shared>>
      %dma_wait3A_32 = tpu.memref_squeeze %dma_wait3A_31 : memref<1x10240xf32, #tpu.memory_space<vmem_shared>> -> memref<10240xf32, #tpu.memory_space<vmem_shared>>
      tpu.wait_dma2 semaphore(%run_scoped3A : memref<!tpu.dma_semaphore, #tpu.memory_space<semaphore_mem>>) src(%arg9 : memref<10240xf32, #tpu.memory_space<vmem>>) dst(%dma_wait3A_32 : memref<10240xf32, #tpu.memory_space<vmem_shared>>)
      tpu.yield
    }) : () -> ()
    %barrier3A = arith.constant 0 : index
    tpu.barrier barrier_id(%barrier3A)
    %mul3A_15 = arith.constant 640 : i32
    %mul3A_16 = arith.muli %arg1, %mul3A_15 : i32
    "tpu.region"() ({
      %run_scoped3A = tpu.sem_alloc : memref<!tpu.dma_semaphore, #tpu.memory_space<semaphore_mem>>
      %dma_start3A = arith.constant 0 : i32
      %dma_start3A_23 = tpu.memref_slice %arg11[%dma_start3A, %mul3A_16] : memref<16x10240xf32, #tpu.memory_space<vmem_shared>> -> memref<16x640xf32, #tpu.memory_space<vmem_shared>>
      %dma_start3A_24 = arith.constant 0 : i32
      %dma_start3A_25 = tpu.memref_slice %arg11[%dma_start3A_24, %mul3A_16] : memref<16x10240xf32, #tpu.memory_space<vmem_shared>> -> memref<16x640xf32, #tpu.memory_space<vmem_shared>>
      tpu.enqueue_dma source(%dma_start3A_25 : memref<16x640xf32, #tpu.memory_space<vmem_shared>>) target(%arg10 : memref<16x640xf32, #tpu.memory_space<vmem>>) target_semaphore(%run_scoped3A : memref<!tpu.dma_semaphore, #tpu.memory_space<semaphore_mem>>)
      %dma_wait3A = arith.constant 0 : i32
      %dma_wait3A_26 = tpu.memref_slice %arg11[%dma_wait3A, %mul3A_16] : memref<16x10240xf32, #tpu.memory_space<vmem_shared>> -> memref<16x640xf32, #tpu.memory_space<vmem_shared>>
      %dma_wait3A_27 = arith.constant 0 : i32
      %dma_wait3A_28 = tpu.memref_slice %arg11[%dma_wait3A_27, %mul3A_16] : memref<16x10240xf32, #tpu.memory_space<vmem_shared>> -> memref<16x640xf32, #tpu.memory_space<vmem_shared>>
      tpu.wait_dma2 semaphore(%run_scoped3A : memref<!tpu.dma_semaphore, #tpu.memory_space<semaphore_mem>>) src(%dma_wait3A_28 : memref<16x640xf32, #tpu.memory_space<vmem_shared>>) dst(%arg10 : memref<16x640xf32, #tpu.memory_space<vmem>>)
      tpu.yield
    }) : () -> ()
    %scan3A_17 = arith.constant 0 : i32
    %scan3A_18 = arith.constant 0 : i32
    %scan3A_19 = arith.constant 40 : i32
    %scan3A_20 = arith.addi %scan3A_18, %scan3A_19 : i32
    %scan3A_21 = arith.constant 1 : i32
    scf.for %scan3A_23 = %scan3A_18 to %scan3A_20 step %scan3A_21  : i32 {
      %mul3A_24 = arith.constant 16 : i32
      %mul3A_25 = arith.muli %scan3A_23, %mul3A_24 : i32
      %get3A = arith.constant 0 : i32
      %get3A_26 = arith.index_cast %get3A : i32 to index
      %get3A_27 = arith.index_cast %mul3A_25 : i32 to index
      %get3A_28 = tpu.vector_load %arg10[%get3A_26, %get3A_27] {strides = array<i32>} : memref<16x640xf32, #tpu.memory_space<vmem>>, vector<16xf32>,
      %mul3A_29 = arith.constant 16 : i32
      %mul3A_30 = arith.muli %scan3A_23, %mul3A_29 : i32
      %get3A_31 = arith.constant 1 : i32
      %get3A_32 = arith.index_cast %get3A_31 : i32 to index
      %get3A_33 = arith.index_cast %mul3A_30 : i32 to index
      %get3A_34 = tpu.vector_load %arg10[%get3A_32, %get3A_33] {strides = array<i32>} : memref<16x640xf32, #tpu.memory_space<vmem>>, vector<16xf32>,
      %add3A_35 = arith.addf %get3A_28, %get3A_34 : vector<16xf32>
      %mul3A_36 = arith.constant 16 : i32
      %mul3A_37 = arith.muli %scan3A_23, %mul3A_36 : i32
      %get3A_38 = arith.constant 2 : i32
      %get3A_39 = arith.index_cast %get3A_38 : i32 to index
      %get3A_40 = arith.index_cast %mul3A_37 : i32 to index
      %get3A_41 = tpu.vector_load %arg10[%get3A_39, %get3A_40] {strides = array<i32>} : memref<16x640xf32, #tpu.memory_space<vmem>>, vector<16xf32>,
      %add3A_42 = arith.addf %add3A_35, %get3A_41 : vector<16xf32>
      %mul3A_43 = arith.constant 16 : i32
      %mul3A_44 = arith.muli %scan3A_23, %mul3A_43 : i32
      %get3A_45 = arith.constant 3 : i32
      %get3A_46 = arith.index_cast %get3A_45 : i32 to index
      %get3A_47 = arith.index_cast %mul3A_44 : i32 to index
      %get3A_48 = tpu.vector_load %arg10[%get3A_46, %get3A_47] {strides = array<i32>} : memref<16x640xf32, #tpu.memory_space<vmem>>, vector<16xf32>,
      %add3A_49 = arith.addf %add3A_42, %get3A_48 : vector<16xf32>
      %mul3A_50 = arith.constant 16 : i32
      %mul3A_51 = arith.muli %scan3A_23, %mul3A_50 : i32
      %get3A_52 = arith.constant 4 : i32
      %get3A_53 = arith.index_cast %get3A_52 : i32 to index
      %get3A_54 = arith.index_cast %mul3A_51 : i32 to index
      %get3A_55 = tpu.vector_load %arg10[%get3A_53, %get3A_54] {strides = array<i32>} : memref<16x640xf32, #tpu.memory_space<vmem>>, vector<16xf32>,
      %add3A_56 = arith.addf %add3A_49, %get3A_55 : vector<16xf32>
      %mul3A_57 = arith.constant 16 : i32
      %mul3A_58 = arith.muli %scan3A_23, %mul3A_57 : i32
      %get3A_59 = arith.constant 5 : i32
      %get3A_60 = arith.index_cast %get3A_59 : i32 to index
      %get3A_61 = arith.index_cast %mul3A_58 : i32 to index
      %get3A_62 = tpu.vector_load %arg10[%get3A_60, %get3A_61] {strides = array<i32>} : memref<16x640xf32, #tpu.memory_space<vmem>>, vector<16xf32>,
      %add3A_63 = arith.addf %add3A_56, %get3A_62 : vector<16xf32>
      %mul3A_64 = arith.constant 16 : i32
      %mul3A_65 = arith.muli %scan3A_23, %mul3A_64 : i32
      %get3A_66 = arith.constant 6 : i32
      %get3A_67 = arith.index_cast %get3A_66 : i32 to index
      %get3A_68 = arith.index_cast %mul3A_65 : i32 to index
      %get3A_69 = tpu.vector_load %arg10[%get3A_67, %get3A_68] {strides = array<i32>} : memref<16x640xf32, #tpu.memory_space<vmem>>, vector<16xf32>,
      %add3A_70 = arith.addf %add3A_63, %get3A_69 : vector<16xf32>
      %mul3A_71 = arith.constant 16 : i32
      %mul3A_72 = arith.muli %scan3A_23, %mul3A_71 : i32
      %get3A_73 = arith.constant 7 : i32
      %get3A_74 = arith.index_cast %get3A_73 : i32 to index
      %get3A_75 = arith.index_cast %mul3A_72 : i32 to index
      %get3A_76 = tpu.vector_load %arg10[%get3A_74, %get3A_75] {strides = array<i32>} : memref<16x640xf32, #tpu.memory_space<vmem>>, vector<16xf32>,
      %add3A_77 = arith.addf %add3A_70, %get3A_76 : vector<16xf32>
      %mul3A_78 = arith.constant 16 : i32
      %mul3A_79 = arith.muli %scan3A_23, %mul3A_78 : i32
      %get3A_80 = arith.constant 8 : i32
      %get3A_81 = arith.index_cast %get3A_80 : i32 to index
      %get3A_82 = arith.index_cast %mul3A_79 : i32 to index
      %get3A_83 = tpu.vector_load %arg10[%get3A_81, %get3A_82] {strides = array<i32>} : memref<16x640xf32, #tpu.memory_space<vmem>>, vector<16xf32>,
      %add3A_84 = arith.addf %add3A_77, %get3A_83 : vector<16xf32>
      %mul3A_85 = arith.constant 16 : i32
      %mul3A_86 = arith.muli %scan3A_23, %mul3A_85 : i32
      %get3A_87 = arith.constant 9 : i32
      %get3A_88 = arith.index_cast %get3A_87 : i32 to index
      %get3A_89 = arith.index_cast %mul3A_86 : i32 to index
      %get3A_90 = tpu.vector_load %arg10[%get3A_88, %get3A_89] {strides = array<i32>} : memref<16x640xf32, #tpu.memory_space<vmem>>, vector<16xf32>,
      %add3A_91 = arith.addf %add3A_84, %get3A_90 : vector<16xf32>
      %mul3A_92 = arith.constant 16 : i32
      %mul3A_93 = arith.muli %scan3A_23, %mul3A_92 : i32
      %get3A_94 = arith.constant 10 : i32
      %get3A_95 = arith.index_cast %get3A_94 : i32 to index
      %get3A_96 = arith.index_cast %mul3A_93 : i32 to index
      %get3A_97 = tpu.vector_load %arg10[%get3A_95, %get3A_96] {strides = array<i32>} : memref<16x640xf32, #tpu.memory_space<vmem>>, vector<16xf32>,
      %add3A_98 = arith.addf %add3A_91, %get3A_97 : vector<16xf32>
      %mul3A_99 = arith.constant 16 : i32
      %mul3A_100 = arith.muli %scan3A_23, %mul3A_99 : i32
      %get3A_101 = arith.constant 11 : i32
      %get3A_102 = arith.index_cast %get3A_101 : i32 to index
      %get3A_103 = arith.index_cast %mul3A_100 : i32 to index
      %get3A_104 = tpu.vector_load %arg10[%get3A_102, %get3A_103] {strides = array<i32>} : memref<16x640xf32, #tpu.memory_space<vmem>>, vector<16xf32>,
      %add3A_105 = arith.addf %add3A_98, %get3A_104 : vector<16xf32>
      %mul3A_106 = arith.constant 16 : i32
      %mul3A_107 = arith.muli %scan3A_23, %mul3A_106 : i32
      %get3A_108 = arith.constant 12 : i32
      %get3A_109 = arith.index_cast %get3A_108 : i32 to index
      %get3A_110 = arith.index_cast %mul3A_107 : i32 to index
      %get3A_111 = tpu.vector_load %arg10[%get3A_109, %get3A_110] {strides = array<i32>} : memref<16x640xf32, #tpu.memory_space<vmem>>, vector<16xf32>,
      %add3A_112 = arith.addf %add3A_105, %get3A_111 : vector<16xf32>
      %mul3A_113 = arith.constant 16 : i32
      %mul3A_114 = arith.muli %scan3A_23, %mul3A_113 : i32
      %get3A_115 = arith.constant 13 : i32
      %get3A_116 = arith.index_cast %get3A_115 : i32 to index
      %get3A_117 = arith.index_cast %mul3A_114 : i32 to index
      %get3A_118 = tpu.vector_load %arg10[%get3A_116, %get3A_117] {strides = array<i32>} : memref<16x640xf32, #tpu.memory_space<vmem>>, vector<16xf32>,
      %add3A_119 = arith.addf %add3A_112, %get3A_118 : vector<16xf32>
      %mul3A_120 = arith.constant 16 : i32
      %mul3A_121 = arith.muli %scan3A_23, %mul3A_120 : i32
      %get3A_122 = arith.constant 14 : i32
      %get3A_123 = arith.index_cast %get3A_122 : i32 to index
      %get3A_124 = arith.index_cast %mul3A_121 : i32 to index
      %get3A_125 = tpu.vector_load %arg10[%get3A_123, %get3A_124] {strides = array<i32>} : memref<16x640xf32, #tpu.memory_space<vmem>>, vector<16xf32>,
      %add3A_126 = arith.addf %add3A_119, %get3A_125 : vector<16xf32>
      %mul3A_127 = arith.constant 16 : i32
      %mul3A_128 = arith.muli %scan3A_23, %mul3A_127 : i32
      %get3A_129 = arith.constant 15 : i32
      %get3A_130 = arith.index_cast %get3A_129 : i32 to index
      %get3A_131 = arith.index_cast %mul3A_128 : i32 to index
      %get3A_132 = tpu.vector_load %arg10[%get3A_130, %get3A_131] {strides = array<i32>} : memref<16x640xf32, #tpu.memory_space<vmem>>, vector<16xf32>,
      %add3A_133 = arith.addf %add3A_126, %get3A_132 : vector<16xf32>
      %mul3A_134 = arith.constant 16 : i32
      %mul3A_135 = arith.muli %scan3A_23, %mul3A_134 : i32
      %swap3A = arith.index_cast %mul3A_135 : i32 to index
      %swap3A_136 = tpu.vector_load %arg9[%swap3A] {strides = array<i32>} : memref<10240xf32, #tpu.memory_space<vmem>>, vector<16xf32>,
      tpu.vector_store %arg9[%swap3A], %add3A_133 {strides = array<i32>} : memref<10240xf32, #tpu.memory_space<vmem>>, vector<16xf32>,
    }
    %scan3A_22 = arith.constant 40 : i32
    "tpu.region"() ({
      %run_scoped3A = tpu.sem_alloc : memref<!tpu.dma_semaphore, #tpu.memory_space<semaphore_mem>>
      %dma_start3A = arith.constant 0 : i32
      %dma_start3A_23 = tpu.memref_slice %arg9[%dma_start3A] : memref<10240xf32, #tpu.memory_space<vmem>> -> memref<640xf32, #tpu.memory_space<vmem>>
      %dma_start3A_24 = tpu.memref_slice %arg5[%arg0, %mul3A_16] : memref<2x10240xf32, #tpu.memory_space<hbm>> -> memref<1x640xf32, #tpu.memory_space<hbm>>
      %dma_start3A_25 = tpu.memref_squeeze %dma_start3A_24 : memref<1x640xf32, #tpu.memory_space<hbm>> -> memref<640xf32, #tpu.memory_space<hbm>>
      %dma_start3A_26 = tpu.memref_slice %arg5[%arg0, %mul3A_16] : memref<2x10240xf32, #tpu.memory_space<hbm>> -> memref<1x640xf32, #tpu.memory_space<hbm>>
      %dma_start3A_27 = tpu.memref_squeeze %dma_start3A_26 : memref<1x640xf32, #tpu.memory_space<hbm>> -> memref<640xf32, #tpu.memory_space<hbm>>
      %dma_start3A_28 = arith.constant 0 : i32
      %dma_start3A_29 = tpu.memref_slice %arg9[%dma_start3A_28] : memref<10240xf32, #tpu.memory_space<vmem>> -> memref<640xf32, #tpu.memory_space<vmem>>
      tpu.enqueue_dma source(%dma_start3A_29 : memref<640xf32, #tpu.memory_space<vmem>>) target(%dma_start3A_27 : memref<640xf32, #tpu.memory_space<hbm>>) target_semaphore(%run_scoped3A : memref<!tpu.dma_semaphore, #tpu.memory_space<semaphore_mem>>)
      %dma_wait3A = arith.constant 0 : i32
      %dma_wait3A_30 = tpu.memref_slice %arg9[%dma_wait3A] : memref<10240xf32, #tpu.memory_space<vmem>> -> memref<640xf32, #tpu.memory_space<vmem>>
      %dma_wait3A_31 = tpu.memref_slice %arg5[%arg0, %mul3A_16] : memref<2x10240xf32, #tpu.memory_space<hbm>> -> memref<1x640xf32, #tpu.memory_space<hbm>>
      %dma_wait3A_32 = tpu.memref_squeeze %dma_wait3A_31 : memref<1x640xf32, #tpu.memory_space<hbm>> -> memref<640xf32, #tpu.memory_space<hbm>>
      %dma_wait3A_33 = tpu.memref_slice %arg5[%arg0, %mul3A_16] : memref<2x10240xf32, #tpu.memory_space<hbm>> -> memref<1x640xf32, #tpu.memory_space<hbm>>
      %dma_wait3A_34 = tpu.memref_squeeze %dma_wait3A_33 : memref<1x640xf32, #tpu.memory_space<hbm>> -> memref<640xf32, #tpu.memory_space<hbm>>
      %dma_wait3A_35 = arith.constant 0 : i32
      %dma_wait3A_36 = tpu.memref_slice %arg9[%dma_wait3A_35] : memref<10240xf32, #tpu.memory_space<vmem>> -> memref<640xf32, #tpu.memory_space<vmem>>
      tpu.wait_dma2 semaphore(%run_scoped3A : memref<!tpu.dma_semaphore, #tpu.memory_space<semaphore_mem>>) src(%dma_wait3A_36 : memref<640xf32, #tpu.memory_space<vmem>>) dst(%dma_wait3A_34 : memref<640xf32, #tpu.memory_space<hbm>>)
      tpu.yield
    }) : () -> ()
    return
  }
}

module attributes {stable_mosaic.version = 14 : i64} {
  func.func @_pre_body(%arg0: i32, %arg1: memref<512x128xf32, #tpu.memory_space<vmem>>, %arg2: memref<128x128xf32, #tpu.memory_space<vmem>>, %arg3: memref<1x128xf32, #tpu.memory_space<vmem>>, %arg4: memref<1x128xf32, #tpu.memory_space<vmem>>, %arg5: memref<1x1xf32, #tpu.memory_space<vmem>>, %arg6: memref<2x128xf32, #tpu.memory_space<vmem>>, %arg7: memref<512x128xf32, #tpu.memory_space<vmem>>, %arg8: memref<512x128xf32, #tpu.memory_space<vmem>>, %arg9: memref<512x1xf32, #tpu.memory_space<vmem>>, %arg10: memref<512x1xf32, #tpu.memory_space<vmem>>) attributes {dimension_semantics = [#tpu.dimension_semantics<arbitrary>], iteration_bounds = array<i64: 20>, scalar_prefetch = 0 : i64, scratch_operands = 0 : i64, tpu.core_type = #tpu.core_type<tc>, window_params = [{transform_indices = @transform_0, window_bounds = array<i64: 512, 128>}, {pipeline_mode = #tpu.pipeline_mode<synchronous>, transform_indices = @transform_1, window_bounds = array<i64: 128, 128>}, {pipeline_mode = #tpu.pipeline_mode<synchronous>, transform_indices = @transform_2, window_bounds = array<i64: 1, 128>}, {pipeline_mode = #tpu.pipeline_mode<synchronous>, transform_indices = @transform_3, window_bounds = array<i64: 1, 128>}, {pipeline_mode = #tpu.pipeline_mode<synchronous>, transform_indices = @transform_4, window_bounds = array<i64: 1, 1>}, {pipeline_mode = #tpu.pipeline_mode<synchronous>, transform_indices = @transform_5, window_bounds = array<i64: 2, 128>}, {transform_indices = @transform_6, window_bounds = array<i64: 512, 128>}, {transform_indices = @transform_7, window_bounds = array<i64: 512, 128>}, {transform_indices = @transform_8, window_bounds = array<i64: 512, 1>}, {transform_indices = @transform_9, window_bounds = array<i64: 512, 1>}]} {
    %get3A = arith.constant 0 : index
    %get3A_0 = arith.constant 0 : index
    %get3A_1 = vector.load %arg1[%get3A, %get3A_0] : memref<512x128xf32, #tpu.memory_space<vmem>>, vector<512x128xf32>
    %get3A_2 = arith.constant 0 : index
    %get3A_3 = arith.constant 0 : index
    %get3A_4 = vector.load %arg2[%get3A_2, %get3A_3] : memref<128x128xf32, #tpu.memory_space<vmem>>, vector<128x128xf32>
    %dot_general3A = arith.constant dense<0.000000e+00> : vector<512x128xf32>
    %dot_general3A_5 = tpu.matmul %get3A_1, %get3A_4, %dot_general3A {dimension_numbers = #tpu.dot_dimension_numbers<[1], [1], [0], [0], [0, 0, 1, 0], [], []>, transpose_lhs_hint = false} : vector<512x128xf32>, vector<128x128xf32>, vector<512x128xf32> -> vector<512x128xf32>
    %get3A_6 = arith.constant 0 : index
    %get3A_7 = arith.constant 0 : index
    %get3A_8 = vector.load %arg3[%get3A_6, %get3A_7] : memref<1x128xf32, #tpu.memory_space<vmem>>, vector<1x128xf32>
    %add3A = vector.broadcast %get3A_8 : vector<1x128xf32> to vector<512x128xf32>
    %add3A_9 = arith.addf %dot_general3A_5, %add3A : vector<512x128xf32>
    %mul3A = arith.mulf %add3A_9, %add3A_9 : vector<512x128xf32>
    %reduce_sum3A = arith.constant dense<0.000000e+00> : vector<512xf32>
    %reduce_sum3A_10 = vector.multi_reduction <add>, %mul3A, %reduce_sum3A [1] : vector<512x128xf32> to vector<512xf32>
    %broadcast_in_dim3A = vector.shape_cast %reduce_sum3A_10 : vector<512xf32> to vector<512x1xf32>
    %sqrt3A = math.sqrt %broadcast_in_dim3A : vector<512x1xf32>
    %max3A = arith.constant 9.99999996E-13 : f32
    %max3A_11 = vector.broadcast %max3A : f32 to vector<512x1xf32>
    %max3A_12 = arith.maximumf %sqrt3A, %max3A_11 : vector<512x1xf32>
    %div3A = vector.broadcast %max3A_12 : vector<512x1xf32> to vector<512x128xf32>
    %div3A_13 = arith.divf %add3A_9, %div3A : vector<512x128xf32>
    %get3A_14 = arith.constant 0 : index
    %get3A_15 = arith.constant 0 : index
    %get3A_16 = vector.load %arg4[%get3A_14, %get3A_15] : memref<1x128xf32, #tpu.memory_space<vmem>>, vector<1x128xf32>
    %mul3A_17 = vector.broadcast %get3A_16 : vector<1x128xf32> to vector<512x128xf32>
    %mul3A_18 = arith.mulf %get3A_1, %mul3A_17 : vector<512x128xf32>
    %reduce_sum3A_19 = arith.constant dense<0.000000e+00> : vector<512xf32>
    %reduce_sum3A_20 = vector.multi_reduction <add>, %mul3A_18, %reduce_sum3A_19 [1] : vector<512x128xf32> to vector<512xf32>
    %broadcast_in_dim3A_21 = vector.shape_cast %reduce_sum3A_20 : vector<512xf32> to vector<512x1xf32>
    %get3A_22 = arith.constant 0 : index
    %get3A_23 = arith.constant 0 : index
    %get3A_24 = vector.load %arg5[%get3A_22, %get3A_23] : memref<1x1xf32, #tpu.memory_space<vmem>>, vector<1x1xf32>
    %add3A_25 = vector.broadcast %get3A_24 : vector<1x1xf32> to vector<512x1xf32>
    %add3A_26 = arith.addf %broadcast_in_dim3A_21, %add3A_25 : vector<512x1xf32>
    %logistic3A = arith.negf %add3A_26 : vector<512x1xf32>
    %logistic3A_27 = math.exp %logistic3A : vector<512x1xf32>
    %logistic3A_28 = arith.constant 1.000000e+00 : f32
    %logistic3A_29 = vector.broadcast %logistic3A_28 : f32 to vector<512x1xf32>
    %logistic3A_30 = arith.addf %logistic3A_29, %logistic3A_27 : vector<512x1xf32>
    %logistic3A_31 = arith.divf %logistic3A_29, %logistic3A_30 : vector<512x1xf32>
    %mul3A_32 = arith.constant 1.500000e+00 : f32
    %mul3A_33 = vector.broadcast %mul3A_32 : f32 to vector<512x1xf32>
    %mul3A_34 = arith.mulf %logistic3A_31, %mul3A_33 : vector<512x1xf32>
    %mul3A_35 = vector.broadcast %mul3A_34 : vector<512x1xf32> to vector<512x128xf32>
    %mul3A_36 = arith.mulf %div3A_13, %mul3A_35 : vector<512x128xf32>
    %swap3A = arith.constant 0 : index
    %swap3A_37 = arith.constant 0 : index
    %swap3A_38 = vector.load %arg7[%swap3A, %swap3A_37] : memref<512x128xf32, #tpu.memory_space<vmem>>, vector<512x128xf32>
    tpu.vector_store %arg7[%swap3A, %swap3A_37], %mul3A_36 {strides = array<i32>} : memref<512x128xf32, #tpu.memory_space<vmem>>, vector<512x128xf32>,
    %get3A_39 = arith.constant 0 : index
    %get3A_40 = arith.constant 0 : index
    %get3A_41 = vector.load %arg6[%get3A_39, %get3A_40] : memref<2x128xf32, #tpu.memory_space<vmem>>, vector<2x128xf32>
    %slice3A = vector.extract_strided_slice %get3A_41 {offsets = [0, 0], sizes = [1, 128], strides = [1, 1]} : vector<2x128xf32> to vector<1x128xf32>
    %mul3A_42 = vector.broadcast %slice3A : vector<1x128xf32> to vector<512x128xf32>
    %mul3A_43 = arith.mulf %mul3A_36, %mul3A_42 : vector<512x128xf32>
    %reduce_sum3A_44 = arith.constant dense<0.000000e+00> : vector<512xf32>
    %reduce_sum3A_45 = vector.multi_reduction <add>, %mul3A_43, %reduce_sum3A_44 [1] : vector<512x128xf32> to vector<512xf32>
    %broadcast_in_dim3A_46 = vector.shape_cast %reduce_sum3A_45 : vector<512xf32> to vector<512x1xf32>
    %exp3A = math.exp %broadcast_in_dim3A_46 : vector<512x1xf32>
    %swap3A_47 = arith.constant 0 : index
    %swap3A_48 = arith.constant 0 : index
    %swap3A_49 = vector.load %arg9[%swap3A_47, %swap3A_48] : memref<512x1xf32, #tpu.memory_space<vmem>>, vector<512x1xf32>
    tpu.vector_store %arg9[%swap3A_47, %swap3A_48], %exp3A {strides = array<i32>} : memref<512x1xf32, #tpu.memory_space<vmem>>, vector<512x1xf32>,
    %slice3A_50 = vector.extract_strided_slice %get3A_41 {offsets = [1, 0], sizes = [1, 128], strides = [1, 1]} : vector<2x128xf32> to vector<1x128xf32>
    %mul3A_51 = vector.broadcast %slice3A_50 : vector<1x128xf32> to vector<512x128xf32>
    %mul3A_52 = arith.mulf %mul3A_36, %mul3A_51 : vector<512x128xf32>
    %reduce_sum3A_53 = arith.constant dense<0.000000e+00> : vector<512xf32>
    %reduce_sum3A_54 = vector.multi_reduction <add>, %mul3A_52, %reduce_sum3A_53 [1] : vector<512x128xf32> to vector<512xf32>
    %broadcast_in_dim3A_55 = vector.shape_cast %reduce_sum3A_54 : vector<512xf32> to vector<512x1xf32>
    %exp3A_56 = math.exp %broadcast_in_dim3A_55 : vector<512x1xf32>
    %swap3A_57 = arith.constant 0 : index
    %swap3A_58 = arith.constant 0 : index
    %swap3A_59 = vector.load %arg10[%swap3A_57, %swap3A_58] : memref<512x1xf32, #tpu.memory_space<vmem>>, vector<512x1xf32>
    tpu.vector_store %arg10[%swap3A_57, %swap3A_58], %exp3A_56 {strides = array<i32>} : memref<512x1xf32, #tpu.memory_space<vmem>>, vector<512x1xf32>,
    %mul3A_60 = vector.broadcast %exp3A : vector<512x1xf32> to vector<512x128xf32>
    %mul3A_61 = arith.mulf %mul3A_36, %mul3A_60 : vector<512x128xf32>
    %swap3A_62 = arith.constant 0 : index
    %swap3A_63 = arith.constant 0 : index
    %swap3A_64 = vector.load %arg8[%swap3A_62, %swap3A_63] : memref<512x128xf32, #tpu.memory_space<vmem>>, vector<512x128xf32>
    tpu.vector_store %arg8[%swap3A_62, %swap3A_63], %mul3A_61 {strides = array<i32>} : memref<512x128xf32, #tpu.memory_space<vmem>>, vector<512x128xf32>,
    return
  }
  func.func @transform_0(%arg0: i32) -> (i32, i32) {
    %c0_i32 = arith.constant 0 : i32
    %c0_i32_0 = arith.constant 0 : i32
    return %arg0, %c0_i32 : i32, i32
  }
  func.func @transform_1(%arg0: i32) -> (i32, i32) {
    %c0_i32 = arith.constant 0 : i32
    %c0_i32_0 = arith.constant 0 : i32
    %c0_i32_1 = arith.constant 0 : i32
    return %c0_i32, %c0_i32_0 : i32, i32
  }
  func.func @transform_2(%arg0: i32) -> (i32, i32) {
    %c0_i32 = arith.constant 0 : i32
    %c0_i32_0 = arith.constant 0 : i32
    %c0_i32_1 = arith.constant 0 : i32
    return %c0_i32, %c0_i32_0 : i32, i32
  }
  func.func @transform_3(%arg0: i32) -> (i32, i32) {
    %c0_i32 = arith.constant 0 : i32
    %c0_i32_0 = arith.constant 0 : i32
    %c0_i32_1 = arith.constant 0 : i32
    return %c0_i32, %c0_i32_0 : i32, i32
  }
  func.func @transform_4(%arg0: i32) -> (i32, i32) {
    %c0_i32 = arith.constant 0 : i32
    %c0_i32_0 = arith.constant 0 : i32
    %c0_i32_1 = arith.constant 0 : i32
    return %c0_i32, %c0_i32_0 : i32, i32
  }
  func.func @transform_5(%arg0: i32) -> (i32, i32) {
    %c0_i32 = arith.constant 0 : i32
    %c0_i32_0 = arith.constant 0 : i32
    %c0_i32_1 = arith.constant 0 : i32
    return %c0_i32, %c0_i32_0 : i32, i32
  }
  func.func @transform_6(%arg0: i32) -> (i32, i32) {
    %c0_i32 = arith.constant 0 : i32
    %c0_i32_0 = arith.constant 0 : i32
    return %arg0, %c0_i32 : i32, i32
  }
  func.func @transform_7(%arg0: i32) -> (i32, i32) {
    %c0_i32 = arith.constant 0 : i32
    %c0_i32_0 = arith.constant 0 : i32
    return %arg0, %c0_i32 : i32, i32
  }
  func.func @transform_8(%arg0: i32) -> (i32, i32) {
    %c0_i32 = arith.constant 0 : i32
    %c0_i32_0 = arith.constant 0 : i32
    return %arg0, %c0_i32 : i32, i32
  }
  func.func @transform_9(%arg0: i32) -> (i32, i32) {
    %c0_i32 = arith.constant 0 : i32
    %c0_i32_0 = arith.constant 0 : i32
    return %arg0, %c0_i32 : i32, i32
  }
}

module attributes {stable_mosaic.version = 14 : i64} {
  func.func @_post_body(%arg0: i32, %arg1: memref<512x128xf32, #tpu.memory_space<vmem>>, %arg2: memref<512x128xf32, #tpu.memory_space<vmem>>, %arg3: memref<512x128xf32, #tpu.memory_space<vmem>>, %arg4: memref<512x1xf32, #tpu.memory_space<vmem>>, %arg5: memref<512x1xf32, #tpu.memory_space<vmem>>, %arg6: memref<512x1xf32, #tpu.memory_space<vmem>>, %arg7: memref<512x128xf32, #tpu.memory_space<vmem>>) attributes {dimension_semantics = [#tpu.dimension_semantics<arbitrary>], iteration_bounds = array<i64: 20>, scalar_prefetch = 0 : i64, scratch_operands = 0 : i64, tpu.core_type = #tpu.core_type<tc>, window_params = [{transform_indices = @transform_0, window_bounds = array<i64: 512, 128>}, {transform_indices = @transform_1, window_bounds = array<i64: 512, 128>}, {transform_indices = @transform_2, window_bounds = array<i64: 512, 128>}, {transform_indices = @transform_3, window_bounds = array<i64: 512, 1>}, {transform_indices = @transform_4, window_bounds = array<i64: 512, 1>}, {transform_indices = @transform_5, window_bounds = array<i64: 512, 1>}, {transform_indices = @transform_6, window_bounds = array<i64: 512, 128>}]} {
    %get3A = arith.constant 0 : index
    %get3A_0 = arith.constant 0 : index
    %get3A_1 = vector.load %arg4[%get3A, %get3A_0] : memref<512x1xf32, #tpu.memory_space<vmem>>, vector<512x1xf32>
    %get3A_2 = arith.constant 0 : index
    %get3A_3 = arith.constant 0 : index
    %get3A_4 = vector.load %arg5[%get3A_2, %get3A_3] : memref<512x1xf32, #tpu.memory_space<vmem>>, vector<512x1xf32>
    %get3A_5 = arith.constant 0 : index
    %get3A_6 = arith.constant 0 : index
    %get3A_7 = vector.load %arg6[%get3A_5, %get3A_6] : memref<512x1xf32, #tpu.memory_space<vmem>>, vector<512x1xf32>
    %add3A = arith.addf %get3A_4, %get3A_7 : vector<512x1xf32>
    %mul3A = arith.mulf %get3A_1, %add3A : vector<512x1xf32>
    %add3A_8 = arith.constant 1.000000e-10 : f32
    %add3A_9 = vector.broadcast %add3A_8 : f32 to vector<512x1xf32>
    %add3A_10 = arith.addf %mul3A, %add3A_9 : vector<512x1xf32>
    %div3A = arith.divf %get3A_1, %add3A_10 : vector<512x1xf32>
    %get3A_11 = arith.constant 0 : index
    %get3A_12 = arith.constant 0 : index
    %get3A_13 = vector.load %arg1[%get3A_11, %get3A_12] : memref<512x128xf32, #tpu.memory_space<vmem>>, vector<512x128xf32>
    %get3A_14 = arith.constant 0 : index
    %get3A_15 = arith.constant 0 : index
    %get3A_16 = vector.load %arg2[%get3A_14, %get3A_15] : memref<512x128xf32, #tpu.memory_space<vmem>>, vector<512x128xf32>
    %get3A_17 = arith.constant 0 : index
    %get3A_18 = arith.constant 0 : index
    %get3A_19 = vector.load %arg3[%get3A_17, %get3A_18] : memref<512x128xf32, #tpu.memory_space<vmem>>, vector<512x128xf32>
    %add3A_20 = arith.addf %get3A_16, %get3A_19 : vector<512x128xf32>
    %mul3A_21 = vector.broadcast %div3A : vector<512x1xf32> to vector<512x128xf32>
    %mul3A_22 = arith.mulf %mul3A_21, %add3A_20 : vector<512x128xf32>
    %add3A_23 = arith.addf %get3A_13, %mul3A_22 : vector<512x128xf32>
    %mul3A_24 = arith.mulf %add3A_23, %add3A_23 : vector<512x128xf32>
    %reduce_sum3A = arith.constant dense<0.000000e+00> : vector<512xf32>
    %reduce_sum3A_25 = vector.multi_reduction <add>, %mul3A_24, %reduce_sum3A [1] : vector<512x128xf32> to vector<512xf32>
    %broadcast_in_dim3A = vector.shape_cast %reduce_sum3A_25 : vector<512xf32> to vector<512x1xf32>
    %sqrt3A = math.sqrt %broadcast_in_dim3A : vector<512x1xf32>
    %max3A = arith.constant 1.000000e-15 : f32
    %max3A_26 = vector.broadcast %max3A : f32 to vector<512x1xf32>
    %max3A_27 = arith.maximumf %sqrt3A, %max3A_26 : vector<512x1xf32>
    %tanh3A = math.tanh %max3A_27 : vector<512x1xf32>
    %mul3A_28 = vector.broadcast %tanh3A : vector<512x1xf32> to vector<512x128xf32>
    %mul3A_29 = arith.mulf %mul3A_28, %add3A_23 : vector<512x128xf32>
    %div3A_30 = vector.broadcast %max3A_27 : vector<512x1xf32> to vector<512x128xf32>
    %div3A_31 = arith.divf %mul3A_29, %div3A_30 : vector<512x128xf32>
    %mul3A_32 = arith.mulf %div3A_31, %div3A_31 : vector<512x128xf32>
    %reduce_sum3A_33 = arith.constant dense<0.000000e+00> : vector<512xf32>
    %reduce_sum3A_34 = vector.multi_reduction <add>, %mul3A_32, %reduce_sum3A_33 [1] : vector<512x128xf32> to vector<512xf32>
    %broadcast_in_dim3A_35 = vector.shape_cast %reduce_sum3A_34 : vector<512xf32> to vector<512x1xf32>
    %sqrt3A_36 = math.sqrt %broadcast_in_dim3A_35 : vector<512x1xf32>
    %gt3A = arith.constant 0.949999988 : f32
    %gt3A_37 = vector.broadcast %gt3A : f32 to vector<512x1xf32>
    %gt3A_38 = arith.cmpf ogt, %sqrt3A_36, %gt3A_37 : vector<512x1xf32>
    %add3A_39 = arith.constant 9.99999993E-9 : f32
    %add3A_40 = vector.broadcast %add3A_39 : f32 to vector<512x1xf32>
    %add3A_41 = arith.addf %sqrt3A_36, %add3A_40 : vector<512x1xf32>
    %div3A_42 = arith.constant 0.949999988 : f32
    %div3A_43 = vector.broadcast %div3A_42 : f32 to vector<512x1xf32>
    %div3A_44 = arith.divf %div3A_43, %add3A_41 : vector<512x1xf32>
    %mul3A_45 = vector.broadcast %div3A_44 : vector<512x1xf32> to vector<512x128xf32>
    %mul3A_46 = arith.mulf %div3A_31, %mul3A_45 : vector<512x128xf32>
    %broadcast_in_dim3A_47 = vector.shape_cast %gt3A_38 : vector<512x1xi1> to vector<512x1xi1>
    %broadcast_in_dim3A_48 = vector.broadcast %broadcast_in_dim3A_47 : vector<512x1xi1> to vector<512x128xi1>
    %select_n3A = arith.select %broadcast_in_dim3A_48, %mul3A_46, %div3A_31 : vector<512x128xi1>, vector<512x128xf32>
    %swap3A = arith.constant 0 : index
    %swap3A_49 = arith.constant 0 : index
    %swap3A_50 = vector.load %arg7[%swap3A, %swap3A_49] : memref<512x128xf32, #tpu.memory_space<vmem>>, vector<512x128xf32>
    tpu.vector_store %arg7[%swap3A, %swap3A_49], %select_n3A {strides = array<i32>} : memref<512x128xf32, #tpu.memory_space<vmem>>, vector<512x128xf32>,
    return
  }
  func.func @transform_0(%arg0: i32) -> (i32, i32) {
    %c0_i32 = arith.constant 0 : i32
    %c0_i32_0 = arith.constant 0 : i32
    return %arg0, %c0_i32 : i32, i32
  }
  func.func @transform_1(%arg0: i32) -> (i32, i32) {
    %c0_i32 = arith.constant 0 : i32
    %c0_i32_0 = arith.constant 0 : i32
    return %arg0, %c0_i32 : i32, i32
  }
  func.func @transform_2(%arg0: i32) -> (i32, i32) {
    %c0_i32 = arith.constant 0 : i32
    %c0_i32_0 = arith.constant 0 : i32
    return %arg0, %c0_i32 : i32, i32
  }
  func.func @transform_3(%arg0: i32) -> (i32, i32) {
    %c0_i32 = arith.constant 0 : i32
    %c0_i32_0 = arith.constant 0 : i32
    return %arg0, %c0_i32 : i32, i32
  }
  func.func @transform_4(%arg0: i32) -> (i32, i32) {
    %c0_i32 = arith.constant 0 : i32
    %c0_i32_0 = arith.constant 0 : i32
    return %arg0, %c0_i32 : i32, i32
  }
  func.func @transform_5(%arg0: i32) -> (i32, i32) {
    %c0_i32 = arith.constant 0 : i32
    %c0_i32_0 = arith.constant 0 : i32
    return %arg0, %c0_i32 : i32, i32
  }
  func.func @transform_6(%arg0: i32) -> (i32, i32) {
    %c0_i32 = arith.constant 0 : i32
    %c0_i32_0 = arith.constant 0 : i32
    return %arg0, %c0_i32 : i32, i32
  }
}

</mosaic_0001>

<sc_bundles>
// kernel: kernel.6.cloned.1.call-start
scs
__scs_entry_jumppad:
0x0: {  	(pc) =	sbr.rel $0x88, $3  }
0x1: {  	(tag) =	ssettag $0x0;
	lr =	simm.s32 $0x1  }
0x2: {  	[smem:$0x3F9A] =	sst lr;
	_ =	strace $0xD0000000  }
0x3: {  	_ = 	snop  }
0x4: {  	_ = 	snop  }
0x5: {  	_ = 	snop  }
0x6: {  	_ = 	snop  }
0x7: {  	_ = 	snop  }
__scs_overlays_trampoline_lowered:
0x8: {  	[smem:$0x3FA9] =	sst s0  }
0x9: {  	[smem:$0x3FAA] =	sst s1  }
0xa: {  	[smem:$0x3FAB] =	sst s2  }
0xb: {  	[smem:$0x3FAC] =	sst s3  }
0xc: {  	[smem:$0x3FAD] =	sst s4  }
0xd: {  	[smem:$0x3FAE] =	sst s5  }
0xe: {  	[smem:$0x3FAF] =	sst s6  }
0xf: {  	[smem:$0x3FB0] =	sst s7  }
0x10: {  	[smem:$0x3FB1] =	sst s8  }
0x11: {  	[smem:$0x3FB2] =	sst s9;
	s0 =	simm.s32 @!p0 $0x0  }
0x12: {  	s1 =	sld [smem:$0x3F98];
	s0 =	simm.s32 @p0 $0x1  }
0x13: {  	[smem:$0x3FB3] =	sst s0;
	s0 =	simm.s32 @!p1 $0x0  }
0x14: {  	s2 =	sld [smem:$0x3F97];
	s0 =	simm.s32 @p1 $0x1  }
0x15: {  	[smem:$0x3FB4] =	sst s0;
	s0 =	simm.s32 @!p2 $0x0  }
0x16: {  	s3 =	sld [smem:$0x3FDB];
	s0 =	simm.s32 @p2 $0x1  }
0x17: {  	s4 =	simm.s32 $0x1BF5;
	[smem:$0x3FB6] =	sst s0  }
0x18: {  	s0 =	sld [smem:$0x3F99];
	_ =	swait.ge [sflag:s4], $0x0  }
0x19: {  	s7 =	sld [smem:$0x3F9A]  }
0x1a: {  	s8 =	sadd.s32 $0xFFFFE003, lr  }
0x1b: {  	s9 =	sadd.s32 $0xFFFFFEF7, lr;
	s5 =	simm.s32 $0xFFFFFFFF;
	p2 =	slt.u32 s8, $0xFFFFF086  }
0x1c: {  	p1 =	slt.u32 s9, $0xF7A;
	s5 =	simm.s32 @!p2 $0x0  }
0x1d: {  	s5 =	simm.s32 @p1 $0x1;
	p0 =	seq.s32 s7, s2  }
0x1e: {  	s7 =	smul.u32 @!p0 $0xF7A, s2;
	p2 =	seq.s32 @!p0 s5, $0x0  }
0x1f: {  	s9 =	smul.u32 $0xF7A, s1;
	s8 =	simm.s32 @!p0 $0x1BF5;
	p2 =	por !p2, p0  }
0x20: {  	[sflag:s8] =	ssyncset.s32 @!p0 $0xFFFFF086;
	s6 =	sadd.s32 @!p0 s3, s7;
	s7 =	simm.s32 @!p0 $0x108  }
0x21: {  	s3 =	sadd.s32 s3, s9;
	s6 =	sadd.s32 @!p0 $0x88, s6;
	s7 =	simm.s32 @p2 $0x1082  }
0x22: {  	[simem:s7], [sflag:s8] =	dma.local @!p0 [hbm:s6], $0xF7A  }
0x23: {  	s9 =	sor.u32 $0xD0000000, s2;
	s6 =	simm.s32 $0x108;
	_ =	swait.ge @!p0 [sflag:s8], $0x0  }
0x24: {  	s3 =	sadd.s32 $0x88, s3;
	s6 =	simm.s32 @!p1 $0x1082;
	[sflag:s4] =	ssyncset.s32 $0xFFFFF086  }
0x25: {  	[simem:s6], [sflag:s4] =	dma.local [hbm:s3], $0xF7A  }
0x26: {  	[smem:$0x3F9A] =	sst s1;
	(tag) =	ssettag s2;
	_ =	strace s9  }
0x27: {  	s1 =	sld [smem:$0x3FAA]  }
0x28: {  	s2 =	sld [smem:$0x3FAB]  }
0x29: {  	s4 =	sld [smem:$0x3FAD]  }
0x2a: {  	p0 =	seq.s32 s5, $0x0;
	s5 =	sld [smem:$0x3FAE]  }
0x2b: {  	s6 =	sld [smem:$0x3FAF]  }
0x2c: {  	s7 =	sld [smem:$0x3FB0]  }
0x2d: {  	s3 =	simm.s32 $0x108;
	s8 =	sld [smem:$0x3FB1]  }
0x2e: {  	s3 =	simm.s32 @!p0 $0x1082;
	s9 =	sld [smem:$0x3FB2]  }
0x2f: {  	lr =	sadd.s32 s0, s3;
	s0 =	sld [smem:$0x3FA9]  }
0x30: {  	s3 =	sld [smem:$0x3FAC]  }
0x31: {  	[smem:$0x3FB5] =	sst s10  }
0x32: {  	s10 =	sld [smem:$0x3FB3];
	_ =	sdelay $0x3  }
0x33: {  	p0 =	seq.s32 s10, $0x1;
	s10 =	sld [smem:$0x3FB5];
	_ =	sdelay $0x3  }
0x34: {  	[smem:$0x3FB5] =	sst s10  }
0x35: {  	s10 =	sld [smem:$0x3FB4];
	_ =	sdelay $0x3  }
0x36: {  	p1 =	seq.s32 s10, $0x1;
	s10 =	sld [smem:$0x3FB5];
	_ =	sdelay $0x3  }
0x37: {  	[smem:$0x3FB5] =	sst s10  }
0x38: {  	s10 =	sld [smem:$0x3FB6]  }
0x39: {  	_ = 	snop;
	(pc) =	sbr.ind lr, $3  }
0x3a: {  	_ = 	snop  }
0x3b: {  	_ = 	snop  }
0x3c: {  	p2 =	seq.s32 s10, $0x1;
	s10 =	sld [smem:$0x3FB5]  }
0x3d: {  	_ =	shalt  }
0x3e: {  	_ =	shalt  }
0x3f: {  	_ =	shalt  }
0x40: {  	_ =	shalt  }
0x41: {  	_ =	shalt  }
0x42: {  	_ =	shalt  }
0x43: {  	_ =	shalt  }
0x44: {  	_ =	shalt  }
0x45: {  	_ =	shalt  }
0x46: {  	_ =	shalt  }
0x47: {  	_ =	shalt  }
0x48: {  	_ =	shalt  }
0x49: {  	_ =	shalt  }
0x4a: {  	_ =	shalt  }
0x4b: {  	_ =	shalt  }
0x4c: {  	_ =	shalt  }
0x4d: {  	_ =	shalt  }
0x4e: {  	_ =	shalt  }
0x4f: {  	_ =	shalt  }
0x50: {  	_ =	shalt  }
0x51: {  	_ =	shalt  }
0x52: {  	_ =	shalt  }
0x53: {  	_ =	shalt  }
0x54: {  	_ =	shalt  }
0x55: {  	_ =	shalt  }
0x56: {  	_ =	shalt  }
0x57: {  	_ =	shalt  }
0x58: {  	_ =	shalt  }
0x59: {  	_ =	shalt  }
0x5a: {  	_ =	shalt  }
0x5b: {  	_ =	shalt  }
0x5c: {  	_ =	shalt  }
0x5d: {  	_ =	shalt  }
0x5e: {  	_ =	shalt  }
0x5f: {  	_ =	shalt  }
0x60: {  	_ =	shalt  }
0x61: {  	_ =	shalt  }
0x62: {  	_ =	shalt  }
0x63: {  	_ =	shalt  }
0x64: {  	_ =	shalt  }
0x65: {  	_ =	shalt  }
0x66: {  	_ =	shalt  }
0x67: {  	_ =	shalt  }
0x68: {  	_ =	shalt  }
0x69: {  	_ =	shalt  }
0x6a: {  	_ =	shalt  }
0x6b: {  	_ =	shalt  }
0x6c: {  	_ =	shalt  }
0x6d: {  	_ =	shalt  }
0x6e: {  	_ =	shalt  }
0x6f: {  	_ =	shalt  }
0x70: {  	_ =	shalt  }
0x71: {  	_ =	shalt  }
0x72: {  	_ =	shalt  }
0x73: {  	_ =	shalt  }
0x74: {  	_ =	shalt  }
0x75: {  	_ =	shalt  }
0x76: {  	_ =	shalt  }
0x77: {  	_ =	shalt  }
0x78: {  	_ =	shalt  }
0x79: {  	_ =	shalt  }
0x7a: {  	_ =	shalt  }
0x7b: {  	_ =	shalt  }
0x7c: {  	_ =	shalt  }
0x7d: {  	_ =	shalt  }
0x7e: {  	_ =	shalt  }
0x7f: {  	_ =	shalt  }
0x80: {  	_ =	shalt  }
0x81: {  	_ =	shalt  }
0x82: {  	_ =	shalt  }
0x83: {  	_ =	shalt  }
0x84: {  	_ =	shalt  }
0x85: {  	_ =	shalt  }
0x86: {  	_ =	shalt  }
0x87: {  	_ =	shalt  }
.Lfunc_end0:
.L_simem_size_0:
called_computation_lowered:
.L_overlay_start_0:
0x88: {  	s2 =	sld [smem:$0x3FD9]  }
0x89: {  	s3 =	sld [smem:$0x3FFE];
	_ =	sdelay $0x1  }
0x8a: {  	s1 =	srdreg.scid  }
0x8b: {  	s0 =	sand.u32 $0x1, s1  }
0x8c: {  	s17 =	sshll.u32 s0, $0xA;
	s2 =	sadd.s32 s3, s2  }
0x8d: {  	s2 =	sadd.s32 s2, s17  }
0x8e: {  	[smem:$0x3FC1] =	sst s2  }
0x8f: {  	_ = 	snop  }
0x90: {  	s18 =	sld [smem:$0x3FD0];
	(tm) =	ssettm $0x1  }
0x91: {  	s19 =	sld [smem:$0x3FFB];
	_ =	sdelay $0x3  }
0x92: {  	_ =	strace s19  }
0x93: {  	s2 =	sld [smem:$0x3FFC];
	_ =	sdelay $0x3  }
0x94: {  	_ =	strace s2  }
0x95: {  	s2 =	sld [smem:$0x3FFD];
	_ =	sdelay $0x3  }
0x96: {  	_ =	strace s2  }
0x97: {  	_ =	strace $0x8FFFFFFF  }
0x98: {  	s20 =	sld [smem:$0x3FDB];
	_ =	sdelay $0x1  }
0x99: {  	s4 =	simm.s32 $_scs_section_size  }
0x9a: {  	s5 =	simm.s32 $_size__tile_overlayer_lowered;
	s6 =	simm.s32 $_tile_overlayer_lowered  }
0x9b: {  	s7 =	simm.s32 $0x1BFF;
	s21 =	sshll.u32 s6, $0x1;
	s4 =	sadd.s32 s4, s20  }
0x9c: {  	s22 =	simm.s32 $0x0;
	s5 =	sshll.u32 s5, $0x1;
	s6 =	sadd.s32 s21, s4  }
0x9d: {  	[timem:s22], [sflag:s7] =	dma.local [hbm:s6], s5  }
0x9e: {  	_ =	swait.ge [sflag:s7], s5  }
0x9f: {  	s5 =	ssub.s32 $0x0, s5;
	[sflag:s7] =	ssyncset.done $0x0  }
0xa0: {  	[sflag:s7] =	ssyncadd.s32 s5;
	_ =	sdelay $0x1  }
0xa1: {  	s23 =	simm.s32 $0x1B8B  }
0xa2: {  	_ =	swait.ge [sflag:s23], $0x1  }
0xa3: {  	[sflag:s23] =	ssyncset.done $0x0  }
0xa4: {  	[sflag:s23] =	ssyncadd.s32 $0xFFFFFFFF  }
0xa5: {  	s5 =	sld [smem:$0x0]  }
0xa6: {  	s6 =	sand.u32 $0xFFFFFFFE, s1  }
0xa7: {  	p0 =	sne.s32 s1, s6  }
0xa8: {  	s6 =	sshll.u32 @p0 s6, $0xE  }
0xa9: {  	s6 =	sadd.s32 @p0 $0x11B8D, s6;
	s7 =	sshll.u32 @p0 s5, $0x11  }
0xaa: {  	s6 =	sor.u32 @p0 s7, s6  }
0xab: {  	[sflag:s6] =	ssyncadd.remote.s32 @p0 $0x1;
	_ =	sdelay $0x1  }
0xac: {  	s6 =	simm.s32 @p0 $0x1B8D  }
0xad: {  	_ =	swait.eq @p0 [sflag:s6], $0x1  }
0xae: {  	[sflag:s6] =	ssyncadd.s32 @p0 $0xFFFFFFFF  }
0xaf: {  	s7 =	sshll.u32 @!p0 s1, $0xE  }
0xb0: {  	s7 =	sor.u32 @!p0 $0x4000, s7;
	s6 =	simm.s32 @!p0 $0x1B8D  }
0xb1: {  	s5 =	sshll.u32 @!p0 s5, $0x11;
	s7 =	sadd.s32 @!p0 $0x11B8D, s7;
	_ =	swait.eq @!p0 [sflag:s6], $0x1  }
0xb2: {  	s5 =	sor.u32 @!p0 s5, s7;
	[sflag:s6] =	ssyncadd.s32 @!p0 $0xFFFFFFFF  }
0xb3: {  	s25 =	simm.s32 $0x1B8E;
	s24 =	sld [smem:$0x3FFE];
	[sflag:s5] =	ssyncadd.remote.s32 @!p0 $0x1  }
0xb4: {  	s26 =	simm.s32 $execute0_lowered;
	[smem:$0x3FD2] =	sst s25  }
0xb5: {  	s6 =	sshll.u32 s26, $0x1;
	_ =	strace $0x80000049;
	[dreg:$0x1] =	wrdreg $0xFFFFFFFF  }
0xb6: {  	s28 =	simm.s32 $_size_execute0_lowered;
	s4 =	sadd.s32 s4, s6;
	[dreg:$0x0] =	wrdreg $0x0  }
0xb7: {  	s6 =	sshll.u32 s28, $0x1;
	[dreg:$0x2] =	wrdreg s4  }
0xb8: {  	[dreg:$0x3] =	wrdreg s6  }
0xb9: {  	[dreg:$0x4] =	wrdreg $0xC0  }
0xba: {  	_ =	task [dreg:s22], $0x5FFFF  }
0xbb: {  	[dreg:$0x1] =	wrdreg $0xFFFFFFFF  }
0xbc: {  	[dreg:$0x0] =	wrdreg $0x60  }
0xbd: {  	[dreg:$0x2] =	wrdreg s18  }
0xbe: {  	[dreg:$0x3] =	wrdreg s24  }
0xbf: {  	[dreg:$0x4] =	wrdreg $0xC7000  }
0xc0: {  	[dreg:$0x5] =	wrdreg $0x9  }
0xc1: {  	_ =	task.clear_ibuf [dreg:s22], $0x6FFFF;
	_ =	strace $0x90000049  }
0xc2: {  	s29 =	simm.s32 $0x9;
	_ =	strace $0x8000004B  }
0xc3: {  	_ =	swait.ge [sflag:s29], $0x1  }
0xc4: {  	[sflag:s29] =	ssyncadd.s32 $0xFFFFFFFF  }
0xc5: {  	_ =	strace $0x9000004B  }
0xc6: {  	_ =	sfence  }
0xc7: {  	s30 =	sld [smem:$0x0];
	_ =	sdelay $0x2  }
0xc8: {  	s31 =	sshll.u32 s1, $0xD;
	s1 =	sshrl.u32 s1, $0x2  }
0xc9: {  	s4 =	sand.u32 $0x4000, s31;
	s1 =	sadd.s32 s1, s30  }
0xca: {  	s0 =	sor.u32 s4, s0;
	s1 =	sshll.u32 s1, $0x11  }
0xcb: {  	s0 =	sor.u32 s1, s0  }
0xcc: {  	s0 =	sadd.s32 $0x8F2B, s0  }
0xcd: {  	[sflag:s0] =	ssyncadd.remote.s32 $0x1  }
0xce: {  	_ =	sfence.sel $0xFFFF  }
0xcf: {  	[dreg:$0x0] =	wrdreg $0xFFFFFFFF;
	(pc) =	sbr.abs _section_cstart, $3  }
0xd0: {  	[dreg:$0x1] =	wrdreg $0xFFFFFFFF  }
0xd1: {  	_ =	task.clear_ibuf [dreg:s22], $0x2FFFF;
	_ =	strace $0x9FFFFFFF  }
0xd2: {  	(tm) =	ssettm $0x7FFFFFFF  }
0xd3: {  	_ =	shalt  }
tec
execute0_lowered:
.L_overlay_start_1:
0x0: {  	(tag) =	ssettag $0x1  }
0x1: {  	s4 =	rddreg [dreg:$0x0]  }
0x2: {  	s1 =	srdreg.scid;
	s5 =	rddreg [dreg:$0x1]  }
0x3: {  	s0 =	stileid.u32;
	s7 =	rddreg [dreg:$0x2];
	s2 =	simm.s32 $0x0  }
0x4: {  	s13 =	simm.s32 $0x7700;
	s14 =	simm.s32 $0x80;
	s15 =	simm.s32 $0x400  }
0x5: {  	s16 =	simm.s32 $0x1400;
	s17 =	simm.s32 $0x14000;
	s18 =	simm.s32 $0x9F00  }
0x6: {  	s19 =	simm.s32 $0x100;
	s20 =	simm.s32 $0x0;
	s6 =	sand.u32 $0x1, s1  }
0x7: {  	s25 =	sshll.u32 s0, $0x1;
	s1 =	rddreg [dreg:$0x3];
	s9 =	smul.u32 $0x500, s0  }
0x8: {  	[smem:$0x7FF] =	sst s2;
	s26 =	sshrl.u32 s0, $0x3;
	s29 =	smul.u32 $0x5000, s0  }
0x9: {  	s30 =	sshll.u32 s0, $0x7;
	s3 =	sor.u32 s6, s25;
	_ =	strace $0x8000004A  }
0xa: {  	s10 =	sshll.u32 s6, $0x7;
	s6 =	ssub.s32 $0x2, s6;
	s8 =	smul.u32 $0x4F0, s3  }
0xb: {  	s3 =	sadd.s32 $0xA9E00, s5;
	s9 =	sor.u32 s10, s9;
	s28 =	sshrl.u32 s6, $0x1  }
0xc: {  	s10 =	smul.u32 $0x50000, s26;
	s31 =	sshrl.u32 s29, $0x2;
	s9 =	sshrl.u32 s9, $0x3  }
0xd: {  	s12 =	ssub.s32 s6, s28;
	s11 =	sadd.s32 s8, s5;
	s9 =	sadd.s32 s9, s5  }
0xe: {  	s4 =	sadd.s32 s4, s8;
	s10 =	sshrl.u32 s10, $0x2;
	s8 =	sand.u32 $0x380, s30  }
0xf: {  	s5 =	sadd.s32 $0x29000, s11;
	s10 =	sadd.s32 s10, s7;
	s7 =	sadd.s32 s31, s7  }
0x10: {  	s11 =	simm.s32 $0x2800;
	s6 =	sadd.s32 s8, s10;
	s8 =	sadd.s32 $0xAA400, s9  }
0x11: {  	v0 =	vimm.f32 $0.0e+00;
	s9 =	smax.u32 s12, $0x1;
	s10 =	simm.s32 $0x1;
	s12 =	simm.s32 $0x4F80  }
.LBB2_1:
0x12: {  	[tilespmem:s2], [sflag:$0x1] =	stream.linear.gather [hbm4b:s3+s2], $0x2800, $0x38;
	[tilespmem:$0xEF00] =	vst v63  }
0x13: {  	_ =	swait.ge [sflag:s10], $0x2800  }
0x14: {  	[sflag:s10] =	ssyncset.done $0x0  }
0x15: {  	[sflag:s10] =	ssyncadd.s32 $0xFFFFD800  }
0x16: {  	[tilespmem:s11], [sflag:$0x1] =	stream.linear.gather [hbm4b:s4+s2], $0x2780, $0x38;
	[tilespmem:$0xEF00] =	vst v63  }
0x17: {  	_ =	swait.ge [sflag:s10], $0x2780  }
0x18: {  	[sflag:s10] =	ssyncset.done $0x0  }
0x19: {  	[sflag:s10] =	ssyncadd.s32 $0xFFFFD880  }
0x1a: {  	[tilespmem:s12], [sflag:$0x1] =	stream.linear.gather [hbm4b:s5+s2], $0x2780, $0x38;
	[tilespmem:$0xEF00] =	vst v63  }
0x1b: {  	_ =	swait.ge [sflag:s10], $0x2780  }
0x1c: {  	[sflag:s10] =	ssyncset.done $0x0  }
0x1d: {  	s21 =	simm.s32 $0x0;
	[sflag:s10] =	ssyncadd.s32 $0xFFFFD880  }
.LBB2_2:
0x1e: {  	p0 =	sne.s32 s21, $0x9FC0  }
.Ltmp0:
0x1f: {  	_ = 	snop;
	(pc) =	sbr.rel @p0 .LBB2_2-.Ltmp0, $3  }
0x20: {  	_ =	sdelay $0x1  }
0x21: {  	s22 =	sshra.s32 s21, $0x2  }
0x22: {  	s21 =	sadd.s32 $0x40, s21;
	[tilespmem:s22+$0x7700] =	vst v0  }
0x23: {  	s22 =	simm.s32 $0x0;
	s21 =	simm.s32 $0x40  }
.LBB2_4:
0x24: {  	p0 =	sne.s32 s21, $0x9DC0;
	v1 =	vld [tilespmem:s22+$0x2800];
	_ =	sdelay $0x5  }
0x25: {  	v2 =	vld [tilespmem:s22+$0x4F80];
	_ =	sdelay $0x1  }
0x26: {  	v1 =	vld.idx.msk [tilespmem:v1+s2+$0x0], $0xffff;
	_ =	sdelay $0x1  }
.Ltmp1:
0x27: {  	(pc) =	sbr.rel @p0 .LBB2_4-.Ltmp1, $2  }
0x28: {  	_ =	sdelay $0x2  }
0x29: {  	s22 =	sshra.s32 s21, $0x2;
	s21 =	sadd.s32 $0x40, s21;
	[tilespmem:v2+s13+$0x0] =	vst.idx.add.f32.msk $0xffff, v1  }
0x2a: {  	v1 =	vld [tilespmem:s22+$0x2800];
	_ =	sdelay $0x4  }
0x2b: {  	v2 =	vld [tilespmem:s22+$0x4F80];
	_ =	sdelay $0x2  }
0x2c: {  	v1 =	vld.idx.msk [tilespmem:v1+s2+$0x0], $0xffff;
	_ =	sdelay $0x4  }
0x2d: {  	s21 =	simm.s32 $0x7700;
	[tilespmem:v2+s13+$0x0] =	vst.idx.add.f32.msk $0xffff, v1  }
0x2e: {  	[spmem:s6] =	stream.strided.scatter [tilespmem:s21], [sflag:$0x1], $0x2800, s15, s14, $0x38;
	[tilespmem:$0xEF00] =	vst v63  }
0x2f: {  	_ =	swait.ge [sflag:s10], $0x2800  }
0x30: {  	[sflag:s10] =	ssyncset.done $0x0  }
0x31: {  	[sflag:s10] =	ssyncadd.s32 $0xFFFFD800  }
0x32: {  	[bflag:$0x0] =	sbarrier.arrive $0xFFFF  }
0x33: {  	[tilespmem:s18], [sflag:$0x1] =	stream.strided.gather [spmem:s7], $0x2800, s17, s16, $0x38;
	[tilespmem:$0xEF00] =	vst v63  }
0x34: {  	s30 =	simm.s32 $0x0;
	_ =	swait.ge [sflag:s10], $0x2800  }
0x35: {  	s23 =	sand.u32 $0x70, s30;
	s22 =	sand.u32 $0x1C00, s30;
	[sflag:s10] =	ssyncset.done $0x0  }
0x36: {  	s22 =	sor.u32 s23, s22;
	[sflag:s10] =	ssyncadd.s32 $0xFFFFD800  }
0x37: {  	v1 =	vld [tilespmem:s22+$0x9F80]  }
0x38: {  	v2 =	vld [tilespmem:s22+$0x9F00];
	_ =	sdelay $0x1  }
0x39: {  	v3 =	vld [tilespmem:s22+$0xA000];
	_ =	sdelay $0x1  }
0x3a: {  	v4 =	vld [tilespmem:s22+$0xA080]  }
0x3b: {  	v1 =	vadd.f32 v1, v2  }
0x3c: {  	v2 =	vld [tilespmem:s22+$0xA100]  }
0x3d: {  	v1 =	vadd.f32 v3, v1  }
0x3e: {  	v3 =	vld [tilespmem:s22+$0xA180]  }
0x3f: {  	v1 =	vadd.f32 v4, v1  }
0x40: {  	v60 =	vld [tilespmem:s22+$0xA200]  }
0x41: {  	v1 =	vadd.f32 v2, v1  }
0x42: {  	v2 =	vld [tilespmem:s22+$0xA280]  }
0x43: {  	v1 =	vadd.f32 v3, v1  }
0x44: {  	v3 =	vld [tilespmem:s22+$0xB300]  }
0x45: {  	v1 =	vadd.f32 v60, v1  }
0x46: {  	v61 =	vld [tilespmem:s22+$0xB380]  }
0x47: {  	v1 =	vadd.f32 v2, v1  }
0x48: {  	v2 =	vld [tilespmem:s22+$0xB400]  }
0x49: {  	v1 =	vadd.f32 v3, v1  }
0x4a: {  	v3 =	vld [tilespmem:s22+$0xB480]  }
0x4b: {  	v1 =	vadd.f32 v61, v1  }
0x4c: {  	v62 =	vld [tilespmem:s22+$0xB500]  }
0x4d: {  	v1 =	vadd.f32 v2, v1  }
0x4e: {  	v2 =	vld [tilespmem:s22+$0xB580]  }
0x4f: {  	v1 =	vadd.f32 v3, v1  }
0x50: {  	v3 =	vld [tilespmem:s22+$0xB600]  }
0x51: {  	v1 =	vadd.f32 v62, v1  }
0x52: {  	v63 =	vld [tilespmem:s22+$0xB680]  }
0x53: {  	v1 =	vadd.f32 v2, v1;
	_ =	sdelay $0x1  }
0x54: {  	v1 =	vadd.f32 v3, v1;
	_ =	sdelay $0x1  }
0x55: {  	s31 =	simm.s32 $0x10;
	s23 =	simm.s32 $0x80;
	v1 =	vadd.f32 v63, v1  }
0x56: {  	s24 =	sand.u32 $0x1C00, s23;
	s22 =	sand.u32 $0x70, s31  }
0x57: {  	s22 =	sor.u32 s22, s24;
	s24 =	simm.s32 $0x20;
	[tilespmem:s21+$0x0] =	vst v1  }
.LBB2_6:
0x58: {  	p0 =	sne.s32 s24, $0x270;
	v1 =	vld [tilespmem:s22+$0x9F80]  }
0x59: {  	v2 =	vld [tilespmem:s22+$0x9F00];
	_ =	sdelay $0x1  }
0x5a: {  	v3 =	vld [tilespmem:s22+$0xA000];
	_ =	sdelay $0x1  }
0x5b: {  	v4 =	vld [tilespmem:s22+$0xA080]  }
0x5c: {  	v1 =	vadd.f32 v1, v2  }
0x5d: {  	v2 =	vld [tilespmem:s22+$0xA100]  }
0x5e: {  	v1 =	vadd.f32 v3, v1  }
0x5f: {  	v3 =	vld [tilespmem:s22+$0xA180]  }
0x60: {  	v1 =	vadd.f32 v4, v1  }
0x61: {  	v4 =	vld [tilespmem:s22+$0xA200]  }
0x62: {  	v1 =	vadd.f32 v2, v1  }
0x63: {  	v2 =	vld [tilespmem:s22+$0xA280]  }
0x64: {  	v1 =	vadd.f32 v3, v1  }
0x65: {  	v3 =	vld [tilespmem:s22+$0xB300]  }
0x66: {  	v1 =	vadd.f32 v4, v1  }
0x67: {  	v4 =	vld [tilespmem:s22+$0xB380]  }
0x68: {  	v1 =	vadd.f32 v2, v1  }
0x69: {  	v2 =	vld [tilespmem:s22+$0xB400]  }
0x6a: {  	v1 =	vadd.f32 v3, v1  }
0x6b: {  	v3 =	vld [tilespmem:s22+$0xB480]  }
0x6c: {  	v1 =	vadd.f32 v4, v1  }
0x6d: {  	v4 =	vld [tilespmem:s22+$0xB500]  }
0x6e: {  	v1 =	vadd.f32 v2, v1  }
0x6f: {  	v2 =	vld [tilespmem:s22+$0xB580]  }
0x70: {  	v1 =	vadd.f32 v3, v1  }
0x71: {  	v3 =	vld [tilespmem:s22+$0xB600]  }
0x72: {  	v1 =	vadd.f32 v4, v1  }
0x73: {  	v4 =	vld [tilespmem:s22+$0xB680]  }
0x74: {  	v1 =	vadd.f32 v2, v1;
	_ =	sdelay $0x1  }
.Ltmp2:
0x75: {  	v1 =	vadd.f32 v3, v1;
	(pc) =	sbr.rel @p0 .LBB2_6-.Ltmp2, $4  }
0x76: {  	_ = 	snop  }
0x77: {  	s23 =	sadd.s32 $0x80, s23;
	v1 =	vadd.f32 v4, v1  }
0x78: {  	s21 =	sadd.s32 $0x10, s21;
	s25 =	sand.u32 $0x1C00, s23;
	s22 =	sand.u32 $0x70, s24  }
0x79: {  	s24 =	sadd.s32 $0x10, s24;
	s22 =	sor.u32 s22, s25;
	[tilespmem:s21+$0x0] =	vst v1  }
0x7a: {  	v1 =	vld [tilespmem:s22+$0x9F80]  }
0x7b: {  	v2 =	vld [tilespmem:s22+$0x9F00];
	_ =	sdelay $0x1  }
0x7c: {  	v3 =	vld [tilespmem:s22+$0xA000];
	_ =	sdelay $0x1  }
0x7d: {  	v4 =	vld [tilespmem:s22+$0xA080]  }
0x7e: {  	v1 =	vadd.f32 v1, v2  }
0x7f: {  	v2 =	vld [tilespmem:s22+$0xA100]  }
0x80: {  	v1 =	vadd.f32 v3, v1  }
0x81: {  	v3 =	vld [tilespmem:s22+$0xA180]  }
0x82: {  	v1 =	vadd.f32 v4, v1  }
0x83: {  	v60 =	vld [tilespmem:s22+$0xA200]  }
0x84: {  	v1 =	vadd.f32 v2, v1  }
0x85: {  	v2 =	vld [tilespmem:s22+$0xA280]  }
0x86: {  	v1 =	vadd.f32 v3, v1  }
0x87: {  	v3 =	vld [tilespmem:s22+$0xB300]  }
0x88: {  	v1 =	vadd.f32 v60, v1  }
0x89: {  	v61 =	vld [tilespmem:s22+$0xB380]  }
0x8a: {  	v1 =	vadd.f32 v2, v1  }
0x8b: {  	v2 =	vld [tilespmem:s22+$0xB400]  }
0x8c: {  	v1 =	vadd.f32 v3, v1  }
0x8d: {  	v3 =	vld [tilespmem:s22+$0xB480]  }
0x8e: {  	v1 =	vadd.f32 v61, v1  }
0x8f: {  	v62 =	vld [tilespmem:s22+$0xB500]  }
0x90: {  	v1 =	vadd.f32 v2, v1  }
0x91: {  	v2 =	vld [tilespmem:s22+$0xB580]  }
0x92: {  	v1 =	vadd.f32 v3, v1  }
0x93: {  	v3 =	vld [tilespmem:s22+$0xB600]  }
0x94: {  	v1 =	vadd.f32 v62, v1  }
0x95: {  	v63 =	vld [tilespmem:s22+$0xB680]  }
0x96: {  	v1 =	vadd.f32 v2, v1;
	_ =	sdelay $0x1  }
0x97: {  	v1 =	vadd.f32 v3, v1;
	_ =	sdelay $0x1  }
0x98: {  	s20 =	sadd.s32 $0x1, s20;
	v1 =	vadd.f32 v63, v1  }
0x99: {  	s21 =	sadd.s32 $0x10, s21;
	p0 =	sne.s32 s20, s9  }
.Ltmp3:
0x9a: {  	[tilespmem:s21+$0x0] =	vst v1;
	(pc) =	sbr.rel @p0 .LBB2_1-.Ltmp3, $4  }
0x9b: {  	[hbm4b:s8+s14] =	stream.strided.scatter [tilespmem:s13], [sflag:$0x1], $0x280, s19, s14, $0x38;
	[tilespmem:$0xEF00] =	vst v63  }
0x9c: {  	_ =	swait.ge [sflag:s10], $0x280  }
0x9d: {  	[sflag:s10] =	ssyncset.done $0x0  }
0x9e: {  	[sflag:s10] =	ssyncadd.s32 $0xFFFFFD80  }
0x9f: {  	_ =	sfence.sel $0x180000  }
0xa0: {  	[bflag:$0x0] =	sbarrier.arrive $0xFFFF  }
0xa1: {  	p0 =	sne.s32 s0, $0x0;
	_ =	strace $0x9000004A  }
0xa2: {  	s0 =	sadd.s32 @!p0 $0x100000, s1;
	[bflag:$0x2] =	sbarrier.arrive $0xFFFF  }
0xa3: {  	[sflag:s0] =	ssyncadd.tile.s32 @!p0 $0x1;
	_ =	shalt  }
.Lfunc_end2:
_tile_overlayer_lowered:
.L_overlay_start_2:
0xa4: {  	(tag) =	ssettag $0x2  }
0xa5: {  	s0 =	rddreg [dreg:$0x0];
	s2 =	stileid.u32  }
0xa6: {  	s1 =	rddreg [dreg:$0x1];
	p0 =	sne.s32 s2, $0x0  }
0xa7: {  	s3 =	rddreg [dreg:$0x2];
	[bflag:$0x3] =	sbarrier.arrive $0xFFFF;
	s2 =	simm.s32 @!p0 $0x1C01  }
0xa8: {  	[timem:s3], [sflag:s2] =	dma.local @!p0 [hbm:s0], s1  }
0xa9: {  	s0 =	simm.s32 @!p0 $0x1  }
0xaa: {  	_ =	swait.ge @!p0 [sflag:s0], s1  }
0xab: {  	s1 =	ssub.s32 @!p0 $0x0, s1;
	[sflag:s0] =	ssyncset.done @!p0 $0x0  }
0xac: {  	[sflag:s0] =	ssyncadd.s32 @!p0 s1  }
0xad: {  	[bflag:$0x3] =	sbarrier.arrive $0xFFFF  }
0xae: {  	_ =	shalt  }

// kernel: kernel.9.cloned.1.call-start
scs
__scs_entry_jumppad:
0x0: {  	(pc) =	sbr.rel $0x88, $3  }
0x1: {  	(tag) =	ssettag $0x0;
	lr =	simm.s32 $0x1  }
0x2: {  	[smem:$0x3F9A] =	sst lr;
	_ =	strace $0xD0000000  }
0x3: {  	_ = 	snop  }
0x4: {  	_ = 	snop  }
0x5: {  	_ = 	snop  }
0x6: {  	_ = 	snop  }
0x7: {  	_ = 	snop  }
__scs_overlays_trampoline_lowered:
0x8: {  	[smem:$0x3FA9] =	sst s0  }
0x9: {  	[smem:$0x3FAA] =	sst s1  }
0xa: {  	[smem:$0x3FAB] =	sst s2  }
0xb: {  	[smem:$0x3FAC] =	sst s3  }
0xc: {  	[smem:$0x3FAD] =	sst s4  }
0xd: {  	[smem:$0x3FAE] =	sst s5  }
0xe: {  	[smem:$0x3FAF] =	sst s6  }
0xf: {  	[smem:$0x3FB0] =	sst s7  }
0x10: {  	[smem:$0x3FB1] =	sst s8  }
0x11: {  	[smem:$0x3FB2] =	sst s9;
	s0 =	simm.s32 @!p0 $0x0  }
0x12: {  	s1 =	sld [smem:$0x3F98];
	s0 =	simm.s32 @p0 $0x1  }
0x13: {  	[smem:$0x3FB3] =	sst s0;
	s0 =	simm.s32 @!p1 $0x0  }
0x14: {  	s2 =	sld [smem:$0x3F97];
	s0 =	simm.s32 @p1 $0x1  }
0x15: {  	[smem:$0x3FB4] =	sst s0;
	s0 =	simm.s32 @!p2 $0x0  }
0x16: {  	s3 =	sld [smem:$0x3FDB];
	s0 =	simm.s32 @p2 $0x1  }
0x17: {  	s4 =	simm.s32 $0x1BF5;
	[smem:$0x3FB6] =	sst s0  }
0x18: {  	s0 =	sld [smem:$0x3F99];
	_ =	swait.ge [sflag:s4], $0x0  }
0x19: {  	s7 =	sld [smem:$0x3F9A]  }
0x1a: {  	s8 =	sadd.s32 $0xFFFFE003, lr  }
0x1b: {  	s9 =	sadd.s32 $0xFFFFFEF7, lr;
	s5 =	simm.s32 $0xFFFFFFFF;
	p2 =	slt.u32 s8, $0xFFFFF086  }
0x1c: {  	p1 =	slt.u32 s9, $0xF7A;
	s5 =	simm.s32 @!p2 $0x0  }
0x1d: {  	s5 =	simm.s32 @p1 $0x1;
	p0 =	seq.s32 s7, s2  }
0x1e: {  	s7 =	smul.u32 @!p0 $0xF7A, s2;
	p2 =	seq.s32 @!p0 s5, $0x0  }
0x1f: {  	s9 =	smul.u32 $0xF7A, s1;
	s8 =	simm.s32 @!p0 $0x1BF5;
	p2 =	por !p2, p0  }
0x20: {  	[sflag:s8] =	ssyncset.s32 @!p0 $0xFFFFF086;
	s6 =	sadd.s32 @!p0 s3, s7;
	s7 =	simm.s32 @!p0 $0x108  }
0x21: {  	s3 =	sadd.s32 s3, s9;
	s6 =	sadd.s32 @!p0 $0x88, s6;
	s7 =	simm.s32 @p2 $0x1082  }
0x22: {  	[simem:s7], [sflag:s8] =	dma.local @!p0 [hbm:s6], $0xF7A  }
0x23: {  	s9 =	sor.u32 $0xD0000000, s2;
	s6 =	simm.s32 $0x108;
	_ =	swait.ge @!p0 [sflag:s8], $0x0  }
0x24: {  	s3 =	sadd.s32 $0x88, s3;
	s6 =	simm.s32 @!p1 $0x1082;
	[sflag:s4] =	ssyncset.s32 $0xFFFFF086  }
0x25: {  	[simem:s6], [sflag:s4] =	dma.local [hbm:s3], $0xF7A  }
0x26: {  	[smem:$0x3F9A] =	sst s1;
	(tag) =	ssettag s2;
	_ =	strace s9  }
0x27: {  	s1 =	sld [smem:$0x3FAA]  }
0x28: {  	s2 =	sld [smem:$0x3FAB]  }
0x29: {  	s4 =	sld [smem:$0x3FAD]  }
0x2a: {  	p0 =	seq.s32 s5, $0x0;
	s5 =	sld [smem:$0x3FAE]  }
0x2b: {  	s6 =	sld [smem:$0x3FAF]  }
0x2c: {  	s7 =	sld [smem:$0x3FB0]  }
0x2d: {  	s3 =	simm.s32 $0x108;
	s8 =	sld [smem:$0x3FB1]  }
0x2e: {  	s3 =	simm.s32 @!p0 $0x1082;
	s9 =	sld [smem:$0x3FB2]  }
0x2f: {  	lr =	sadd.s32 s0, s3;
	s0 =	sld [smem:$0x3FA9]  }
0x30: {  	s3 =	sld [smem:$0x3FAC]  }
0x31: {  	[smem:$0x3FB5] =	sst s10  }
0x32: {  	s10 =	sld [smem:$0x3FB3];
	_ =	sdelay $0x3  }
0x33: {  	p0 =	seq.s32 s10, $0x1;
	s10 =	sld [smem:$0x3FB5];
	_ =	sdelay $0x3  }
0x34: {  	[smem:$0x3FB5] =	sst s10  }
0x35: {  	s10 =	sld [smem:$0x3FB4];
	_ =	sdelay $0x3  }
0x36: {  	p1 =	seq.s32 s10, $0x1;
	s10 =	sld [smem:$0x3FB5];
	_ =	sdelay $0x3  }
0x37: {  	[smem:$0x3FB5] =	sst s10  }
0x38: {  	s10 =	sld [smem:$0x3FB6]  }
0x39: {  	_ = 	snop;
	(pc) =	sbr.ind lr, $3  }
0x3a: {  	_ = 	snop  }
0x3b: {  	_ = 	snop  }
0x3c: {  	p2 =	seq.s32 s10, $0x1;
	s10 =	sld [smem:$0x3FB5]  }
0x3d: {  	_ =	shalt  }
0x3e: {  	_ =	shalt  }
0x3f: {  	_ =	shalt  }
0x40: {  	_ =	shalt  }
0x41: {  	_ =	shalt  }
0x42: {  	_ =	shalt  }
0x43: {  	_ =	shalt  }
0x44: {  	_ =	shalt  }
0x45: {  	_ =	shalt  }
0x46: {  	_ =	shalt  }
0x47: {  	_ =	shalt  }
0x48: {  	_ =	shalt  }
0x49: {  	_ =	shalt  }
0x4a: {  	_ =	shalt  }
0x4b: {  	_ =	shalt  }
0x4c: {  	_ =	shalt  }
0x4d: {  	_ =	shalt  }
0x4e: {  	_ =	shalt  }
0x4f: {  	_ =	shalt  }
0x50: {  	_ =	shalt  }
0x51: {  	_ =	shalt  }
0x52: {  	_ =	shalt  }
0x53: {  	_ =	shalt  }
0x54: {  	_ =	shalt  }
0x55: {  	_ =	shalt  }
0x56: {  	_ =	shalt  }
0x57: {  	_ =	shalt  }
0x58: {  	_ =	shalt  }
0x59: {  	_ =	shalt  }
0x5a: {  	_ =	shalt  }
0x5b: {  	_ =	shalt  }
0x5c: {  	_ =	shalt  }
0x5d: {  	_ =	shalt  }
0x5e: {  	_ =	shalt  }
0x5f: {  	_ =	shalt  }
0x60: {  	_ =	shalt  }
0x61: {  	_ =	shalt  }
0x62: {  	_ =	shalt  }
0x63: {  	_ =	shalt  }
0x64: {  	_ =	shalt  }
0x65: {  	_ =	shalt  }
0x66: {  	_ =	shalt  }
0x67: {  	_ =	shalt  }
0x68: {  	_ =	shalt  }
0x69: {  	_ =	shalt  }
0x6a: {  	_ =	shalt  }
0x6b: {  	_ =	shalt  }
0x6c: {  	_ =	shalt  }
0x6d: {  	_ =	shalt  }
0x6e: {  	_ =	shalt  }
0x6f: {  	_ =	shalt  }
0x70: {  	_ =	shalt  }
0x71: {  	_ =	shalt  }
0x72: {  	_ =	shalt  }
0x73: {  	_ =	shalt  }
0x74: {  	_ =	shalt  }
0x75: {  	_ =	shalt  }
0x76: {  	_ =	shalt  }
0x77: {  	_ =	shalt  }
0x78: {  	_ =	shalt  }
0x79: {  	_ =	shalt  }
0x7a: {  	_ =	shalt  }
0x7b: {  	_ =	shalt  }
0x7c: {  	_ =	shalt  }
0x7d: {  	_ =	shalt  }
0x7e: {  	_ =	shalt  }
0x7f: {  	_ =	shalt  }
0x80: {  	_ =	shalt  }
0x81: {  	_ =	shalt  }
0x82: {  	_ =	shalt  }
0x83: {  	_ =	shalt  }
0x84: {  	_ =	shalt  }
0x85: {  	_ =	shalt  }
0x86: {  	_ =	shalt  }
0x87: {  	_ =	shalt  }
.Lfunc_end0:
.L_simem_size_0:
called_computation.1_lowered:
.L_overlay_start_0:
0x88: {  	s2 =	sld [smem:$0x3FD9]  }
0x89: {  	s3 =	sld [smem:$0x3FFE];
	_ =	sdelay $0x1  }
0x8a: {  	s1 =	srdreg.scid  }
0x8b: {  	s0 =	sand.u32 $0x1, s1  }
0x8c: {  	s17 =	sshll.u32 s0, $0xA;
	s2 =	sadd.s32 s3, s2  }
0x8d: {  	s2 =	sadd.s32 s2, s17  }
0x8e: {  	[smem:$0x3FC1] =	sst s2  }
0x8f: {  	_ = 	snop  }
0x90: {  	s2 =	sld [smem:$0x3FD0];
	(tm) =	ssettm $0x1  }
0x91: {  	s18 =	sld [smem:$0x3FFB];
	_ =	sdelay $0x3  }
0x92: {  	_ =	strace s18  }
0x93: {  	s3 =	sld [smem:$0x3FFC];
	_ =	sdelay $0x3  }
0x94: {  	_ =	strace s3  }
0x95: {  	s3 =	sld [smem:$0x3FFD];
	_ =	sdelay $0x3  }
0x96: {  	_ =	strace s3  }
0x97: {  	_ =	strace $0x8FFFFFFF  }
0x98: {  	s19 =	sld [smem:$0x3FDB];
	_ =	sdelay $0x1  }
0x99: {  	s4 =	simm.s32 $_scs_section_size  }
0x9a: {  	s5 =	simm.s32 $_size__tile_overlayer_lowered;
	s6 =	simm.s32 $_tile_overlayer_lowered  }
0x9b: {  	s22 =	simm.s32 $0x1BFF;
	s21 =	sshll.u32 s6, $0x1;
	s3 =	sadd.s32 s4, s19  }
0x9c: {  	s7 =	simm.s32 $0x0;
	s20 =	sshll.u32 s5, $0x1;
	s5 =	sadd.s32 s21, s3  }
0x9d: {  	[timem:s7], [sflag:s22] =	dma.local [hbm:s5], s20  }
0x9e: {  	_ =	swait.ge [sflag:s22], s20  }
0x9f: {  	s4 =	ssub.s32 $0x0, s20;
	[sflag:s22] =	ssyncset.done $0x0  }
0xa0: {  	[sflag:s22] =	ssyncadd.s32 s4;
	_ =	sdelay $0x1  }
0xa1: {  	s23 =	simm.s32 $0x1B8B  }
0xa2: {  	_ =	swait.ge [sflag:s23], $0x1  }
0xa3: {  	[sflag:s23] =	ssyncset.done $0x0  }
0xa4: {  	s25 =	simm.s32 $0x1B8E;
	s24 =	sld [smem:$0x3FFE];
	[sflag:s23] =	ssyncadd.s32 $0xFFFFFFFF  }
0xa5: {  	s26 =	simm.s32 $execute0_lowered;
	[smem:$0x3FD2] =	sst s25  }
0xa6: {  	s5 =	sshll.u32 s26, $0x1;
	_ =	strace $0x80000046;
	[dreg:$0x1] =	wrdreg $0xFFFFFFFF  }
0xa7: {  	s28 =	simm.s32 $_size_execute0_lowered;
	s3 =	sadd.s32 s3, s5;
	[dreg:$0x0] =	wrdreg $0x0  }
0xa8: {  	s5 =	sshll.u32 s28, $0x1;
	[dreg:$0x2] =	wrdreg s3  }
0xa9: {  	[dreg:$0x3] =	wrdreg s5  }
0xaa: {  	[dreg:$0x4] =	wrdreg $0xC0  }
0xab: {  	_ =	task [dreg:s7], $0x5FFFF  }
0xac: {  	[dreg:$0x1] =	wrdreg $0xFFFFFFFF  }
0xad: {  	[dreg:$0x0] =	wrdreg $0x60  }
0xae: {  	[dreg:$0x2] =	wrdreg s2  }
0xaf: {  	[dreg:$0x3] =	wrdreg s24  }
0xb0: {  	[dreg:$0x4] =	wrdreg $0x8F000  }
0xb1: {  	[dreg:$0x5] =	wrdreg $0xA  }
0xb2: {  	_ =	task.clear_ibuf [dreg:s7], $0x6FFFF;
	_ =	strace $0x90000046  }
0xb3: {  	s29 =	simm.s32 $0xA;
	_ =	strace $0x80000048  }
0xb4: {  	_ =	swait.ge [sflag:s29], $0x1  }
0xb5: {  	[sflag:s29] =	ssyncadd.s32 $0xFFFFFFFF  }
0xb6: {  	_ =	strace $0x90000048  }
0xb7: {  	_ =	sfence  }
0xb8: {  	s30 =	sld [smem:$0x0];
	_ =	sdelay $0x2  }
0xb9: {  	s31 =	sshll.u32 s1, $0xD;
	s1 =	sshrl.u32 s1, $0x2  }
0xba: {  	s3 =	sand.u32 $0x4000, s31;
	s1 =	sadd.s32 s1, s30  }
0xbb: {  	s0 =	sor.u32 s3, s0;
	s1 =	sshll.u32 s1, $0x11  }
0xbc: {  	s0 =	sor.u32 s1, s0  }
0xbd: {  	s0 =	sadd.s32 $0x8F2B, s0  }
0xbe: {  	[sflag:s0] =	ssyncadd.remote.s32 $0x1  }
0xbf: {  	_ =	sfence.sel $0xFFFF  }
0xc0: {  	[dreg:$0x0] =	wrdreg $0xFFFFFFFF;
	(pc) =	sbr.abs _section_cstart, $3  }
0xc1: {  	[dreg:$0x1] =	wrdreg $0xFFFFFFFF  }
0xc2: {  	_ =	task.clear_ibuf [dreg:s7], $0x2FFFF;
	_ =	strace $0x9FFFFFFF  }
0xc3: {  	(tm) =	ssettm $0x7FFFFFFF  }
tec
execute0_lowered:
.L_overlay_start_1:
0x0: {  	(tag) =	ssettag $0x1  }
0x1: {  	s0 =	rddreg [dreg:$0x0]  }
0x2: {  	s1 =	srdreg.scid;
	s5 =	rddreg [dreg:$0x1]  }
0x3: {  	s10 =	stileid.u32;
	s2 =	rddreg [dreg:$0x2]  }
0x4: {  	s14 =	simm.s32 $0x7F00;
	s15 =	simm.s32 $0x4F00;
	s16 =	simm.s32 $0x5700  }
0x5: {  	s17 =	simm.s32 $0x5F00;
	s28 =	simm.s32 $0x5;
	s29 =	simm.s32 $0x7  }
0x6: {  	s30 =	simm.s32 $0x8;
	s31 =	simm.s32 $0x0;
	s8 =	smul.u32 $0x4F000, s10  }
0x7: {  	s1 =	sand.u32 $0x1, s1;
	s3 =	sshll.u32 s10, $0x1;
	s10 =	smul.u32 $0x13C00, s10  }
0x8: {  	s4 =	sor.u32 s1, s3;
	s9 =	ssub.s32 $0x2, s1;
	s1 =	smul.u32 $0x13C000, s1  }
0x9: {  	s11 =	sadd.s32 $0x5AE00, s5;
	s3 =	simm.s32 $0x0;
	s6 =	smul.u32 $0x4F0, s4  }
0xa: {  	[smem:$0x7FF] =	sst s3;
	s4 =	sadd.s32 $0xE00, s5;
	s18 =	sshrl.u32 s9, $0x1  }
0xb: {  	s19 =	sadd.s32 $0x13800, s10;
	s21 =	sshrl.u32 s8, $0x2;
	_ =	strace $0x80000047  }
0xc: {  	s12 =	ssub.s32 s9, s18;
	s22 =	sadd.s32 s1, s19;
	s1 =	sadd.s32 s10, s1  }
0xd: {  	s7 =	sadd.s32 s6, s5;
	s0 =	sadd.s32 s0, s6;
	s23 =	sshrl.u32 s22, $0x3  }
0xe: {  	s5 =	sadd.s32 s19, s2;
	s25 =	sshrl.u32 s1, $0x3;
	s26 =	smax.u32 s12, $0x1  }
0xf: {  	s12 =	simm.s32 $0xB;
	s19 =	simm.s32 $0x6F00;
	s22 =	simm.s32 $0x1  }
0x10: {  	[dreg:$0x4] =	wrdreg s0;
	s20 =	sadd.s32 $0x29000, s7;
	s7 =	sadd.s32 s21, s2  }
0x11: {  	s24 =	sadd.s32 s11, s23;
	[dreg:$0x8] =	wrdreg s26;
	s11 =	sadd.s32 s25, s11  }
0x12: {  	s21 =	simm.s32 $0x8700;
	s23 =	simm.s32 $0x9;
	[dreg:$0x6] =	wrdreg s5  }
0x13: {  	s25 =	simm.s32 $0xA;
	s26 =	simm.s32 $0x3;
	[dreg:$0x5] =	wrdreg s20  }
0x14: {  	v0 =	vimm.f32 $0.0e+00;
	vm0 =	vmmov $0xffff;
	v1 =	vimm.s32 $0x2710;
	[dreg:$0x7] =	wrdreg s24;
	s20 =	simm.s32 $0x7700;
	s24 =	simm.s32 $0x2  }
.LBB2_1:
0x15: {  	s0 =	rddreg [dreg:$0x4]  }
0x16: {  	[tilespmem:s3], [sflag:$0xB] =	stream.linear.gather [hbm4b:s0+s3], $0x2780, $0x38;
	[tilespmem:$0x1CB00] =	vst v63  }
0x17: {  	_ =	swait.ge [sflag:s12], $0x2780  }
0x18: {  	[sflag:s12] =	ssyncset.done $0x0  }
0x19: {  	s1 =	simm.s32 $0x2780;
	s13 =	rddreg [dreg:$0x5];
	[sflag:s12] =	ssyncadd.s32 $0xFFFFD880  }
0x1a: {  	[tilespmem:s1], [sflag:$0xB] =	stream.linear.gather [hbm4b:s13+s3], $0x2780, $0x38;
	[tilespmem:$0x1CB00] =	vst v63  }
0x1b: {  	_ =	swait.ge [sflag:s12], $0x2780  }
0x1c: {  	[sflag:s12] =	ssyncset.done $0x0  }
0x1d: {  	[sflag:s12] =	ssyncadd.s32 $0xFFFFD880  }
0x1e: {  	[tilespmem:$0x7F00] =	vst v0  }
0x1f: {  	[tilespmem:$0x7F10] =	vst v0  }
0x20: {  	[tilespmem:$0x7F20] =	vst v0  }
0x21: {  	[tilespmem:$0x7F30] =	vst v0  }
0x22: {  	[tilespmem:$0x7F40] =	vst v0  }
0x23: {  	[tilespmem:$0x7F50] =	vst v0  }
0x24: {  	[tilespmem:$0x7F60] =	vst v0  }
0x25: {  	[tilespmem:$0x7F70] =	vst v0  }
0x26: {  	[tilespmem:$0x7F80] =	vst v0  }
0x27: {  	[tilespmem:$0x7F90] =	vst v0  }
0x28: {  	[tilespmem:$0x7FA0] =	vst v0  }
0x29: {  	[tilespmem:$0x7FB0] =	vst v0  }
0x2a: {  	[tilespmem:$0x7FC0] =	vst v0  }
0x2b: {  	[tilespmem:$0x7FD0] =	vst v0  }
0x2c: {  	[tilespmem:$0x7FE0] =	vst v0  }
0x2d: {  	[tilespmem:$0x7FF0] =	vst v0  }
0x2e: {  	[tilespmem:$0x8000] =	vst v0  }
0x2f: {  	[tilespmem:$0x8010] =	vst v0  }
0x30: {  	[tilespmem:$0x8020] =	vst v0  }
0x31: {  	[tilespmem:$0x8030] =	vst v0  }
0x32: {  	[tilespmem:$0x8040] =	vst v0  }
0x33: {  	[tilespmem:$0x8050] =	vst v0  }
0x34: {  	[tilespmem:$0x8060] =	vst v0  }
0x35: {  	[tilespmem:$0x8070] =	vst v0  }
0x36: {  	[tilespmem:$0x8080] =	vst v0  }
0x37: {  	[tilespmem:$0x8090] =	vst v0  }
0x38: {  	[tilespmem:$0x80A0] =	vst v0  }
0x39: {  	[tilespmem:$0x80B0] =	vst v0  }
0x3a: {  	[tilespmem:$0x80C0] =	vst v0  }
0x3b: {  	[tilespmem:$0x80D0] =	vst v0  }
0x3c: {  	[tilespmem:$0x80E0] =	vst v0  }
0x3d: {  	[tilespmem:$0x80F0] =	vst v0  }
0x3e: {  	[tilespmem:$0x8100] =	vst v0  }
0x3f: {  	[tilespmem:$0x8110] =	vst v0  }
0x40: {  	[tilespmem:$0x8120] =	vst v0  }
0x41: {  	[tilespmem:$0x8130] =	vst v0  }
0x42: {  	[tilespmem:$0x8140] =	vst v0  }
0x43: {  	[tilespmem:$0x8150] =	vst v0  }
0x44: {  	[tilespmem:$0x8160] =	vst v0  }
0x45: {  	[tilespmem:$0x8170] =	vst v0  }
0x46: {  	[tilespmem:$0x8180] =	vst v0  }
0x47: {  	[tilespmem:$0x8190] =	vst v0  }
0x48: {  	[tilespmem:$0x81A0] =	vst v0  }
0x49: {  	[tilespmem:$0x81B0] =	vst v0  }
0x4a: {  	[tilespmem:$0x81C0] =	vst v0  }
0x4b: {  	[tilespmem:$0x81D0] =	vst v0  }
0x4c: {  	[tilespmem:$0x81E0] =	vst v0  }
0x4d: {  	[tilespmem:$0x81F0] =	vst v0  }
0x4e: {  	[tilespmem:$0x8200] =	vst v0  }
0x4f: {  	[tilespmem:$0x8210] =	vst v0  }
0x50: {  	[tilespmem:$0x8220] =	vst v0  }
0x51: {  	[tilespmem:$0x8230] =	vst v0  }
0x52: {  	[tilespmem:$0x8240] =	vst v0  }
0x53: {  	[tilespmem:$0x8250] =	vst v0  }
0x54: {  	[tilespmem:$0x8260] =	vst v0  }
0x55: {  	[tilespmem:$0x8270] =	vst v0  }
0x56: {  	[tilespmem:$0x8280] =	vst v0  }
0x57: {  	[tilespmem:$0x8290] =	vst v0  }
0x58: {  	[tilespmem:$0x82A0] =	vst v0  }
0x59: {  	[tilespmem:$0x82B0] =	vst v0  }
0x5a: {  	[tilespmem:$0x82C0] =	vst v0  }
0x5b: {  	[tilespmem:$0x82D0] =	vst v0  }
0x5c: {  	[tilespmem:$0x82E0] =	vst v0  }
0x5d: {  	[tilespmem:$0x82F0] =	vst v0  }
0x5e: {  	[tilespmem:$0x8300] =	vst v0  }
0x5f: {  	[tilespmem:$0x8310] =	vst v0  }
0x60: {  	[tilespmem:$0x8320] =	vst v0  }
0x61: {  	[tilespmem:$0x8330] =	vst v0  }
0x62: {  	[tilespmem:$0x8340] =	vst v0  }
0x63: {  	[tilespmem:$0x8350] =	vst v0  }
0x64: {  	[tilespmem:$0x8360] =	vst v0  }
0x65: {  	[tilespmem:$0x8370] =	vst v0  }
0x66: {  	[tilespmem:$0x8380] =	vst v0  }
0x67: {  	[tilespmem:$0x8390] =	vst v0  }
0x68: {  	[tilespmem:$0x83A0] =	vst v0  }
0x69: {  	[tilespmem:$0x83B0] =	vst v0  }
0x6a: {  	[tilespmem:$0x83C0] =	vst v0  }
0x6b: {  	[tilespmem:$0x83D0] =	vst v0  }
0x6c: {  	[tilespmem:$0x83E0] =	vst v0  }
0x6d: {  	[tilespmem:$0x83F0] =	vst v0  }
0x6e: {  	[tilespmem:$0x8400] =	vst v0  }
0x6f: {  	[tilespmem:$0x8410] =	vst v0  }
0x70: {  	[tilespmem:$0x8420] =	vst v0  }
0x71: {  	[tilespmem:$0x8430] =	vst v0  }
0x72: {  	[tilespmem:$0x8440] =	vst v0  }
0x73: {  	[tilespmem:$0x8450] =	vst v0  }
0x74: {  	[tilespmem:$0x8460] =	vst v0  }
0x75: {  	[tilespmem:$0x8470] =	vst v0  }
0x76: {  	[tilespmem:$0x8480] =	vst v0  }
0x77: {  	[tilespmem:$0x8490] =	vst v0  }
0x78: {  	[tilespmem:$0x84A0] =	vst v0  }
0x79: {  	[tilespmem:$0x84B0] =	vst v0  }
0x7a: {  	[tilespmem:$0x84C0] =	vst v0  }
0x7b: {  	[tilespmem:$0x84D0] =	vst v0  }
0x7c: {  	[tilespmem:$0x84E0] =	vst v0  }
0x7d: {  	[tilespmem:$0x84F0] =	vst v0  }
0x7e: {  	[tilespmem:$0x8500] =	vst v0  }
0x7f: {  	[tilespmem:$0x8510] =	vst v0  }
0x80: {  	[tilespmem:$0x8520] =	vst v0  }
0x81: {  	[tilespmem:$0x8530] =	vst v0  }
0x82: {  	[tilespmem:$0x8540] =	vst v0  }
0x83: {  	[tilespmem:$0x8550] =	vst v0  }
0x84: {  	[tilespmem:$0x8560] =	vst v0  }
0x85: {  	[tilespmem:$0x8570] =	vst v0  }
0x86: {  	[tilespmem:$0x8580] =	vst v0  }
0x87: {  	[tilespmem:$0x8590] =	vst v0  }
0x88: {  	[tilespmem:$0x85A0] =	vst v0  }
0x89: {  	[tilespmem:$0x85B0] =	vst v0  }
0x8a: {  	[tilespmem:$0x85C0] =	vst v0  }
0x8b: {  	[tilespmem:$0x85D0] =	vst v0  }
0x8c: {  	[tilespmem:$0x85E0] =	vst v0  }
0x8d: {  	[tilespmem:$0x85F0] =	vst v0  }
0x8e: {  	[tilespmem:$0x8600] =	vst v0  }
0x8f: {  	[tilespmem:$0x8610] =	vst v0  }
0x90: {  	[tilespmem:$0x8620] =	vst v0  }
0x91: {  	[tilespmem:$0x8630] =	vst v0  }
0x92: {  	[tilespmem:$0x8640] =	vst v0  }
0x93: {  	[tilespmem:$0x8650] =	vst v0  }
0x94: {  	[tilespmem:$0x8660] =	vst v0  }
0x95: {  	[tilespmem:$0x8670] =	vst v0  }
0x96: {  	[tilespmem:$0x8680] =	vst v0  }
0x97: {  	[tilespmem:$0x8690] =	vst v0  }
0x98: {  	[tilespmem:$0x86A0] =	vst v0  }
0x99: {  	[tilespmem:$0x86B0] =	vst v0  }
0x9a: {  	[tilespmem:$0x86C0] =	vst v0  }
0x9b: {  	[tilespmem:$0x86D0] =	vst v0  }
0x9c: {  	[tilespmem:$0x86E0] =	vst v0  }
0x9d: {  	[tilespmem:$0x86F0] =	vst v0  }
0x9e: {  	[tilespmem:$0x8700] =	vst v0  }
0x9f: {  	[tilespmem:$0x8710] =	vst v0  }
0xa0: {  	[tilespmem:$0x8720] =	vst v0  }
0xa1: {  	[tilespmem:$0x8730] =	vst v0  }
0xa2: {  	[tilespmem:$0x8740] =	vst v0  }
0xa3: {  	[tilespmem:$0x8750] =	vst v0  }
0xa4: {  	[tilespmem:$0x8760] =	vst v0  }
0xa5: {  	[tilespmem:$0x8770] =	vst v0  }
0xa6: {  	[tilespmem:$0x8780] =	vst v0  }
0xa7: {  	[tilespmem:$0x8790] =	vst v0  }
0xa8: {  	[tilespmem:$0x87A0] =	vst v0  }
0xa9: {  	[tilespmem:$0x87B0] =	vst v0  }
0xaa: {  	[tilespmem:$0x87C0] =	vst v0  }
0xab: {  	[tilespmem:$0x87D0] =	vst v0  }
0xac: {  	[tilespmem:$0x87E0] =	vst v0  }
0xad: {  	[tilespmem:$0x87F0] =	vst v0  }
0xae: {  	[tilespmem:$0x8800] =	vst v0  }
0xaf: {  	[tilespmem:$0x8810] =	vst v0  }
0xb0: {  	[tilespmem:$0x8820] =	vst v0  }
0xb1: {  	[tilespmem:$0x8830] =	vst v0  }
0xb2: {  	[tilespmem:$0x8840] =	vst v0  }
0xb3: {  	[tilespmem:$0x8850] =	vst v0  }
0xb4: {  	[tilespmem:$0x8860] =	vst v0  }
0xb5: {  	[tilespmem:$0x8870] =	vst v0  }
0xb6: {  	[tilespmem:$0x8880] =	vst v0  }
0xb7: {  	[tilespmem:$0x8890] =	vst v0  }
0xb8: {  	[tilespmem:$0x88A0] =	vst v0  }
0xb9: {  	[tilespmem:$0x88B0] =	vst v0  }
0xba: {  	[tilespmem:$0x88C0] =	vst v0  }
0xbb: {  	[tilespmem:$0x88D0] =	vst v0  }
0xbc: {  	[tilespmem:$0x88E0] =	vst v0  }
0xbd: {  	[tilespmem:$0x88F0] =	vst v0  }
0xbe: {  	[tilespmem:$0x8900] =	vst v0  }
0xbf: {  	[tilespmem:$0x8910] =	vst v0  }
0xc0: {  	[tilespmem:$0x8920] =	vst v0  }
0xc1: {  	[tilespmem:$0x8930] =	vst v0  }
0xc2: {  	[tilespmem:$0x8940] =	vst v0  }
0xc3: {  	[tilespmem:$0x8950] =	vst v0  }
0xc4: {  	[tilespmem:$0x8960] =	vst v0  }
0xc5: {  	[tilespmem:$0x8970] =	vst v0  }
0xc6: {  	[tilespmem:$0x8980] =	vst v0  }
0xc7: {  	[tilespmem:$0x8990] =	vst v0  }
0xc8: {  	[tilespmem:$0x89A0] =	vst v0  }
0xc9: {  	[tilespmem:$0x89B0] =	vst v0  }
0xca: {  	[tilespmem:$0x89C0] =	vst v0  }
0xcb: {  	[tilespmem:$0x89D0] =	vst v0  }
0xcc: {  	[tilespmem:$0x89E0] =	vst v0  }
0xcd: {  	[tilespmem:$0x89F0] =	vst v0  }
0xce: {  	[tilespmem:$0x8A00] =	vst v0  }
0xcf: {  	[tilespmem:$0x8A10] =	vst v0  }
0xd0: {  	[tilespmem:$0x8A20] =	vst v0  }
0xd1: {  	[tilespmem:$0x8A30] =	vst v0  }
0xd2: {  	[tilespmem:$0x8A40] =	vst v0  }
0xd3: {  	[tilespmem:$0x8A50] =	vst v0  }
0xd4: {  	[tilespmem:$0x8A60] =	vst v0  }
0xd5: {  	[tilespmem:$0x8A70] =	vst v0  }
0xd6: {  	[tilespmem:$0x8A80] =	vst v0  }
0xd7: {  	[tilespmem:$0x8A90] =	vst v0  }
0xd8: {  	[tilespmem:$0x8AA0] =	vst v0  }
0xd9: {  	[tilespmem:$0x8AB0] =	vst v0  }
0xda: {  	[tilespmem:$0x8AC0] =	vst v0  }
0xdb: {  	[tilespmem:$0x8AD0] =	vst v0  }
0xdc: {  	[tilespmem:$0x8AE0] =	vst v0  }
0xdd: {  	[tilespmem:$0x8AF0] =	vst v0  }
0xde: {  	[tilespmem:$0x8B00] =	vst v0  }
0xdf: {  	[tilespmem:$0x8B10] =	vst v0  }
0xe0: {  	[tilespmem:$0x8B20] =	vst v0  }
0xe1: {  	[tilespmem:$0x8B30] =	vst v0  }
0xe2: {  	[tilespmem:$0x8B40] =	vst v0  }
0xe3: {  	[tilespmem:$0x8B50] =	vst v0  }
0xe4: {  	[tilespmem:$0x8B60] =	vst v0  }
0xe5: {  	[tilespmem:$0x8B70] =	vst v0  }
0xe6: {  	[tilespmem:$0x8B80] =	vst v0  }
0xe7: {  	[tilespmem:$0x8B90] =	vst v0  }
0xe8: {  	[tilespmem:$0x8BA0] =	vst v0  }
0xe9: {  	[tilespmem:$0x8BB0] =	vst v0  }
0xea: {  	[tilespmem:$0x8BC0] =	vst v0  }
0xeb: {  	[tilespmem:$0x8BD0] =	vst v0  }
0xec: {  	[tilespmem:$0x8BE0] =	vst v0  }
0xed: {  	[tilespmem:$0x8BF0] =	vst v0  }
0xee: {  	[tilespmem:$0x8C00] =	vst v0  }
0xef: {  	[tilespmem:$0x8C10] =	vst v0  }
0xf0: {  	[tilespmem:$0x8C20] =	vst v0  }
0xf1: {  	[tilespmem:$0x8C30] =	vst v0  }
0xf2: {  	[tilespmem:$0x8C40] =	vst v0  }
0xf3: {  	[tilespmem:$0x8C50] =	vst v0  }
0xf4: {  	[tilespmem:$0x8C60] =	vst v0  }
0xf5: {  	[tilespmem:$0x8C70] =	vst v0  }
0xf6: {  	[tilespmem:$0x8C80] =	vst v0  }
0xf7: {  	[tilespmem:$0x8C90] =	vst v0  }
0xf8: {  	[tilespmem:$0x8CA0] =	vst v0  }
0xf9: {  	[tilespmem:$0x8CB0] =	vst v0  }
0xfa: {  	[tilespmem:$0x8CC0] =	vst v0  }
0xfb: {  	[tilespmem:$0x8CD0] =	vst v0  }
0xfc: {  	[tilespmem:$0x8CE0] =	vst v0  }
0xfd: {  	[tilespmem:$0x8CF0] =	vst v0  }
0xfe: {  	[tilespmem:$0x8D00] =	vst v0  }
0xff: {  	[tilespmem:$0x8D10] =	vst v0  }
0x100: {  	[tilespmem:$0x8D20] =	vst v0  }
0x101: {  	[tilespmem:$0x8D30] =	vst v0  }
0x102: {  	[tilespmem:$0x8D40] =	vst v0  }
0x103: {  	[tilespmem:$0x8D50] =	vst v0  }
0x104: {  	[tilespmem:$0x8D60] =	vst v0  }
0x105: {  	[tilespmem:$0x8D70] =	vst v0  }
0x106: {  	[tilespmem:$0x8D80] =	vst v0  }
0x107: {  	[tilespmem:$0x8D90] =	vst v0  }
0x108: {  	[tilespmem:$0x8DA0] =	vst v0  }
0x109: {  	[tilespmem:$0x8DB0] =	vst v0  }
0x10a: {  	[tilespmem:$0x8DC0] =	vst v0  }
0x10b: {  	[tilespmem:$0x8DD0] =	vst v0  }
0x10c: {  	[tilespmem:$0x8DE0] =	vst v0  }
0x10d: {  	[tilespmem:$0x8DF0] =	vst v0  }
0x10e: {  	[tilespmem:$0x8E00] =	vst v0  }
0x10f: {  	[tilespmem:$0x8E10] =	vst v0  }
0x110: {  	[tilespmem:$0x8E20] =	vst v0  }
0x111: {  	[tilespmem:$0x8E30] =	vst v0  }
0x112: {  	[tilespmem:$0x8E40] =	vst v0  }
0x113: {  	[tilespmem:$0x8E50] =	vst v0  }
0x114: {  	[tilespmem:$0x8E60] =	vst v0  }
0x115: {  	[tilespmem:$0x8E70] =	vst v0  }
0x116: {  	[tilespmem:$0x8E80] =	vst v0  }
0x117: {  	[tilespmem:$0x8E90] =	vst v0  }
0x118: {  	[tilespmem:$0x8EA0] =	vst v0  }
0x119: {  	[tilespmem:$0x8EB0] =	vst v0  }
0x11a: {  	[tilespmem:$0x8EC0] =	vst v0  }
0x11b: {  	[tilespmem:$0x8ED0] =	vst v0  }
0x11c: {  	[tilespmem:$0x8EF0] =	vst v0  }
0x11d: {  	s18 =	sadd.s32 $0x0, s7;
	[tilespmem:$0x8EE0] =	vst v0  }
0x11e: {  	[spmem:s18] =	stream.linear.scatter [tilespmem:s14], [sflag:$0xB], $0x800, $0x38;
	[tilespmem:$0x1CB00] =	vst v63  }
0x11f: {  	s0 =	simm.s32 $0x2000;
	_ =	swait.ge [sflag:s12], $0x800  }
.LBB2_2:
0x120: {  	s1 =	sshra.s32 s0, $0x2;
	[sflag:s12] =	ssyncset.done $0x0;
	p0 =	sne.s32 s0, $0x4C000  }
.Ltmp0:
0x121: {  	s1 =	sadd.s32 s1, s7;
	[sflag:s12] =	ssyncadd.s32 $0xFFFFF800;
	(pc) =	sbr.rel @p0 .LBB2_2-.Ltmp0, $3  }
0x122: {  	[spmem:s1] =	stream.linear.scatter [tilespmem:s14], [sflag:$0xB], $0x800, $0x38;
	[tilespmem:$0x1CB00] =	vst v63  }
0x123: {  	s0 =	sadd.s32 $0x2000, s0;
	_ =	sdelay $0x1  }
0x124: {  	_ =	swait.ge [sflag:s12], $0x800  }
0x125: {  	[sflag:s12] =	ssyncset.done $0x0  }
0x126: {  	[sflag:s12] =	ssyncadd.s32 $0xFFFFF800  }
0x127: {  	[spmem:s5] =	stream.linear.scatter [tilespmem:s14], [sflag:$0xB], $0x400, $0x38;
	[tilespmem:$0x1CB00] =	vst v63  }
0x128: {  	_ =	swait.ge [sflag:s12], $0x400  }
0x129: {  	[sflag:s12] =	ssyncset.done $0x0  }
0x12a: {  	[sflag:s12] =	ssyncadd.s32 $0xFFFFFC00  }
0x12b: {  	[bflag:$0x0] =	sbarrier.arrive $0xFFFF  }
0x12c: {  	v2 =	vld [tilespmem:$0x0];
	_ =	sdelay $0x6  }
0x12d: {  	s1 =	simm.s32 $0x0  }
0x12e: {  	[tilespmem:s15], [sflag:$0x1] =	stream.indirect_vreg.gather [hbm4b:s4+s1], $0x80, v2, vm0, $0xb8;
	[tilespmem:$0x1CB00] =	vst v63  }
0x12f: {  	v2 =	vld [tilespmem:$0x10];
	_ =	sdelay $0x7  }
0x130: {  	[tilespmem:s16], [sflag:$0x2] =	stream.indirect_vreg.gather [hbm4b:s4+s1], $0x80, v2, vm0, $0xb8;
	[tilespmem:$0x1CB00] =	vst v63  }
0x131: {  	v2 =	vld [tilespmem:$0x20];
	_ =	sdelay $0x7  }
0x132: {  	[tilespmem:s17], [sflag:$0x3] =	stream.indirect_vreg.gather [hbm4b:s4+s1], $0x80, v2, vm0, $0xb8;
	[tilespmem:$0x1CB00] =	vst v63  }
0x133: {  	v2 =	vld [tilespmem:$0x30];
	_ =	sdelay $0x6  }
0x134: {  	s0 =	simm.s32 $0x6700  }
0x135: {  	[tilespmem:s0], [sflag:$0x4] =	stream.indirect_vreg.gather [hbm4b:s4+s1], $0x80, v2, vm0, $0xb8;
	[tilespmem:$0x1CB00] =	vst v63  }
0x136: {  	v2 =	vld [tilespmem:$0x40];
	_ =	sdelay $0x7  }
0x137: {  	[tilespmem:s19], [sflag:$0x5] =	stream.indirect_vreg.gather [hbm4b:s4+s1], $0x80, v2, vm0, $0xb8;
	[tilespmem:$0x1CB00] =	vst v63  }
0x138: {  	v2 =	vld [tilespmem:$0x50];
	_ =	sdelay $0x7  }
0x139: {  	[tilespmem:s20], [sflag:$0x6] =	stream.indirect_vreg.gather [hbm4b:s4+s1], $0x80, v2, vm0, $0xb8;
	[tilespmem:$0x1CB00] =	vst v63  }
0x13a: {  	_ = 	snop  }
0x13b: {  	[spmem:s2] =	stream.indirect_vreg.scatter.add.f32 [tilespmem:s14], [sflag:$0x9], $0x80, v1, vm0, $0xb8;
	[tilespmem:$0x1CB00] =	vst v63  }
0x13c: {  	_ = 	snop  }
0x13d: {  	[spmem:s2] =	stream.indirect_vreg.scatter.add.f32 [tilespmem:s21], [sflag:$0xA], $0x80, v1, vm0, $0xb8;
	[tilespmem:$0x1CB00] =	vst v63  }
.LBB2_4:
0x13e: {  	_ =	swait.ge [sflag:s22], $0x800  }
0x13f: {  	[sflag:s22] =	ssyncset.done $0x0  }
0x140: {  	[sflag:s22] =	ssyncadd.s32 $0xFFFFF800  }
0x141: {  	_ =	swait.ge [sflag:s23], $0x800  }
0x142: {  	[sflag:s23] =	ssyncset.done $0x0  }
0x143: {  	s0 =	sshra.s32 s1, $0x2;
	[sflag:s23] =	ssyncadd.s32 $0xFFFFF800  }
0x144: {  	v2 =	vld [tilespmem:s0+$0x2780];
	_ =	sdelay $0x7  }
0x145: {  	[spmem:s2] =	stream.indirect_vreg.scatter.add.f32 [tilespmem:s15], [sflag:$0x9], $0x80, v2, vm0, $0xb8;
	[tilespmem:$0x1CB00] =	vst v63  }
0x146: {  	v2 =	vld [tilespmem:s0+$0x60];
	_ =	sdelay $0x7  }
0x147: {  	[tilespmem:s14], [sflag:$0x7] =	stream.indirect_vreg.gather [hbm4b:s4+s3], $0x80, v2, vm0, $0xb8;
	[tilespmem:$0x1CB00] =	vst v63  }
0x148: {  	_ =	swait.ge [sflag:s24], $0x800  }
0x149: {  	[sflag:s24] =	ssyncset.done $0x0  }
0x14a: {  	[sflag:s24] =	ssyncadd.s32 $0xFFFFF800  }
0x14b: {  	_ =	swait.ge [sflag:s25], $0x800  }
0x14c: {  	[sflag:s25] =	ssyncset.done $0x0  }
0x14d: {  	[sflag:s25] =	ssyncadd.s32 $0xFFFFF800  }
0x14e: {  	v2 =	vld [tilespmem:s0+$0x2790];
	_ =	sdelay $0x7  }
0x14f: {  	[spmem:s2] =	stream.indirect_vreg.scatter.add.f32 [tilespmem:s16], [sflag:$0xA], $0x80, v2, vm0, $0xb8;
	[tilespmem:$0x1CB00] =	vst v63  }
0x150: {  	v2 =	vld [tilespmem:s0+$0x70];
	_ =	sdelay $0x7  }
0x151: {  	[tilespmem:s21], [sflag:$0x8] =	stream.indirect_vreg.gather [hbm4b:s4+s3], $0x80, v2, vm0, $0xb8;
	[tilespmem:$0x1CB00] =	vst v63  }
0x152: {  	_ =	swait.ge [sflag:s26], $0x800  }
0x153: {  	[sflag:s26] =	ssyncset.done $0x0  }
0x154: {  	[sflag:s26] =	ssyncadd.s32 $0xFFFFF800  }
0x155: {  	_ =	swait.ge [sflag:s23], $0x800  }
0x156: {  	[sflag:s23] =	ssyncset.done $0x0  }
0x157: {  	[sflag:s23] =	ssyncadd.s32 $0xFFFFF800  }
0x158: {  	v2 =	vld [tilespmem:s0+$0x27A0];
	_ =	sdelay $0x5  }
0x159: {  	p0 =	seq.s32 s1, $0x9C00  }
0x15a: {  	s13 =	simm.s32 @p0 $0x4  }
0x15b: {  	[spmem:s2] =	stream.indirect_vreg.scatter.add.f32 [tilespmem:s17], [sflag:$0x9], $0x80, v2, vm0, $0xb8;
	[tilespmem:$0x1CB00] =	vst v63  }
0x15c: {  	_ =	swait.ge @p0 [sflag:s13], $0x800  }
0x15d: {  	[sflag:s13] =	ssyncset.done @p0 $0x0  }
0x15e: {  	[sflag:s13] =	ssyncadd.s32 @p0 $0xFFFFF800;
	s13 =	simm.s32 @p0 $0xA  }
0x15f: {  	_ =	swait.ge @p0 [sflag:s13], $0x800  }
0x160: {  	[sflag:s13] =	ssyncset.done @p0 $0x0  }
0x161: {  	s18 =	sshra.s32 @p0 s1, $0x2;
	[sflag:s13] =	ssyncadd.s32 @p0 $0xFFFFF800  }
0x162: {  	v2 =	vld @p0 [tilespmem:s18+$0x27B0];
	_ =	sdelay $0x6  }
0x163: {  	vm2 =	vmmov @p0 $0xffff;
	s5 =	simm.s32 @p0 $0x6700  }
0x164: {  	[spmem:s2] =	stream.indirect_vreg.scatter.add.f32 @p0 [tilespmem:s5], [sflag:$0xA], $0x80, v2, vm2, $0xb8;
	[tilespmem:$0x1CB00] =	vst v63  }
0x165: {  	s5 =	sshra.s32 @!p0 s1, $0x2  }
0x166: {  	v2 =	vld @!p0 [tilespmem:s5+$0x80];
	_ =	sdelay $0x6  }
0x167: {  	vm1 =	vmmov @!p0 $0xffff;
	s6 =	simm.s32 @!p0 $0x0;
	s9 =	simm.s32 @!p0 $0x4F00  }
0x168: {  	[tilespmem:s9], [sflag:$0x1] =	stream.indirect_vreg.gather @!p0 [hbm4b:s4+s6], $0x80, v2, vm1, $0xb8;
	[tilespmem:$0x1CB00] =	vst v63  }
0x169: {  	s9 =	simm.s32 @!p0 $0x4  }
0x16a: {  	_ =	swait.ge @!p0 [sflag:s9], $0x800  }
0x16b: {  	[sflag:s9] =	ssyncset.done @!p0 $0x0  }
0x16c: {  	[sflag:s9] =	ssyncadd.s32 @!p0 $0xFFFFF800;
	s9 =	simm.s32 @!p0 $0xA  }
0x16d: {  	_ =	swait.ge @!p0 [sflag:s9], $0x800  }
0x16e: {  	[sflag:s9] =	ssyncset.done @!p0 $0x0  }
0x16f: {  	[sflag:s9] =	ssyncadd.s32 @!p0 $0xFFFFF800  }
0x170: {  	v2 =	vld @!p0 [tilespmem:s5+$0x27B0];
	_ =	sdelay $0x6  }
0x171: {  	s10 =	simm.s32 @!p0 $0x6700  }
0x172: {  	[spmem:s2] =	stream.indirect_vreg.scatter.add.f32 @!p0 [tilespmem:s10], [sflag:$0xA], $0x80, v2, vm1, $0xb8;
	[tilespmem:$0x1CB00] =	vst v63  }
0x173: {  	v2 =	vld @!p0 [tilespmem:s5+$0x90];
	_ =	sdelay $0x6  }
0x174: {  	s8 =	simm.s32 @!p0 $0x5700  }
0x175: {  	[tilespmem:s8], [sflag:$0x2] =	stream.indirect_vreg.gather @!p0 [hbm4b:s4+s6], $0x80, v2, vm1, $0xb8;
	[tilespmem:$0x1CB00] =	vst v63  }
0x176: {  	_ =	swait.ge [sflag:s28], $0x800  }
0x177: {  	[sflag:s28] =	ssyncset.done $0x0  }
0x178: {  	[sflag:s28] =	ssyncadd.s32 $0xFFFFF800  }
0x179: {  	_ =	swait.ge [sflag:s23], $0x800  }
0x17a: {  	[sflag:s23] =	ssyncset.done $0x0  }
0x17b: {  	[sflag:s23] =	ssyncadd.s32 $0xFFFFF800  }
0x17c: {  	v2 =	vld [tilespmem:s0+$0x27C0];
	_ =	sdelay $0x6  }
0x17d: {  	s8 =	simm.s32 @p0 $0x6  }
0x17e: {  	[spmem:s2] =	stream.indirect_vreg.scatter.add.f32 [tilespmem:s19], [sflag:$0x9], $0x80, v2, vm0, $0xb8;
	[tilespmem:$0x1CB00] =	vst v63  }
0x17f: {  	_ =	swait.ge @p0 [sflag:s8], $0x800  }
0x180: {  	[sflag:s8] =	ssyncset.done @p0 $0x0  }
0x181: {  	[sflag:s8] =	ssyncadd.s32 @p0 $0xFFFFF800  }
0x182: {  	_ =	swait.ge @p0 [sflag:s13], $0x800  }
0x183: {  	[sflag:s13] =	ssyncset.done @p0 $0x0  }
0x184: {  	[sflag:s13] =	ssyncadd.s32 @p0 $0xFFFFF800  }
0x185: {  	v2 =	vld @p0 [tilespmem:s18+$0x27D0];
	_ =	sdelay $0x6  }
0x186: {  	s8 =	simm.s32 @p0 $0x7700  }
0x187: {  	[spmem:s2] =	stream.indirect_vreg.scatter.add.f32 @p0 [tilespmem:s8], [sflag:$0xA], $0x80, v2, vm2, $0xb8;
	[tilespmem:$0x1CB00] =	vst v63  }
0x188: {  	v2 =	vld @!p0 [tilespmem:s5+$0xA0];
	_ =	sdelay $0x6  }
0x189: {  	s8 =	simm.s32 @!p0 $0x5F00  }
0x18a: {  	[tilespmem:s8], [sflag:$0x3] =	stream.indirect_vreg.gather @!p0 [hbm4b:s4+s6], $0x80, v2, vm1, $0xb8;
	[tilespmem:$0x1CB00] =	vst v63  }
0x18b: {  	s8 =	simm.s32 @!p0 $0x6  }
0x18c: {  	_ =	swait.ge @!p0 [sflag:s8], $0x800  }
0x18d: {  	[sflag:s8] =	ssyncset.done @!p0 $0x0  }
0x18e: {  	[sflag:s8] =	ssyncadd.s32 @!p0 $0xFFFFF800  }
0x18f: {  	_ =	swait.ge @!p0 [sflag:s9], $0x800  }
0x190: {  	[sflag:s9] =	ssyncset.done @!p0 $0x0  }
0x191: {  	[sflag:s9] =	ssyncadd.s32 @!p0 $0xFFFFF800  }
0x192: {  	v2 =	vld @!p0 [tilespmem:s5+$0x27D0];
	_ =	sdelay $0x6  }
0x193: {  	s8 =	simm.s32 @!p0 $0x7700  }
0x194: {  	[spmem:s2] =	stream.indirect_vreg.scatter.add.f32 @!p0 [tilespmem:s8], [sflag:$0xA], $0x80, v2, vm1, $0xb8;
	[tilespmem:$0x1CB00] =	vst v63  }
0x195: {  	v2 =	vld @!p0 [tilespmem:s5+$0xB0];
	_ =	sdelay $0x7  }
0x196: {  	[tilespmem:s10], [sflag:$0x4] =	stream.indirect_vreg.gather @!p0 [hbm4b:s4+s6], $0x80, v2, vm1, $0xb8;
	[tilespmem:$0x1CB00] =	vst v63  }
0x197: {  	_ =	swait.ge [sflag:s29], $0x800  }
0x198: {  	[sflag:s29] =	ssyncset.done $0x0  }
0x199: {  	[sflag:s29] =	ssyncadd.s32 $0xFFFFF800  }
0x19a: {  	_ =	swait.ge [sflag:s23], $0x800  }
0x19b: {  	[sflag:s23] =	ssyncset.done $0x0  }
0x19c: {  	[sflag:s23] =	ssyncadd.s32 $0xFFFFF800  }
0x19d: {  	v2 =	vld [tilespmem:s0+$0x27E0];
	_ =	sdelay $0x3  }
.Ltmp1:
0x19e: {  	_ = 	snop;
	(pc) =	sbr.rel @p0 .LBB2_6-.Ltmp1, $2  }
0x19f: {  	_ =	sdelay $0x2  }
0x1a0: {  	[spmem:s2] =	stream.indirect_vreg.scatter.add.f32 [tilespmem:s14], [sflag:$0x9], $0x80, v2, vm0, $0xb8;
	[tilespmem:$0x1CB00] =	vst v63  }
0x1a1: {  	v2 =	vld [tilespmem:s0+$0xC0];
	_ =	sdelay $0x7  }
0x1a2: {  	[tilespmem:s19], [sflag:$0x5] =	stream.indirect_vreg.gather [hbm4b:s4+s3], $0x80, v2, vm0, $0xb8;
	[tilespmem:$0x1CB00] =	vst v63  }
0x1a3: {  	_ =	swait.ge [sflag:s30], $0x800  }
0x1a4: {  	[sflag:s30] =	ssyncset.done $0x0  }
0x1a5: {  	[sflag:s30] =	ssyncadd.s32 $0xFFFFF800  }
0x1a6: {  	_ =	swait.ge [sflag:s25], $0x800  }
0x1a7: {  	[sflag:s25] =	ssyncset.done $0x0  }
0x1a8: {  	[sflag:s25] =	ssyncadd.s32 $0xFFFFF800  }
0x1a9: {  	v2 =	vld [tilespmem:s0+$0x27F0];
	_ =	sdelay $0x7  }
0x1aa: {  	[spmem:s2] =	stream.indirect_vreg.scatter.add.f32 [tilespmem:s21], [sflag:$0xA], $0x80, v2, vm0, $0xb8;
	[tilespmem:$0x1CB00] =	vst v63  }
0x1ab: {  	v2 =	vld [tilespmem:s0+$0xD0];
	_ =	sdelay $0x3  }
.Ltmp2:
0x1ac: {  	_ = 	snop;
	(pc) =	sbr.rel .LBB2_4-.Ltmp2, $3  }
0x1ad: {  	_ =	sdelay $0x1  }
0x1ae: {  	s1 =	sadd.s32 $0x200, s1  }
0x1af: {  	[tilespmem:s20], [sflag:$0x6] =	stream.indirect_vreg.gather [hbm4b:s4+s3], $0x80, v2, vm0, $0xb8;
	[tilespmem:$0x1CB00] =	vst v63  }
.LBB2_6:
0x1b0: {  	_ =	swait.ge [sflag:s30], $0x800  }
0x1b1: {  	[sflag:s30] =	ssyncset.done $0x0  }
0x1b2: {  	[sflag:s30] =	ssyncadd.s32 $0xFFFFF800  }
0x1b3: {  	_ =	swait.ge [sflag:s25], $0x800  }
0x1b4: {  	[sflag:s25] =	ssyncset.done $0x0  }
0x1b5: {  	[sflag:s25] =	ssyncadd.s32 $0xFFFFF800  }
0x1b6: {  	v2 =	vld [tilespmem:$0x4EF0];
	_ =	sdelay $0x7  }
0x1b7: {  	[spmem:s2] =	stream.indirect_vreg.scatter.add.f32 [tilespmem:s21], [sflag:$0xA], $0x80, v2, vm0, $0xb8;
	[tilespmem:$0x1CB00] =	vst v63  }
0x1b8: {  	_ =	swait.ge [sflag:s23], $0x800  }
0x1b9: {  	[sflag:s23] =	ssyncset.done $0x0  }
0x1ba: {  	[sflag:s23] =	ssyncadd.s32 $0xFFFFF800  }
0x1bb: {  	_ =	swait.ge [sflag:s25], $0x800  }
0x1bc: {  	[sflag:s25] =	ssyncset.done $0x0  }
0x1bd: {  	[sflag:s25] =	ssyncadd.s32 $0xFFFFF800  }
0x1be: {  	[bflag:$0x0] =	sbarrier.arrive $0xFFFF  }
0x1bf: {  	[tilespmem:s15], [sflag:$0xB] =	stream.linear.gather [spmem:s7], $0x800, $0x38;
	[tilespmem:$0x1CB00] =	vst v63  }
0x1c0: {  	_ =	swait.ge [sflag:s12], $0x800  }
0x1c1: {  	[sflag:s12] =	ssyncset.done $0x0  }
0x1c2: {  	s0 =	sadd.s32 $0x0, s11;
	[sflag:s12] =	ssyncadd.s32 $0xFFFFF800  }
0x1c3: {  	[hbm4b:s0+s3] =	stream.linear.scatter [tilespmem:s15], [sflag:$0xB], $0x800, $0x38;
	[tilespmem:$0x1CB00] =	vst v63  }
0x1c4: {  	_ =	swait.ge [sflag:s12], $0x800  }
0x1c5: {  	s1 =	smov.u32 s7;
	s0 =	simm.s32 $0x100;
	[sflag:s12] =	ssyncset.done $0x0  }
.LBB2_7:
0x1c6: {  	p0 =	sne.s32 s0, $0x2600;
	[sflag:s12] =	ssyncadd.s32 $0xFFFFF800;
	s1 =	sadd.s32 $0x800, s1  }
0x1c7: {  	[tilespmem:s15], [sflag:$0xB] =	stream.linear.gather [spmem:s1], $0x800, $0x38;
	[tilespmem:$0x1CB00] =	vst v63  }
0x1c8: {  	s5 =	smov.u32 s0;
	s0 =	sadd.s32 $0x100, s0;
	_ =	swait.ge [sflag:s12], $0x800  }
.Ltmp3:
0x1c9: {  	[sflag:s12] =	ssyncset.done $0x0;
	(pc) =	sbr.rel @p0 .LBB2_7-.Ltmp3, $4  }
0x1ca: {  	s5 =	sadd.s32 s5, s11;
	[sflag:s12] =	ssyncadd.s32 $0xFFFFF800  }
0x1cb: {  	[hbm4b:s5+s3] =	stream.linear.scatter [tilespmem:s15], [sflag:$0xB], $0x800, $0x38;
	[tilespmem:$0x1CB00] =	vst v63  }
0x1cc: {  	_ =	swait.ge [sflag:s12], $0x800  }
0x1cd: {  	[sflag:s12] =	ssyncset.done $0x0  }
0x1ce: {  	[sflag:s12] =	ssyncadd.s32 $0xFFFFF800;
	s5 =	rddreg [dreg:$0x6]  }
0x1cf: {  	[tilespmem:s15], [sflag:$0xB] =	stream.linear.gather [spmem:s5], $0x400, $0x38;
	[tilespmem:$0x1CB00] =	vst v63  }
0x1d0: {  	_ =	swait.ge [sflag:s12], $0x400  }
0x1d1: {  	[sflag:s12] =	ssyncset.done $0x0  }
0x1d2: {  	s0 =	rddreg [dreg:$0x7];
	[sflag:s12] =	ssyncadd.s32 $0xFFFFFC00  }
0x1d3: {  	[hbm4b:s0+s3] =	stream.linear.scatter [tilespmem:s15], [sflag:$0xB], $0x400, $0x38;
	[tilespmem:$0x1CB00] =	vst v63  }
0x1d4: {  	_ =	swait.ge [sflag:s12], $0x400  }
0x1d5: {  	s31 =	sadd.s32 $0x1, s31;
	s18 =	rddreg [dreg:$0x8]  }
0x1d6: {  	p0 =	sne.s32 s31, s18  }
.Ltmp4:
0x1d7: {  	_ = 	snop;
	(pc) =	sbr.rel @p0 .LBB2_1-.Ltmp4, $3  }
0x1d8: {  	_ =	sdelay $0x1  }
0x1d9: {  	[sflag:s12] =	ssyncset.done $0x0  }
0x1da: {  	[sflag:s12] =	ssyncadd.s32 $0xFFFFFC00  }
0x1db: {  	_ =	sfence.sel $0x180000  }
0x1dc: {  	[bflag:$0x0] =	sbarrier.arrive $0xFFFF  }
0x1dd: {  	_ =	strace $0x90000047  }
0x1de: {  	s0 =	stileid.u32;
	[bflag:$0x2] =	sbarrier.arrive $0xFFFF  }
0x1df: {  	p0 =	sne.s32 s0, $0x0;
	s0 =	rddreg [dreg:$0x3]  }
0x1e0: {  	s0 =	sadd.s32 @!p0 $0x100000, s0  }
0x1e1: {  	[sflag:s0] =	ssyncadd.tile.s32 @!p0 $0x1;
	_ =	shalt  }
.Lfunc_end2:
_tile_overlayer_lowered:
.L_overlay_start_2:
0x1e2: {  	(tag) =	ssettag $0x2  }
0x1e3: {  	s0 =	rddreg [dreg:$0x0];
	s2 =	stileid.u32  }
0x1e4: {  	s1 =	rddreg [dreg:$0x1];
	p0 =	sne.s32 s2, $0x0  }
0x1e5: {  	s3 =	rddreg [dreg:$0x2];
	[bflag:$0x3] =	sbarrier.arrive $0xFFFF;
	s2 =	simm.s32 @!p0 $0x1C0B  }
0x1e6: {  	[timem:s3], [sflag:s2] =	dma.local @!p0 [hbm:s0], s1  }
0x1e7: {  	s0 =	simm.s32 @!p0 $0xB  }
0x1e8: {  	_ =	swait.ge @!p0 [sflag:s0], s1  }
0x1e9: {  	s1 =	ssub.s32 @!p0 $0x0, s1;
	[sflag:s0] =	ssyncset.done @!p0 $0x0  }
0x1ea: {  	[sflag:s0] =	ssyncadd.s32 @!p0 s1  }
0x1eb: {  	[bflag:$0x3] =	sbarrier.arrive $0xFFFF  }
0x1ec: {  	_ =	shalt  }

</sc_bundles>
